<compile_context>
chip_gen: v7x
topology: tpu7x:2x2x1
jax: 0.10.2.dev20260603
libtpu: 0.0.44.dev20260713+nightly
codegen_flags: <defaults>
</compile_context>

<pallas_src>
import functools

import jax
import jax.numpy as jnp
from jax import lax
from jax.experimental import pallas as pl
from jax.experimental.pallas import tpu as pltpu
from jax.experimental.pallas import tpu_sc as plsc

N = 10000
E = 320000
D_IN = 128
HID = 256
NUM_GENRES = 64
GENRE_DIM = 32
MAX_GENRES = 5

R = 10240
CH = 128
TCH = 160
EP = 16 * TCH * CH
RT = R // 16
BM = 2000
GRID = N // BM


RING = 32
SUP = TCH // RING


def _make_sc_agg():
    mesh = plsc.VectorSubcoreMesh(core_axis_name="c", subcore_axis_name="s",
                                  num_cores=2, num_subcores=16)
    out_type = jax.ShapeDtypeStruct((2, R, 128), jnp.float32)
    scratch = [
        pltpu.VMEM((RING, CH), jnp.int32),
        pltpu.VMEM((RING, CH), jnp.int32),
        pltpu.VMEM((2, CH, 128), jnp.float32),
        pltpu.VMEM_SHARED((R, 128), jnp.float32),
        pltpu.SemaphoreType.DMA,
        pltpu.SemaphoreType.DMA,
    ]

    @functools.partial(pl.kernel, out_type=out_type, mesh=mesh,
                       scratch_types=scratch)
    def k(hlo, hhi, src2, dst2, acc_out, src_v, dst_v, rows_v, acc_sh,
          sem0, sem1):
        cid = lax.axis_index("c")
        tid = lax.axis_index("s")
        zero16 = jnp.zeros((16,), jnp.float32)

        def zrow(i, c):
            for kk in range(8):
                rows_v[0, i, pl.ds(kk * 16, 16)] = zero16
            return c
        lax.fori_loop(0, CH, zrow, 0)
        for b5 in range(RT // CH):
            pltpu.sync_copy(rows_v.at[0],
                            acc_sh.at[pl.ds(tid * RT + b5 * CH, CH)])
        plsc.subcore_barrier()

        sems = (sem0, sem1)

        def gather_start(j, b):
            @pl.when(cid == 0)
            def _():
                pltpu.async_copy(hlo.at[src_v.at[j]], rows_v.at[b], sems[b])
            @pl.when(cid == 1)
            def _():
                pltpu.async_copy(hhi.at[src_v.at[j]], rows_v.at[b], sems[b])

        def gather_wait(b):
            pltpu.make_async_copy(hlo.at[src_v.at[0]], rows_v.at[b],
                                  sems[b]).wait()

        def scat(j, b):
            pltpu.sync_copy(rows_v.at[b], acc_sh.at[dst_v.at[j]], add=True)

        def sup_body(s, c):
            base = tid * TCH + s * RING
            pltpu.sync_copy(src2.at[pl.ds(base, RING)], src_v)
            pltpu.sync_copy(dst2.at[pl.ds(base, RING)], dst_v)
            gather_start(0, 0)

            def lp(jj, c2):
                a = jj * 2
                gather_wait(0)
                gather_start(a + 1, 1)
                scat(a, 0)
                gather_wait(1)
                @pl.when(jj < RING // 2 - 1)
                def _():
                    gather_start(a + 2, 0)
                scat(a + 1, 1)
                return c2
            lax.fori_loop(0, RING // 2, lp, 0)
            return c
        lax.fori_loop(0, SUP, sup_body, 0)
        plsc.subcore_barrier()

        pltpu.sync_copy(acc_sh.at[pl.ds(tid * RT, RT)],
                        acc_out.at[cid].at[pl.ds(tid * RT, RT)])

    return k


def _make_sc_deg():
    mesh = plsc.VectorSubcoreMesh(core_axis_name="c", subcore_axis_name="s",
                                  num_cores=2, num_subcores=16)
    out_type = jax.ShapeDtypeStruct((2, R, 16), jnp.float32)
    ROWS_W = (16 * TCH) // 32
    RING_D = 16
    scratch = [
        pltpu.VMEM((RING_D, CH), jnp.int32),
        pltpu.VMEM((CH, 16), jnp.float32),
        pltpu.VMEM((CH, 16), jnp.float32),
        pltpu.VMEM_SHARED((R, 16), jnp.float32),
    ]

    @functools.partial(pl.kernel, out_type=out_type, mesh=mesh,
                       scratch_types=scratch)
    def k(dst2, e0z, deg_out, dst_v, ones_v, zer_v, deg_sh):
        cid = lax.axis_index("c")
        tid = lax.axis_index("s")
        pltpu.sync_copy(e0z.at[0], ones_v)
        pltpu.sync_copy(e0z.at[1], zer_v)
        for b5 in range(RT // CH):
            pltpu.sync_copy(zer_v, deg_sh.at[pl.ds(tid * RT + b5 * CH, CH)])
        plsc.subcore_barrier()

        def sup_body(s, c):
            base = (cid * 16 + tid) * ROWS_W + s * RING_D
            pltpu.sync_copy(dst2.at[pl.ds(base, RING_D)], dst_v)

            def lp(j, c2):
                pltpu.sync_copy(ones_v, deg_sh.at[dst_v.at[j]], add=True)
                return c2
            lax.fori_loop(0, RING_D, lp, 0)
            return c
        lax.fori_loop(0, ROWS_W // RING_D, sup_body, 0)
        plsc.subcore_barrier()

        pltpu.sync_copy(deg_sh.at[pl.ds(tid * RT, RT)],
                        deg_out.at[cid].at[pl.ds(tid * RT, RT)])

    return k


@functools.cache
def _get_sc_agg():
    return _make_sc_agg()


@functools.cache
def _get_sc_deg():
    return _make_sc_deg()


def _pre_body(x_ref, gid_ref, gmask_ref, gemb_ref, w_ref, b_ref,
              lo_ref, hi_ref):
    ids = gid_ref[...]
    mask = gmask_ref[...]
    giota = lax.broadcasted_iota(jnp.int32, (1, NUM_GENRES), 1)
    counts = jnp.zeros((BM, NUM_GENRES), jnp.float32)
    for g in range(MAX_GENRES):
        onehot = (ids[:, g:g + 1] == giota).astype(jnp.float32)
        counts = counts + onehot * mask[:, g:g + 1]
    denom = jnp.clip(jnp.sum(mask, axis=1, keepdims=True), 1e-8, None)
    pooled = jnp.dot(counts, gemb_ref[...],
                     preferred_element_type=jnp.float32) / denom
    h = (jnp.dot(x_ref[...], w_ref[:D_IN, :],
                 preferred_element_type=jnp.float32)
         + jnp.dot(pooled, w_ref[D_IN:, :],
                   preferred_element_type=jnp.float32)
         + b_ref[...])
    h = jnp.maximum(h, 0.0)
    lo_ref[...] = h[:, :128]
    hi_ref[...] = h[:, 128:]


def _pre_call(x, gid, gmask, gemb, w, b):
    return pl.pallas_call(
        _pre_body,
        grid=(GRID,),
        in_specs=[
            pl.BlockSpec((BM, D_IN), lambda i: (i, 0)),
            pl.BlockSpec((BM, MAX_GENRES), lambda i: (i, 0)),
            pl.BlockSpec((BM, MAX_GENRES), lambda i: (i, 0)),
            pl.BlockSpec((NUM_GENRES, GENRE_DIM), lambda i: (0, 0)),
            pl.BlockSpec((D_IN + GENRE_DIM, HID), lambda i: (0, 0)),
            pl.BlockSpec((1, HID), lambda i: (0, 0)),
        ],
        out_specs=[
            pl.BlockSpec((BM, 128), lambda i: (i, 0)),
            pl.BlockSpec((BM, 128), lambda i: (i, 0)),
        ],
        out_shape=[
            jax.ShapeDtypeStruct((N, 128), jnp.float32),
            jax.ShapeDtypeStruct((N, 128), jnp.float32),
        ],
    )(x, gid, gmask, gemb, w, b.reshape(1, HID))


def _layer_body(head, acc_ref, degp_ref, lo_ref, hi_ref, llw_ref, llb_ref,
                lrw_ref, g_ref, b_ref, rm_ref, rv_ref, *rest):
    if head:
        h1w_ref, h1b_ref, h2w_ref, h2b_ref, out_ref = rest
    else:
        olo_ref, ohi_ref = rest
    deg = jnp.maximum(jnp.sum(degp_ref[0] + degp_ref[1], axis=1), 1.0)
    inv = (1.0 / deg)[:, None]
    a_lo = acc_ref[0] * inv
    a_hi = acc_ref[1] * inv
    lo = lo_ref[...]
    hi = hi_ref[...]
    z = (jnp.dot(a_lo, llw_ref[:128, :], preferred_element_type=jnp.float32)
         + jnp.dot(a_hi, llw_ref[128:, :], preferred_element_type=jnp.float32)
         + jnp.dot(lo, lrw_ref[:128, :], preferred_element_type=jnp.float32)
         + jnp.dot(hi, lrw_ref[128:, :], preferred_element_type=jnp.float32)
         + llb_ref[...])
    scale = g_ref[...] / jnp.sqrt(rv_ref[...] + 1e-5)
    z = (z - rm_ref[...]) * scale + b_ref[...]
    z = jnp.maximum(z, 0.0)
    z_lo = z[:, :128] + lo
    z_hi = z[:, 128:] + hi
    if head:
        t = (jnp.dot(z_lo, h1w_ref[:128, :], preferred_element_type=jnp.float32)
             + jnp.dot(z_hi, h1w_ref[128:, :], preferred_element_type=jnp.float32)
             + h1b_ref[...])
        t = jnp.maximum(t, 0.0)
        o = jnp.dot(t, h2w_ref[...], preferred_element_type=jnp.float32) \
            + h2b_ref[...]
        out_ref[...] = 1.0 + 9.0 * jax.nn.sigmoid(o)
    else:
        olo_ref[...] = z_lo
        ohi_ref[...] = z_hi


def _layer_call(head, acc, degp, lo, hi, llw, llb, lrw, g, b, rm, rv,
                *head_args):
    in_specs = [
        pl.BlockSpec((2, BM, 128), lambda i: (0, i, 0)),
        pl.BlockSpec((2, BM, 16), lambda i: (0, i, 0)),
        pl.BlockSpec((BM, 128), lambda i: (i, 0)),
        pl.BlockSpec((BM, 128), lambda i: (i, 0)),
        pl.BlockSpec((HID, HID), lambda i: (0, 0)),
        pl.BlockSpec((1, HID), lambda i: (0, 0)),
        pl.BlockSpec((HID, HID), lambda i: (0, 0)),
        pl.BlockSpec((1, HID), lambda i: (0, 0)),
        pl.BlockSpec((1, HID), lambda i: (0, 0)),
        pl.BlockSpec((1, HID), lambda i: (0, 0)),
        pl.BlockSpec((1, HID), lambda i: (0, 0)),
    ]
    args = [acc, degp, lo, hi, llw, llb.reshape(1, HID), lrw,
            g.reshape(1, HID), b.reshape(1, HID), rm.reshape(1, HID),
            rv.reshape(1, HID)]
    if head:
        h1w, h1b, h2w, h2b = head_args
        in_specs += [
            pl.BlockSpec((HID, HID // 2), lambda i: (0, 0)),
            pl.BlockSpec((1, HID // 2), lambda i: (0, 0)),
            pl.BlockSpec((HID // 2, 1), lambda i: (0, 0)),
            pl.BlockSpec((1, 1), lambda i: (0, 0)),
        ]
        args += [h1w, h1b.reshape(1, HID // 2), h2w, h2b.reshape(1, 1)]
        out_specs = pl.BlockSpec((BM, 1), lambda i: (i, 0))
        out_shape = jax.ShapeDtypeStruct((N, 1), jnp.float32)
    else:
        out_specs = [
            pl.BlockSpec((BM, 128), lambda i: (i, 0)),
            pl.BlockSpec((BM, 128), lambda i: (i, 0)),
        ]
        out_shape = [
            jax.ShapeDtypeStruct((N, 128), jnp.float32),
            jax.ShapeDtypeStruct((N, 128), jnp.float32),
        ]
    return pl.pallas_call(
        functools.partial(_layer_body, head),
        grid=(GRID,),
        in_specs=in_specs,
        out_specs=out_specs,
        out_shape=out_shape,
    )(*args)


def kernel(x, edge_index, genre_ids, genre_mask, genre_embed_w, in_proj_w,
           in_proj_b, c0_ll_w, c0_ll_b, c0_lr_w, c1_ll_w, c1_ll_b, c1_lr_w,
           bn0_g, bn0_b, bn0_rm, bn0_rv, bn1_g, bn1_b, bn1_rm, bn1_rv,
           h1_w, h1_b, h2_w, h2_b):
    src = edge_index[0]
    dst = edge_index[1]
    pad = EP - E
    src2 = jnp.concatenate([src, jnp.zeros((pad,), jnp.int32)])
    dst2 = jnp.concatenate([dst, jnp.full((pad,), N, jnp.int32)])
    src2 = src2.reshape(16 * TCH, CH)
    dst2 = dst2.reshape(16 * TCH, CH)

    e0z = jnp.zeros((2, CH, 16), jnp.float32).at[0, :, 0].set(1.0)
    degp = _get_sc_deg()(dst2, e0z)
    hlo, hhi = _pre_call(x, genre_ids, genre_mask, genre_embed_w,
                         in_proj_w, in_proj_b)
    acc0 = _get_sc_agg()(hlo, hhi, src2, dst2)
    h1lo, h1hi = _layer_call(False, acc0, degp, hlo, hhi, c0_ll_w, c0_ll_b,
                             c0_lr_w, bn0_g, bn0_b, bn0_rm, bn0_rv)
    acc1 = _get_sc_agg()(h1lo, h1hi, src2, dst2)
    out = _layer_call(True, acc1, degp, h1lo, h1hi, c1_ll_w, c1_ll_b,
                      c1_lr_w, bn1_g, bn1_b, bn1_rm, bn1_rv,
                      h1_w, h1_b, h2_w, h2_b)
    return out

# --- scband reference (transcript-rebuilt; emitter-appended) ---
"""Pipeline reference for scband-anime-gnn-20186346291720 (READ-ONLY COPY).

The authoritative reference and input builder live on the scoring server;
editing this copy changes nothing except your own understanding.
"""

import jax, jax.numpy as jnp
import numpy as np

N = 10000
E = 320000
D_IN = 128
HID = 256
NUM_GENRES = 64
GENRE_DIM = 32
MAX_GENRES = 5


def setup_inputs(seed: int = 0):
    key = jax.random.key(seed)
    ks = jax.random.split(key, 16)

    def lin_w(k, fi, fo):
        return jax.random.normal(k, (fi, fo), dtype=jnp.float32) * np.sqrt(2.0 / fi)

    inp = {}
    inp["x"] = jax.random.normal(ks[0], (N, D_IN), dtype=jnp.float32)
    inp["edge_index"] = jax.random.randint(ks[1], (2, E), 0, N, dtype=jnp.int32)
    inp["genre_ids"] = jax.random.randint(ks[2], (N, MAX_GENRES), 0, NUM_GENRES, dtype=jnp.int32)
    inp["genre_mask"] = jnp.ones((N, MAX_GENRES), dtype=jnp.float32)
    inp["genre_embed_w"] = jax.random.normal(ks[3], (NUM_GENRES, GENRE_DIM), dtype=jnp.float32) * 0.02
    inp["in_proj_w"] = lin_w(ks[4], D_IN + GENRE_DIM, HID)
    inp["in_proj_b"] = jnp.zeros((HID,), dtype=jnp.float32)
    inp["c0_ll_w"] = lin_w(ks[5], HID, HID)
    inp["c0_ll_b"] = jnp.zeros((HID,), dtype=jnp.float32)
    inp["c0_lr_w"] = lin_w(ks[6], HID, HID)
    inp["c1_ll_w"] = lin_w(ks[7], HID, HID)
    inp["c1_ll_b"] = jnp.zeros((HID,), dtype=jnp.float32)
    inp["c1_lr_w"] = lin_w(ks[8], HID, HID)
    for i in range(2):
        inp["bn%d_g" % i] = jnp.ones((HID,), dtype=jnp.float32)
        inp["bn%d_b" % i] = jnp.zeros((HID,), dtype=jnp.float32)
        inp["bn%d_rm" % i] = jnp.zeros((HID,), dtype=jnp.float32)
        inp["bn%d_rv" % i] = jnp.ones((HID,), dtype=jnp.float32)
    inp["h1_w"] = lin_w(ks[9], HID, HID // 2)
    inp["h1_b"] = jnp.zeros((HID // 2,), dtype=jnp.float32)
    inp["h2_w"] = lin_w(ks[10], HID // 2, 1)
    inp["h2_b"] = jnp.zeros((1,), dtype=jnp.float32)
    return inp


def _forward(x, genre_mask, genre_embed_w, in_proj_w, in_proj_b, c0_ll_w, c0_ll_b, c0_lr_w, c1_ll_w, c1_ll_b, c1_lr_w, bn0_g, bn0_b, bn0_rm, bn0_rv, bn1_g, bn1_b, bn1_rm, bn1_rv, h1_w, h1_b, h2_w, h2_b, edge_index, genre_ids):
    n = x.shape[0]
    # genre embedding lookup + masked mean pooling
    ge = jnp.take(genre_embed_w, genre_ids, axis=0)
    masked = ge * genre_mask[..., None]
    denom = jnp.clip(jnp.sum(genre_mask, axis=1, keepdims=True), 1e-8, None)
    pooled = jnp.sum(masked, axis=1) / denom
    h = jnp.concatenate([x, pooled], axis=1)
    h = jax.nn.relu(h @ in_proj_w + in_proj_b)
    src = edge_index[0]
    dst = edge_index[1]
    deg = jnp.clip(jax.ops.segment_sum(jnp.ones((src.shape[0],), dtype=h.dtype), dst, num_segments=n), 1.0, None)[:, None]
    layers = [(c0_ll_w, c0_ll_b, c0_lr_w, bn0_g, bn0_b, bn0_rm, bn0_rv), (c1_ll_w, c1_ll_b, c1_lr_w, bn1_g, bn1_b, bn1_rm, bn1_rv)]
    for (ll_w, ll_b, lr_w, g, b, rm, rv) in layers:
        res = h
        # SAGEConv (mean aggregation): lin_l(mean_neighbors) + lin_r(self)
        agg = jax.ops.segment_sum(jnp.take(h, src, axis=0), dst, num_segments=n) / deg
        h = agg @ ll_w + ll_b + h @ lr_w
        # BatchNorm1d in eval mode
        h = (h - rm) / jnp.sqrt(rv + 1e-5) * g + b
        h = jax.nn.relu(h)
        h = h + res  # residual (dims match: 256 == 256)
    out = jax.nn.relu(h @ h1_w + h1_b) @ h2_w + h2_b
    out = jax.nn.sigmoid(out)
    return 1.0 + (10.0 - 1.0) * out


def reference(x, edge_index, genre_ids, genre_mask, genre_embed_w, in_proj_w, in_proj_b, c0_ll_w, c0_ll_b, c0_lr_w, c1_ll_w, c1_ll_b, c1_lr_w, bn0_g, bn0_b, bn0_rm, bn0_rv, bn1_g, bn1_b, bn1_rm, bn1_rv, h1_w, h1_b, h2_w, h2_b):
    return _forward(x, genre_mask, genre_embed_w, in_proj_w, in_proj_b, c0_ll_w, c0_ll_b, c0_lr_w, c1_ll_w, c1_ll_b, c1_lr_w, bn0_g, bn0_b, bn0_rm, bn0_rv, bn1_g, bn1_b, bn1_rm, bn1_rv, h1_w, h1_b, h2_w, h2_b, edge_index, genre_ids)

if __name__ == "__main__":
    import jax
    _d = setup_inputs()
    print(jax.jit(kernel)(*tuple(_d.values())))

</pallas_src>

<mosaic_0001>
#map = affine_map<(d0, d1) -> (0, 0)>
#map1 = affine_map<(d0, d1) -> (0, 0, 0)>
module attributes {stable_mosaic.version = 14 : i64} {
  func.func @k(%arg0: i32, %arg1: i32, %arg2: memref<10000x128xf32, #tpu.memory_space<hbm>>, %arg3: memref<10000x128xf32, #tpu.memory_space<hbm>>, %arg4: memref<2560x128xi32, #tpu.memory_space<hbm>>, %arg5: memref<2560x128xi32, #tpu.memory_space<hbm>>, %arg6: memref<2x10240x128xf32, #tpu.memory_space<hbm>>, %arg7: memref<32x128xi32, #tpu.memory_space<vmem>>, %arg8: memref<32x128xi32, #tpu.memory_space<vmem>>, %arg9: memref<2x128x128xf32, #tpu.memory_space<vmem>>, %arg10: memref<10240x128xf32, #tpu.memory_space<vmem_shared>>, %arg11: memref<!tpu.dma_semaphore, #tpu.memory_space<semaphore_mem>>, %arg12: memref<!tpu.dma_semaphore, #tpu.memory_space<semaphore_mem>>) attributes {dimension_semantics = [#tpu.dimension_semantics<core_parallel>, #tpu.dimension_semantics<subcore_parallel>], iteration_bounds = array<i64: 2, 16>, scalar_prefetch = 0 : i64, scratch_operands = 6 : i64, tpu.core_type = #tpu.core_type<sc_vector_subcore>, window_params = [{transform_indices = #map}, {transform_indices = #map}, {transform_indices = #map}, {transform_indices = #map}, {transform_indices = #map1}]} {
    %broadcast_in_dim3A = arith.constant 0.000000e+00 : f32
    %broadcast_in_dim3A_0 = vector.broadcast %broadcast_in_dim3A : f32 to vector<16xf32>
    %scan3A = arith.constant 0 : i32
    %scan3A_1 = arith.constant 0 : i32
    %scan3A_2 = arith.constant 128 : i32
    %scan3A_3 = arith.addi %scan3A_1, %scan3A_2 : i32
    %scan3A_4 = arith.constant 1 : i32
    scf.for %scan3A_39 = %scan3A_1 to %scan3A_3 step %scan3A_4  : i32 {
      %swap3A = arith.constant 0 : i32
      %swap3A_40 = arith.index_cast %swap3A : i32 to index
      %swap3A_41 = arith.index_cast %scan3A_39 : i32 to index
      %swap3A_42 = arith.constant 0 : index
      %swap3A_43 = tpu.vector_load %arg9[%swap3A_40, %swap3A_41, %swap3A_42] {strides = array<i32>} : memref<2x128x128xf32, #tpu.memory_space<vmem>>, vector<1x1x16xf32>,
      %swap3A_44 = vector.shape_cast %swap3A_43 : vector<1x1x16xf32> to vector<16xf32>
      %swap3A_45 = vector.shape_cast %broadcast_in_dim3A_0 : vector<16xf32> to vector<1x1x16xf32>
      tpu.vector_store %arg9[%swap3A_40, %swap3A_41, %swap3A_42], %swap3A_45 {strides = array<i32>} : memref<2x128x128xf32, #tpu.memory_space<vmem>>, vector<1x1x16xf32>,
      %swap3A_46 = arith.constant 0 : i32
      %swap3A_47 = arith.index_cast %swap3A_46 : i32 to index
      %swap3A_48 = arith.index_cast %scan3A_39 : i32 to index
      %swap3A_49 = arith.constant 16 : index
      %swap3A_50 = tpu.vector_load %arg9[%swap3A_47, %swap3A_48, %swap3A_49] {strides = array<i32>} : memref<2x128x128xf32, #tpu.memory_space<vmem>>, vector<1x1x16xf32>,
      %swap3A_51 = vector.shape_cast %swap3A_50 : vector<1x1x16xf32> to vector<16xf32>
      %swap3A_52 = vector.shape_cast %broadcast_in_dim3A_0 : vector<16xf32> to vector<1x1x16xf32>
      tpu.vector_store %arg9[%swap3A_47, %swap3A_48, %swap3A_49], %swap3A_52 {strides = array<i32>} : memref<2x128x128xf32, #tpu.memory_space<vmem>>, vector<1x1x16xf32>,
      %swap3A_53 = arith.constant 0 : i32
      %swap3A_54 = arith.index_cast %swap3A_53 : i32 to index
      %swap3A_55 = arith.index_cast %scan3A_39 : i32 to index
      %swap3A_56 = arith.constant 32 : index
      %swap3A_57 = tpu.vector_load %arg9[%swap3A_54, %swap3A_55, %swap3A_56] {strides = array<i32>} : memref<2x128x128xf32, #tpu.memory_space<vmem>>, vector<1x1x16xf32>,
      %swap3A_58 = vector.shape_cast %swap3A_57 : vector<1x1x16xf32> to vector<16xf32>
      %swap3A_59 = vector.shape_cast %broadcast_in_dim3A_0 : vector<16xf32> to vector<1x1x16xf32>
      tpu.vector_store %arg9[%swap3A_54, %swap3A_55, %swap3A_56], %swap3A_59 {strides = array<i32>} : memref<2x128x128xf32, #tpu.memory_space<vmem>>, vector<1x1x16xf32>,
      %swap3A_60 = arith.constant 0 : i32
      %swap3A_61 = arith.index_cast %swap3A_60 : i32 to index
      %swap3A_62 = arith.index_cast %scan3A_39 : i32 to index
      %swap3A_63 = arith.constant 48 : index
      %swap3A_64 = tpu.vector_load %arg9[%swap3A_61, %swap3A_62, %swap3A_63] {strides = array<i32>} : memref<2x128x128xf32, #tpu.memory_space<vmem>>, vector<1x1x16xf32>,
      %swap3A_65 = vector.shape_cast %swap3A_64 : vector<1x1x16xf32> to vector<16xf32>
      %swap3A_66 = vector.shape_cast %broadcast_in_dim3A_0 : vector<16xf32> to vector<1x1x16xf32>
      tpu.vector_store %arg9[%swap3A_61, %swap3A_62, %swap3A_63], %swap3A_66 {strides = array<i32>} : memref<2x128x128xf32, #tpu.memory_space<vmem>>, vector<1x1x16xf32>,
      %swap3A_67 = arith.constant 0 : i32
      %swap3A_68 = arith.index_cast %swap3A_67 : i32 to index
      %swap3A_69 = arith.index_cast %scan3A_39 : i32 to index
      %swap3A_70 = arith.constant 64 : index
      %swap3A_71 = tpu.vector_load %arg9[%swap3A_68, %swap3A_69, %swap3A_70] {strides = array<i32>} : memref<2x128x128xf32, #tpu.memory_space<vmem>>, vector<1x1x16xf32>,
      %swap3A_72 = vector.shape_cast %swap3A_71 : vector<1x1x16xf32> to vector<16xf32>
      %swap3A_73 = vector.shape_cast %broadcast_in_dim3A_0 : vector<16xf32> to vector<1x1x16xf32>
      tpu.vector_store %arg9[%swap3A_68, %swap3A_69, %swap3A_70], %swap3A_73 {strides = array<i32>} : memref<2x128x128xf32, #tpu.memory_space<vmem>>, vector<1x1x16xf32>,
      %swap3A_74 = arith.constant 0 : i32
      %swap3A_75 = arith.index_cast %swap3A_74 : i32 to index
      %swap3A_76 = arith.index_cast %scan3A_39 : i32 to index
      %swap3A_77 = arith.constant 80 : index
      %swap3A_78 = tpu.vector_load %arg9[%swap3A_75, %swap3A_76, %swap3A_77] {strides = array<i32>} : memref<2x128x128xf32, #tpu.memory_space<vmem>>, vector<1x1x16xf32>,
      %swap3A_79 = vector.shape_cast %swap3A_78 : vector<1x1x16xf32> to vector<16xf32>
      %swap3A_80 = vector.shape_cast %broadcast_in_dim3A_0 : vector<16xf32> to vector<1x1x16xf32>
      tpu.vector_store %arg9[%swap3A_75, %swap3A_76, %swap3A_77], %swap3A_80 {strides = array<i32>} : memref<2x128x128xf32, #tpu.memory_space<vmem>>, vector<1x1x16xf32>,
      %swap3A_81 = arith.constant 0 : i32
      %swap3A_82 = arith.index_cast %swap3A_81 : i32 to index
      %swap3A_83 = arith.index_cast %scan3A_39 : i32 to index
      %swap3A_84 = arith.constant 96 : index
      %swap3A_85 = tpu.vector_load %arg9[%swap3A_82, %swap3A_83, %swap3A_84] {strides = array<i32>} : memref<2x128x128xf32, #tpu.memory_space<vmem>>, vector<1x1x16xf32>,
      %swap3A_86 = vector.shape_cast %swap3A_85 : vector<1x1x16xf32> to vector<16xf32>
      %swap3A_87 = vector.shape_cast %broadcast_in_dim3A_0 : vector<16xf32> to vector<1x1x16xf32>
      tpu.vector_store %arg9[%swap3A_82, %swap3A_83, %swap3A_84], %swap3A_87 {strides = array<i32>} : memref<2x128x128xf32, #tpu.memory_space<vmem>>, vector<1x1x16xf32>,
      %swap3A_88 = arith.constant 0 : i32
      %swap3A_89 = arith.index_cast %swap3A_88 : i32 to index
      %swap3A_90 = arith.index_cast %scan3A_39 : i32 to index
      %swap3A_91 = arith.constant 112 : index
      %swap3A_92 = tpu.vector_load %arg9[%swap3A_89, %swap3A_90, %swap3A_91] {strides = array<i32>} : memref<2x128x128xf32, #tpu.memory_space<vmem>>, vector<1x1x16xf32>,
      %swap3A_93 = vector.shape_cast %swap3A_92 : vector<1x1x16xf32> to vector<16xf32>
      %swap3A_94 = vector.shape_cast %broadcast_in_dim3A_0 : vector<16xf32> to vector<1x1x16xf32>
      tpu.vector_store %arg9[%swap3A_89, %swap3A_90, %swap3A_91], %swap3A_94 {strides = array<i32>} : memref<2x128x128xf32, #tpu.memory_space<vmem>>, vector<1x1x16xf32>,
    }
    %scan3A_5 = arith.constant 128 : i32
    %mul3A = arith.constant 640 : i32
    %mul3A_6 = arith.muli %arg1, %mul3A : i32
    %add3A = arith.constant 0 : i32
    %add3A_7 = arith.addi %mul3A_6, %add3A : i32
    %run_scoped3A = arith.constant 0 : i32
    "tpu.region"() ({
      %run_scoped3A_39 = tpu.sem_alloc : memref<!tpu.dma_semaphore, #tpu.memory_space<semaphore_mem>>
      %dma_start3A = arith.constant 0 : i32
      %dma_start3A_40 = arith.constant 0 : i32
      %dma_start3A_41 = tpu.memref_slice %arg9[%run_scoped3A, %dma_start3A, %dma_start3A_40] : memref<2x128x128xf32, #tpu.memory_space<vmem>> -> memref<1x128x128xf32, #tpu.memory_space<vmem>>
      %dma_start3A_42 = tpu.memref_squeeze %dma_start3A_41 : memref<1x128x128xf32, #tpu.memory_space<vmem>> -> memref<128x128xf32, #tpu.memory_space<vmem>>
      %dma_start3A_43 = arith.constant 0 : i32
      %dma_start3A_44 = tpu.memref_slice %arg10[%add3A_7, %dma_start3A_43] : memref<10240x128xf32, #tpu.memory_space<vmem_shared>> -> memref<128x128xf32, #tpu.memory_space<vmem_shared>>
      %dma_start3A_45 = arith.constant 0 : i32
      %dma_start3A_46 = tpu.memref_slice %arg10[%add3A_7, %dma_start3A_45] : memref<10240x128xf32, #tpu.memory_space<vmem_shared>> -> memref<128x128xf32, #tpu.memory_space<vmem_shared>>
      %dma_start3A_47 = arith.constant 0 : i32
      %dma_start3A_48 = arith.constant 0 : i32
      %dma_start3A_49 = tpu.memref_slice %arg9[%run_scoped3A, %dma_start3A_47, %dma_start3A_48] : memref<2x128x128xf32, #tpu.memory_space<vmem>> -> memref<1x128x128xf32, #tpu.memory_space<vmem>>
      %dma_start3A_50 = tpu.memref_squeeze %dma_start3A_49 : memref<1x128x128xf32, #tpu.memory_space<vmem>> -> memref<128x128xf32, #tpu.memory_space<vmem>>
      tpu.enqueue_dma source(%dma_start3A_50 : memref<128x128xf32, #tpu.memory_space<vmem>>) target(%dma_start3A_46 : memref<128x128xf32, #tpu.memory_space<vmem_shared>>) target_semaphore(%run_scoped3A_39 : memref<!tpu.dma_semaphore, #tpu.memory_space<semaphore_mem>>)
      %dma_wait3A = arith.constant 0 : i32
      %dma_wait3A_51 = arith.constant 0 : i32
      %dma_wait3A_52 = tpu.memref_slice %arg9[%run_scoped3A, %dma_wait3A, %dma_wait3A_51] : memref<2x128x128xf32, #tpu.memory_space<vmem>> -> memref<1x128x128xf32, #tpu.memory_space<vmem>>
      %dma_wait3A_53 = tpu.memref_squeeze %dma_wait3A_52 : memref<1x128x128xf32, #tpu.memory_space<vmem>> -> memref<128x128xf32, #tpu.memory_space<vmem>>
      %dma_wait3A_54 = arith.constant 0 : i32
      %dma_wait3A_55 = tpu.memref_slice %arg10[%add3A_7, %dma_wait3A_54] : memref<10240x128xf32, #tpu.memory_space<vmem_shared>> -> memref<128x128xf32, #tpu.memory_space<vmem_shared>>
      %dma_wait3A_56 = arith.constant 0 : i32
      %dma_wait3A_57 = tpu.memref_slice %arg10[%add3A_7, %dma_wait3A_56] : memref<10240x128xf32, #tpu.memory_space<vmem_shared>> -> memref<128x128xf32, #tpu.memory_space<vmem_shared>>
      %dma_wait3A_58 = arith.constant 0 : i32
      %dma_wait3A_59 = arith.constant 0 : i32
      %dma_wait3A_60 = tpu.memref_slice %arg9[%run_scoped3A, %dma_wait3A_58, %dma_wait3A_59] : memref<2x128x128xf32, #tpu.memory_space<vmem>> -> memref<1x128x128xf32, #tpu.memory_space<vmem>>
      %dma_wait3A_61 = tpu.memref_squeeze %dma_wait3A_60 : memref<1x128x128xf32, #tpu.memory_space<vmem>> -> memref<128x128xf32, #tpu.memory_space<vmem>>
      tpu.wait_dma2 semaphore(%run_scoped3A_39 : memref<!tpu.dma_semaphore, #tpu.memory_space<semaphore_mem>>) src(%dma_wait3A_61 : memref<128x128xf32, #tpu.memory_space<vmem>>) dst(%dma_wait3A_57 : memref<128x128xf32, #tpu.memory_space<vmem_shared>>)
      tpu.yield
    }) : () -> ()
    %mul3A_8 = arith.constant 640 : i32
    %mul3A_9 = arith.muli %arg1, %mul3A_8 : i32
    %add3A_10 = arith.constant 128 : i32
    %add3A_11 = arith.addi %mul3A_9, %add3A_10 : i32
    %run_scoped3A_12 = arith.constant 0 : i32
    "tpu.region"() ({
      %run_scoped3A_39 = tpu.sem_alloc : memref<!tpu.dma_semaphore, #tpu.memory_space<semaphore_mem>>
      %dma_start3A = arith.constant 0 : i32
      %dma_start3A_40 = arith.constant 0 : i32
      %dma_start3A_41 = tpu.memref_slice %arg9[%run_scoped3A_12, %dma_start3A, %dma_start3A_40] : memref<2x128x128xf32, #tpu.memory_space<vmem>> -> memref<1x128x128xf32, #tpu.memory_space<vmem>>
      %dma_start3A_42 = tpu.memref_squeeze %dma_start3A_41 : memref<1x128x128xf32, #tpu.memory_space<vmem>> -> memref<128x128xf32, #tpu.memory_space<vmem>>
      %dma_start3A_43 = arith.constant 0 : i32
      %dma_start3A_44 = tpu.memref_slice %arg10[%add3A_11, %dma_start3A_43] : memref<10240x128xf32, #tpu.memory_space<vmem_shared>> -> memref<128x128xf32, #tpu.memory_space<vmem_shared>>
      %dma_start3A_45 = arith.constant 0 : i32
      %dma_start3A_46 = tpu.memref_slice %arg10[%add3A_11, %dma_start3A_45] : memref<10240x128xf32, #tpu.memory_space<vmem_shared>> -> memref<128x128xf32, #tpu.memory_space<vmem_shared>>
      %dma_start3A_47 = arith.constant 0 : i32
      %dma_start3A_48 = arith.constant 0 : i32
      %dma_start3A_49 = tpu.memref_slice %arg9[%run_scoped3A_12, %dma_start3A_47, %dma_start3A_48] : memref<2x128x128xf32, #tpu.memory_space<vmem>> -> memref<1x128x128xf32, #tpu.memory_space<vmem>>
      %dma_start3A_50 = tpu.memref_squeeze %dma_start3A_49 : memref<1x128x128xf32, #tpu.memory_space<vmem>> -> memref<128x128xf32, #tpu.memory_space<vmem>>
      tpu.enqueue_dma source(%dma_start3A_50 : memref<128x128xf32, #tpu.memory_space<vmem>>) target(%dma_start3A_46 : memref<128x128xf32, #tpu.memory_space<vmem_shared>>) target_semaphore(%run_scoped3A_39 : memref<!tpu.dma_semaphore, #tpu.memory_space<semaphore_mem>>)
      %dma_wait3A = arith.constant 0 : i32
      %dma_wait3A_51 = arith.constant 0 : i32
      %dma_wait3A_52 = tpu.memref_slice %arg9[%run_scoped3A_12, %dma_wait3A, %dma_wait3A_51] : memref<2x128x128xf32, #tpu.memory_space<vmem>> -> memref<1x128x128xf32, #tpu.memory_space<vmem>>
      %dma_wait3A_53 = tpu.memref_squeeze %dma_wait3A_52 : memref<1x128x128xf32, #tpu.memory_space<vmem>> -> memref<128x128xf32, #tpu.memory_space<vmem>>
      %dma_wait3A_54 = arith.constant 0 : i32
      %dma_wait3A_55 = tpu.memref_slice %arg10[%add3A_11, %dma_wait3A_54] : memref<10240x128xf32, #tpu.memory_space<vmem_shared>> -> memref<128x128xf32, #tpu.memory_space<vmem_shared>>
      %dma_wait3A_56 = arith.constant 0 : i32
      %dma_wait3A_57 = tpu.memref_slice %arg10[%add3A_11, %dma_wait3A_56] : memref<10240x128xf32, #tpu.memory_space<vmem_shared>> -> memref<128x128xf32, #tpu.memory_space<vmem_shared>>
      %dma_wait3A_58 = arith.constant 0 : i32
      %dma_wait3A_59 = arith.constant 0 : i32
      %dma_wait3A_60 = tpu.memref_slice %arg9[%run_scoped3A_12, %dma_wait3A_58, %dma_wait3A_59] : memref<2x128x128xf32, #tpu.memory_space<vmem>> -> memref<1x128x128xf32, #tpu.memory_space<vmem>>
      %dma_wait3A_61 = tpu.memref_squeeze %dma_wait3A_60 : memref<1x128x128xf32, #tpu.memory_space<vmem>> -> memref<128x128xf32, #tpu.memory_space<vmem>>
      tpu.wait_dma2 semaphore(%run_scoped3A_39 : memref<!tpu.dma_semaphore, #tpu.memory_space<semaphore_mem>>) src(%dma_wait3A_61 : memref<128x128xf32, #tpu.memory_space<vmem>>) dst(%dma_wait3A_57 : memref<128x128xf32, #tpu.memory_space<vmem_shared>>)
      tpu.yield
    }) : () -> ()
    %mul3A_13 = arith.constant 640 : i32
    %mul3A_14 = arith.muli %arg1, %mul3A_13 : i32
    %add3A_15 = arith.constant 256 : i32
    %add3A_16 = arith.addi %mul3A_14, %add3A_15 : i32
    %run_scoped3A_17 = arith.constant 0 : i32
    "tpu.region"() ({
      %run_scoped3A_39 = tpu.sem_alloc : memref<!tpu.dma_semaphore, #tpu.memory_space<semaphore_mem>>
      %dma_start3A = arith.constant 0 : i32
      %dma_start3A_40 = arith.constant 0 : i32
      %dma_start3A_41 = tpu.memref_slice %arg9[%run_scoped3A_17, %dma_start3A, %dma_start3A_40] : memref<2x128x128xf32, #tpu.memory_space<vmem>> -> memref<1x128x128xf32, #tpu.memory_space<vmem>>
      %dma_start3A_42 = tpu.memref_squeeze %dma_start3A_41 : memref<1x128x128xf32, #tpu.memory_space<vmem>> -> memref<128x128xf32, #tpu.memory_space<vmem>>
      %dma_start3A_43 = arith.constant 0 : i32
      %dma_start3A_44 = tpu.memref_slice %arg10[%add3A_16, %dma_start3A_43] : memref<10240x128xf32, #tpu.memory_space<vmem_shared>> -> memref<128x128xf32, #tpu.memory_space<vmem_shared>>
      %dma_start3A_45 = arith.constant 0 : i32
      %dma_start3A_46 = tpu.memref_slice %arg10[%add3A_16, %dma_start3A_45] : memref<10240x128xf32, #tpu.memory_space<vmem_shared>> -> memref<128x128xf32, #tpu.memory_space<vmem_shared>>
      %dma_start3A_47 = arith.constant 0 : i32
      %dma_start3A_48 = arith.constant 0 : i32
      %dma_start3A_49 = tpu.memref_slice %arg9[%run_scoped3A_17, %dma_start3A_47, %dma_start3A_48] : memref<2x128x128xf32, #tpu.memory_space<vmem>> -> memref<1x128x128xf32, #tpu.memory_space<vmem>>
      %dma_start3A_50 = tpu.memref_squeeze %dma_start3A_49 : memref<1x128x128xf32, #tpu.memory_space<vmem>> -> memref<128x128xf32, #tpu.memory_space<vmem>>
      tpu.enqueue_dma source(%dma_start3A_50 : memref<128x128xf32, #tpu.memory_space<vmem>>) target(%dma_start3A_46 : memref<128x128xf32, #tpu.memory_space<vmem_shared>>) target_semaphore(%run_scoped3A_39 : memref<!tpu.dma_semaphore, #tpu.memory_space<semaphore_mem>>)
      %dma_wait3A = arith.constant 0 : i32
      %dma_wait3A_51 = arith.constant 0 : i32
      %dma_wait3A_52 = tpu.memref_slice %arg9[%run_scoped3A_17, %dma_wait3A, %dma_wait3A_51] : memref<2x128x128xf32, #tpu.memory_space<vmem>> -> memref<1x128x128xf32, #tpu.memory_space<vmem>>
      %dma_wait3A_53 = tpu.memref_squeeze %dma_wait3A_52 : memref<1x128x128xf32, #tpu.memory_space<vmem>> -> memref<128x128xf32, #tpu.memory_space<vmem>>
      %dma_wait3A_54 = arith.constant 0 : i32
      %dma_wait3A_55 = tpu.memref_slice %arg10[%add3A_16, %dma_wait3A_54] : memref<10240x128xf32, #tpu.memory_space<vmem_shared>> -> memref<128x128xf32, #tpu.memory_space<vmem_shared>>
      %dma_wait3A_56 = arith.constant 0 : i32
      %dma_wait3A_57 = tpu.memref_slice %arg10[%add3A_16, %dma_wait3A_56] : memref<10240x128xf32, #tpu.memory_space<vmem_shared>> -> memref<128x128xf32, #tpu.memory_space<vmem_shared>>
      %dma_wait3A_58 = arith.constant 0 : i32
      %dma_wait3A_59 = arith.constant 0 : i32
      %dma_wait3A_60 = tpu.memref_slice %arg9[%run_scoped3A_17, %dma_wait3A_58, %dma_wait3A_59] : memref<2x128x128xf32, #tpu.memory_space<vmem>> -> memref<1x128x128xf32, #tpu.memory_space<vmem>>
      %dma_wait3A_61 = tpu.memref_squeeze %dma_wait3A_60 : memref<1x128x128xf32, #tpu.memory_space<vmem>> -> memref<128x128xf32, #tpu.memory_space<vmem>>
      tpu.wait_dma2 semaphore(%run_scoped3A_39 : memref<!tpu.dma_semaphore, #tpu.memory_space<semaphore_mem>>) src(%dma_wait3A_61 : memref<128x128xf32, #tpu.memory_space<vmem>>) dst(%dma_wait3A_57 : memref<128x128xf32, #tpu.memory_space<vmem_shared>>)
      tpu.yield
    }) : () -> ()
    %mul3A_18 = arith.constant 640 : i32
    %mul3A_19 = arith.muli %arg1, %mul3A_18 : i32
    %add3A_20 = arith.constant 384 : i32
    %add3A_21 = arith.addi %mul3A_19, %add3A_20 : i32
    %run_scoped3A_22 = arith.constant 0 : i32
    "tpu.region"() ({
      %run_scoped3A_39 = tpu.sem_alloc : memref<!tpu.dma_semaphore, #tpu.memory_space<semaphore_mem>>
      %dma_start3A = arith.constant 0 : i32
      %dma_start3A_40 = arith.constant 0 : i32
      %dma_start3A_41 = tpu.memref_slice %arg9[%run_scoped3A_22, %dma_start3A, %dma_start3A_40] : memref<2x128x128xf32, #tpu.memory_space<vmem>> -> memref<1x128x128xf32, #tpu.memory_space<vmem>>
      %dma_start3A_42 = tpu.memref_squeeze %dma_start3A_41 : memref<1x128x128xf32, #tpu.memory_space<vmem>> -> memref<128x128xf32, #tpu.memory_space<vmem>>
      %dma_start3A_43 = arith.constant 0 : i32
      %dma_start3A_44 = tpu.memref_slice %arg10[%add3A_21, %dma_start3A_43] : memref<10240x128xf32, #tpu.memory_space<vmem_shared>> -> memref<128x128xf32, #tpu.memory_space<vmem_shared>>
      %dma_start3A_45 = arith.constant 0 : i32
      %dma_start3A_46 = tpu.memref_slice %arg10[%add3A_21, %dma_start3A_45] : memref<10240x128xf32, #tpu.memory_space<vmem_shared>> -> memref<128x128xf32, #tpu.memory_space<vmem_shared>>
      %dma_start3A_47 = arith.constant 0 : i32
      %dma_start3A_48 = arith.constant 0 : i32
      %dma_start3A_49 = tpu.memref_slice %arg9[%run_scoped3A_22, %dma_start3A_47, %dma_start3A_48] : memref<2x128x128xf32, #tpu.memory_space<vmem>> -> memref<1x128x128xf32, #tpu.memory_space<vmem>>
      %dma_start3A_50 = tpu.memref_squeeze %dma_start3A_49 : memref<1x128x128xf32, #tpu.memory_space<vmem>> -> memref<128x128xf32, #tpu.memory_space<vmem>>
      tpu.enqueue_dma source(%dma_start3A_50 : memref<128x128xf32, #tpu.memory_space<vmem>>) target(%dma_start3A_46 : memref<128x128xf32, #tpu.memory_space<vmem_shared>>) target_semaphore(%run_scoped3A_39 : memref<!tpu.dma_semaphore, #tpu.memory_space<semaphore_mem>>)
      %dma_wait3A = arith.constant 0 : i32
      %dma_wait3A_51 = arith.constant 0 : i32
      %dma_wait3A_52 = tpu.memref_slice %arg9[%run_scoped3A_22, %dma_wait3A, %dma_wait3A_51] : memref<2x128x128xf32, #tpu.memory_space<vmem>> -> memref<1x128x128xf32, #tpu.memory_space<vmem>>
      %dma_wait3A_53 = tpu.memref_squeeze %dma_wait3A_52 : memref<1x128x128xf32, #tpu.memory_space<vmem>> -> memref<128x128xf32, #tpu.memory_space<vmem>>
      %dma_wait3A_54 = arith.constant 0 : i32
      %dma_wait3A_55 = tpu.memref_slice %arg10[%add3A_21, %dma_wait3A_54] : memref<10240x128xf32, #tpu.memory_space<vmem_shared>> -> memref<128x128xf32, #tpu.memory_space<vmem_shared>>
      %dma_wait3A_56 = arith.constant 0 : i32
      %dma_wait3A_57 = tpu.memref_slice %arg10[%add3A_21, %dma_wait3A_56] : memref<10240x128xf32, #tpu.memory_space<vmem_shared>> -> memref<128x128xf32, #tpu.memory_space<vmem_shared>>
      %dma_wait3A_58 = arith.constant 0 : i32
      %dma_wait3A_59 = arith.constant 0 : i32
      %dma_wait3A_60 = tpu.memref_slice %arg9[%run_scoped3A_22, %dma_wait3A_58, %dma_wait3A_59] : memref<2x128x128xf32, #tpu.memory_space<vmem>> -> memref<1x128x128xf32, #tpu.memory_space<vmem>>
      %dma_wait3A_61 = tpu.memref_squeeze %dma_wait3A_60 : memref<1x128x128xf32, #tpu.memory_space<vmem>> -> memref<128x128xf32, #tpu.memory_space<vmem>>
      tpu.wait_dma2 semaphore(%run_scoped3A_39 : memref<!tpu.dma_semaphore, #tpu.memory_space<semaphore_mem>>) src(%dma_wait3A_61 : memref<128x128xf32, #tpu.memory_space<vmem>>) dst(%dma_wait3A_57 : memref<128x128xf32, #tpu.memory_space<vmem_shared>>)
      tpu.yield
    }) : () -> ()
    %mul3A_23 = arith.constant 640 : i32
    %mul3A_24 = arith.muli %arg1, %mul3A_23 : i32
    %add3A_25 = arith.constant 512 : i32
    %add3A_26 = arith.addi %mul3A_24, %add3A_25 : i32
    %run_scoped3A_27 = arith.constant 0 : i32
    "tpu.region"() ({
      %run_scoped3A_39 = tpu.sem_alloc : memref<!tpu.dma_semaphore, #tpu.memory_space<semaphore_mem>>
      %dma_start3A = arith.constant 0 : i32
      %dma_start3A_40 = arith.constant 0 : i32
      %dma_start3A_41 = tpu.memref_slice %arg9[%run_scoped3A_27, %dma_start3A, %dma_start3A_40] : memref<2x128x128xf32, #tpu.memory_space<vmem>> -> memref<1x128x128xf32, #tpu.memory_space<vmem>>
      %dma_start3A_42 = tpu.memref_squeeze %dma_start3A_41 : memref<1x128x128xf32, #tpu.memory_space<vmem>> -> memref<128x128xf32, #tpu.memory_space<vmem>>
      %dma_start3A_43 = arith.constant 0 : i32
      %dma_start3A_44 = tpu.memref_slice %arg10[%add3A_26, %dma_start3A_43] : memref<10240x128xf32, #tpu.memory_space<vmem_shared>> -> memref<128x128xf32, #tpu.memory_space<vmem_shared>>
      %dma_start3A_45 = arith.constant 0 : i32
      %dma_start3A_46 = tpu.memref_slice %arg10[%add3A_26, %dma_start3A_45] : memref<10240x128xf32, #tpu.memory_space<vmem_shared>> -> memref<128x128xf32, #tpu.memory_space<vmem_shared>>
      %dma_start3A_47 = arith.constant 0 : i32
      %dma_start3A_48 = arith.constant 0 : i32
      %dma_start3A_49 = tpu.memref_slice %arg9[%run_scoped3A_27, %dma_start3A_47, %dma_start3A_48] : memref<2x128x128xf32, #tpu.memory_space<vmem>> -> memref<1x128x128xf32, #tpu.memory_space<vmem>>
      %dma_start3A_50 = tpu.memref_squeeze %dma_start3A_49 : memref<1x128x128xf32, #tpu.memory_space<vmem>> -> memref<128x128xf32, #tpu.memory_space<vmem>>
      tpu.enqueue_dma source(%dma_start3A_50 : memref<128x128xf32, #tpu.memory_space<vmem>>) target(%dma_start3A_46 : memref<128x128xf32, #tpu.memory_space<vmem_shared>>) target_semaphore(%run_scoped3A_39 : memref<!tpu.dma_semaphore, #tpu.memory_space<semaphore_mem>>)
      %dma_wait3A = arith.constant 0 : i32
      %dma_wait3A_51 = arith.constant 0 : i32
      %dma_wait3A_52 = tpu.memref_slice %arg9[%run_scoped3A_27, %dma_wait3A, %dma_wait3A_51] : memref<2x128x128xf32, #tpu.memory_space<vmem>> -> memref<1x128x128xf32, #tpu.memory_space<vmem>>
      %dma_wait3A_53 = tpu.memref_squeeze %dma_wait3A_52 : memref<1x128x128xf32, #tpu.memory_space<vmem>> -> memref<128x128xf32, #tpu.memory_space<vmem>>
      %dma_wait3A_54 = arith.constant 0 : i32
      %dma_wait3A_55 = tpu.memref_slice %arg10[%add3A_26, %dma_wait3A_54] : memref<10240x128xf32, #tpu.memory_space<vmem_shared>> -> memref<128x128xf32, #tpu.memory_space<vmem_shared>>
      %dma_wait3A_56 = arith.constant 0 : i32
      %dma_wait3A_57 = tpu.memref_slice %arg10[%add3A_26, %dma_wait3A_56] : memref<10240x128xf32, #tpu.memory_space<vmem_shared>> -> memref<128x128xf32, #tpu.memory_space<vmem_shared>>
      %dma_wait3A_58 = arith.constant 0 : i32
      %dma_wait3A_59 = arith.constant 0 : i32
      %dma_wait3A_60 = tpu.memref_slice %arg9[%run_scoped3A_27, %dma_wait3A_58, %dma_wait3A_59] : memref<2x128x128xf32, #tpu.memory_space<vmem>> -> memref<1x128x128xf32, #tpu.memory_space<vmem>>
      %dma_wait3A_61 = tpu.memref_squeeze %dma_wait3A_60 : memref<1x128x128xf32, #tpu.memory_space<vmem>> -> memref<128x128xf32, #tpu.memory_space<vmem>>
      tpu.wait_dma2 semaphore(%run_scoped3A_39 : memref<!tpu.dma_semaphore, #tpu.memory_space<semaphore_mem>>) src(%dma_wait3A_61 : memref<128x128xf32, #tpu.memory_space<vmem>>) dst(%dma_wait3A_57 : memref<128x128xf32, #tpu.memory_space<vmem_shared>>)
      tpu.yield
    }) : () -> ()
    %barrier3A = arith.constant 0 : index
    tpu.barrier barrier_id(%barrier3A)
    %scan3A_28 = arith.constant 0 : i32
    %scan3A_29 = arith.constant 0 : i32
    %scan3A_30 = arith.constant 5 : i32
    %scan3A_31 = arith.addi %scan3A_29, %scan3A_30 : i32
    %scan3A_32 = arith.constant 1 : i32
    scf.for %scan3A_39 = %scan3A_29 to %scan3A_31 step %scan3A_32  : i32 {
      %mul3A_40 = arith.constant 160 : i32
      %mul3A_41 = arith.muli %arg1, %mul3A_40 : i32
      %mul3A_42 = arith.constant 32 : i32
      %mul3A_43 = arith.muli %scan3A_39, %mul3A_42 : i32
      %add3A_44 = arith.addi %mul3A_41, %mul3A_43 : i32
      "tpu.region"() ({
        %run_scoped3A_58 = tpu.sem_alloc : memref<!tpu.dma_semaphore, #tpu.memory_space<semaphore_mem>>
        %dma_start3A = arith.constant 0 : i32
        %dma_start3A_59 = tpu.memref_slice %arg4[%add3A_44, %dma_start3A] : memref<2560x128xi32, #tpu.memory_space<hbm>> -> memref<32x128xi32, #tpu.memory_space<hbm>>
        %dma_start3A_60 = arith.constant 0 : i32
        %dma_start3A_61 = tpu.memref_slice %arg4[%add3A_44, %dma_start3A_60] : memref<2560x128xi32, #tpu.memory_space<hbm>> -> memref<32x128xi32, #tpu.memory_space<hbm>>
        tpu.enqueue_dma source(%dma_start3A_61 : memref<32x128xi32, #tpu.memory_space<hbm>>) target(%arg7 : memref<32x128xi32, #tpu.memory_space<vmem>>) target_semaphore(%run_scoped3A_58 : memref<!tpu.dma_semaphore, #tpu.memory_space<semaphore_mem>>)
        %dma_wait3A = arith.constant 0 : i32
        %dma_wait3A_62 = tpu.memref_slice %arg4[%add3A_44, %dma_wait3A] : memref<2560x128xi32, #tpu.memory_space<hbm>> -> memref<32x128xi32, #tpu.memory_space<hbm>>
        %dma_wait3A_63 = arith.constant 0 : i32
        %dma_wait3A_64 = tpu.memref_slice %arg4[%add3A_44, %dma_wait3A_63] : memref<2560x128xi32, #tpu.memory_space<hbm>> -> memref<32x128xi32, #tpu.memory_space<hbm>>
        tpu.wait_dma2 semaphore(%run_scoped3A_58 : memref<!tpu.dma_semaphore, #tpu.memory_space<semaphore_mem>>) src(%dma_wait3A_64 : memref<32x128xi32, #tpu.memory_space<hbm>>) dst(%arg7 : memref<32x128xi32, #tpu.memory_space<vmem>>)
        tpu.yield
      }) : () -> ()
      "tpu.region"() ({
        %run_scoped3A_58 = tpu.sem_alloc : memref<!tpu.dma_semaphore, #tpu.memory_space<semaphore_mem>>
        %dma_start3A = arith.constant 0 : i32
        %dma_start3A_59 = tpu.memref_slice %arg5[%add3A_44, %dma_start3A] : memref<2560x128xi32, #tpu.memory_space<hbm>> -> memref<32x128xi32, #tpu.memory_space<hbm>>
        %dma_start3A_60 = arith.constant 0 : i32
        %dma_start3A_61 = tpu.memref_slice %arg5[%add3A_44, %dma_start3A_60] : memref<2560x128xi32, #tpu.memory_space<hbm>> -> memref<32x128xi32, #tpu.memory_space<hbm>>
        tpu.enqueue_dma source(%dma_start3A_61 : memref<32x128xi32, #tpu.memory_space<hbm>>) target(%arg8 : memref<32x128xi32, #tpu.memory_space<vmem>>) target_semaphore(%run_scoped3A_58 : memref<!tpu.dma_semaphore, #tpu.memory_space<semaphore_mem>>)
        %dma_wait3A = arith.constant 0 : i32
        %dma_wait3A_62 = tpu.memref_slice %arg5[%add3A_44, %dma_wait3A] : memref<2560x128xi32, #tpu.memory_space<hbm>> -> memref<32x128xi32, #tpu.memory_space<hbm>>
        %dma_wait3A_63 = arith.constant 0 : i32
        %dma_wait3A_64 = tpu.memref_slice %arg5[%add3A_44, %dma_wait3A_63] : memref<2560x128xi32, #tpu.memory_space<hbm>> -> memref<32x128xi32, #tpu.memory_space<hbm>>
        tpu.wait_dma2 semaphore(%run_scoped3A_58 : memref<!tpu.dma_semaphore, #tpu.memory_space<semaphore_mem>>) src(%dma_wait3A_64 : memref<32x128xi32, #tpu.memory_space<hbm>>) dst(%arg8 : memref<32x128xi32, #tpu.memory_space<vmem>>)
        tpu.yield
      }) : () -> ()
      %eq3A = arith.constant 0 : i32
      %eq3A_45 = arith.cmpi eq, %arg0, %eq3A : i32
      %convert_element_type3A = arith.extui %eq3A_45 : i1 to i32
      %cond3A = arith.constant 0 : i32
      %cond3A_46 = arith.cmpi ne, %convert_element_type3A, %cond3A : i32
      scf.if %cond3A_46 {
        %dma_start3A = arith.constant 0 : i32
        %dma_start3A_58 = arith.constant 0 : i32
        %dma_start3A_59 = arith.constant 0 : i32
        %dma_start3A_60 = arith.constant 0 : i32
        %dma_start3A_61 = tpu.memref_slice %arg9[%dma_start3A_58, %dma_start3A_59, %dma_start3A_60] : memref<2x128x128xf32, #tpu.memory_space<vmem>> -> memref<1x128x128xf32, #tpu.memory_space<vmem>>
        %dma_start3A_62 = tpu.memref_squeeze %dma_start3A_61 : memref<1x128x128xf32, #tpu.memory_space<vmem>> -> memref<128x128xf32, #tpu.memory_space<vmem>>
        %dma_start3A_63 = arith.constant 0 : i32
        %dma_start3A_64 = tpu.memref_slice %arg7[%dma_start3A, %dma_start3A_63] : memref<32x128xi32, #tpu.memory_space<vmem>> -> memref<1x128xi32, #tpu.memory_space<vmem>>
        %dma_start3A_65 = tpu.memref_squeeze %dma_start3A_64 : memref<1x128xi32, #tpu.memory_space<vmem>> -> memref<128xi32, #tpu.memory_space<vmem>>
        %dma_start3A_66 = arith.constant 0 : i32
        %dma_start3A_67 = arith.constant 0 : i32
        %dma_start3A_68 = tpu.memref_slice %arg2[%dma_start3A_66, %dma_start3A_67] : memref<10000x128xf32, #tpu.memory_space<hbm>> -> memref<10000x128xf32, #tpu.memory_space<hbm>>
        tpu.enqueue_indirect_dma source(%dma_start3A_68 : memref<10000x128xf32, #tpu.memory_space<hbm>>) target(%dma_start3A_62 : memref<128x128xf32, #tpu.memory_space<vmem>>) offsets(%dma_start3A_65 : memref<128xi32, #tpu.memory_space<vmem>>) semaphore(%arg11 : memref<!tpu.dma_semaphore, #tpu.memory_space<semaphore_mem>>)
      } else {
      }
      %eq3A_47 = arith.constant 1 : i32
      %eq3A_48 = arith.cmpi eq, %arg0, %eq3A_47 : i32
      %convert_element_type3A_49 = arith.extui %eq3A_48 : i1 to i32
      %cond3A_50 = arith.constant 0 : i32
      %cond3A_51 = arith.cmpi ne, %convert_element_type3A_49, %cond3A_50 : i32
      scf.if %cond3A_51 {
        %dma_start3A = arith.constant 0 : i32
        %dma_start3A_58 = arith.constant 0 : i32
        %dma_start3A_59 = arith.constant 0 : i32
        %dma_start3A_60 = arith.constant 0 : i32
        %dma_start3A_61 = tpu.memref_slice %arg9[%dma_start3A_58, %dma_start3A_59, %dma_start3A_60] : memref<2x128x128xf32, #tpu.memory_space<vmem>> -> memref<1x128x128xf32, #tpu.memory_space<vmem>>
        %dma_start3A_62 = tpu.memref_squeeze %dma_start3A_61 : memref<1x128x128xf32, #tpu.memory_space<vmem>> -> memref<128x128xf32, #tpu.memory_space<vmem>>
        %dma_start3A_63 = arith.constant 0 : i32
        %dma_start3A_64 = tpu.memref_slice %arg7[%dma_start3A, %dma_start3A_63] : memref<32x128xi32, #tpu.memory_space<vmem>> -> memref<1x128xi32, #tpu.memory_space<vmem>>
        %dma_start3A_65 = tpu.memref_squeeze %dma_start3A_64 : memref<1x128xi32, #tpu.memory_space<vmem>> -> memref<128xi32, #tpu.memory_space<vmem>>
        %dma_start3A_66 = arith.constant 0 : i32
        %dma_start3A_67 = arith.constant 0 : i32
        %dma_start3A_68 = tpu.memref_slice %arg3[%dma_start3A_66, %dma_start3A_67] : memref<10000x128xf32, #tpu.memory_space<hbm>> -> memref<10000x128xf32, #tpu.memory_space<hbm>>
        tpu.enqueue_indirect_dma source(%dma_start3A_68 : memref<10000x128xf32, #tpu.memory_space<hbm>>) target(%dma_start3A_62 : memref<128x128xf32, #tpu.memory_space<vmem>>) offsets(%dma_start3A_65 : memref<128xi32, #tpu.memory_space<vmem>>) semaphore(%arg11 : memref<!tpu.dma_semaphore, #tpu.memory_space<semaphore_mem>>)
      } else {
      }
      %scan3A_52 = arith.constant 0 : i32
      %scan3A_53 = arith.constant 0 : i32
      %scan3A_54 = arith.constant 16 : i32
      %scan3A_55 = arith.addi %scan3A_53, %scan3A_54 : i32
      %scan3A_56 = arith.constant 1 : i32
      scf.for %scan3A_58 = %scan3A_53 to %scan3A_55 step %scan3A_56  : i32 {
        %mul3A_59 = arith.constant 2 : i32
        %mul3A_60 = arith.muli %scan3A_58, %mul3A_59 : i32
        %dma_wait3A = arith.constant 0 : i32
        %dma_wait3A_61 = arith.constant 0 : i32
        %dma_wait3A_62 = arith.constant 0 : i32
        %dma_wait3A_63 = arith.constant 0 : i32
        %dma_wait3A_64 = tpu.memref_slice %arg9[%dma_wait3A_61, %dma_wait3A_62, %dma_wait3A_63] : memref<2x128x128xf32, #tpu.memory_space<vmem>> -> memref<1x128x128xf32, #tpu.memory_space<vmem>>
        %dma_wait3A_65 = tpu.memref_squeeze %dma_wait3A_64 : memref<1x128x128xf32, #tpu.memory_space<vmem>> -> memref<128x128xf32, #tpu.memory_space<vmem>>
        %dma_wait3A_66 = arith.constant 0 : i32
        %dma_wait3A_67 = tpu.memref_slice %arg7[%dma_wait3A, %dma_wait3A_66] : memref<32x128xi32, #tpu.memory_space<vmem>> -> memref<1x128xi32, #tpu.memory_space<vmem>>
        %dma_wait3A_68 = tpu.memref_squeeze %dma_wait3A_67 : memref<1x128xi32, #tpu.memory_space<vmem>> -> memref<128xi32, #tpu.memory_space<vmem>>
        %dma_wait3A_69 = arith.constant 0 : i32
        %dma_wait3A_70 = arith.constant 0 : i32
        %dma_wait3A_71 = tpu.memref_slice %arg2[%dma_wait3A_69, %dma_wait3A_70] : memref<10000x128xf32, #tpu.memory_space<hbm>> -> memref<10000x128xf32, #tpu.memory_space<hbm>>
        tpu.wait_indirect_dma semaphore(%arg11 : memref<!tpu.dma_semaphore, #tpu.memory_space<semaphore_mem>>) src(%dma_wait3A_71 : memref<10000x128xf32, #tpu.memory_space<hbm>>) dst(%dma_wait3A_65 : memref<128x128xf32, #tpu.memory_space<vmem>>)
        %add3A_72 = arith.constant 1 : i32
        %add3A_73 = arith.addi %mul3A_60, %add3A_72 : i32
        %eq3A_74 = arith.constant 0 : i32
        %eq3A_75 = arith.cmpi eq, %arg0, %eq3A_74 : i32
        %convert_element_type3A_76 = arith.extui %eq3A_75 : i1 to i32
        %cond3A_77 = arith.constant 0 : i32
        %cond3A_78 = arith.cmpi ne, %convert_element_type3A_76, %cond3A_77 : i32
        scf.if %cond3A_78 {
          %dma_start3A = arith.constant 1 : i32
          %dma_start3A_104 = arith.constant 0 : i32
          %dma_start3A_105 = arith.constant 0 : i32
          %dma_start3A_106 = tpu.memref_slice %arg9[%dma_start3A, %dma_start3A_104, %dma_start3A_105] : memref<2x128x128xf32, #tpu.memory_space<vmem>> -> memref<1x128x128xf32, #tpu.memory_space<vmem>>
          %dma_start3A_107 = tpu.memref_squeeze %dma_start3A_106 : memref<1x128x128xf32, #tpu.memory_space<vmem>> -> memref<128x128xf32, #tpu.memory_space<vmem>>
          %dma_start3A_108 = arith.constant 0 : i32
          %dma_start3A_109 = tpu.memref_slice %arg7[%add3A_73, %dma_start3A_108] : memref<32x128xi32, #tpu.memory_space<vmem>> -> memref<1x128xi32, #tpu.memory_space<vmem>>
          %dma_start3A_110 = tpu.memref_squeeze %dma_start3A_109 : memref<1x128xi32, #tpu.memory_space<vmem>> -> memref<128xi32, #tpu.memory_space<vmem>>
          %dma_start3A_111 = arith.constant 0 : i32
          %dma_start3A_112 = arith.constant 0 : i32
          %dma_start3A_113 = tpu.memref_slice %arg2[%dma_start3A_111, %dma_start3A_112] : memref<10000x128xf32, #tpu.memory_space<hbm>> -> memref<10000x128xf32, #tpu.memory_space<hbm>>
          tpu.enqueue_indirect_dma source(%dma_start3A_113 : memref<10000x128xf32, #tpu.memory_space<hbm>>) target(%dma_start3A_107 : memref<128x128xf32, #tpu.memory_space<vmem>>) offsets(%dma_start3A_110 : memref<128xi32, #tpu.memory_space<vmem>>) semaphore(%arg12 : memref<!tpu.dma_semaphore, #tpu.memory_space<semaphore_mem>>)
        } else {
        }
        %eq3A_79 = arith.constant 1 : i32
        %eq3A_80 = arith.cmpi eq, %arg0, %eq3A_79 : i32
        %convert_element_type3A_81 = arith.extui %eq3A_80 : i1 to i32
        %cond3A_82 = arith.constant 0 : i32
        %cond3A_83 = arith.cmpi ne, %convert_element_type3A_81, %cond3A_82 : i32
        scf.if %cond3A_83 {
          %dma_start3A = arith.constant 1 : i32
          %dma_start3A_104 = arith.constant 0 : i32
          %dma_start3A_105 = arith.constant 0 : i32
          %dma_start3A_106 = tpu.memref_slice %arg9[%dma_start3A, %dma_start3A_104, %dma_start3A_105] : memref<2x128x128xf32, #tpu.memory_space<vmem>> -> memref<1x128x128xf32, #tpu.memory_space<vmem>>
          %dma_start3A_107 = tpu.memref_squeeze %dma_start3A_106 : memref<1x128x128xf32, #tpu.memory_space<vmem>> -> memref<128x128xf32, #tpu.memory_space<vmem>>
          %dma_start3A_108 = arith.constant 0 : i32
          %dma_start3A_109 = tpu.memref_slice %arg7[%add3A_73, %dma_start3A_108] : memref<32x128xi32, #tpu.memory_space<vmem>> -> memref<1x128xi32, #tpu.memory_space<vmem>>
          %dma_start3A_110 = tpu.memref_squeeze %dma_start3A_109 : memref<1x128xi32, #tpu.memory_space<vmem>> -> memref<128xi32, #tpu.memory_space<vmem>>
          %dma_start3A_111 = arith.constant 0 : i32
          %dma_start3A_112 = arith.constant 0 : i32
          %dma_start3A_113 = tpu.memref_slice %arg3[%dma_start3A_111, %dma_start3A_112] : memref<10000x128xf32, #tpu.memory_space<hbm>> -> memref<10000x128xf32, #tpu.memory_space<hbm>>
          tpu.enqueue_indirect_dma source(%dma_start3A_113 : memref<10000x128xf32, #tpu.memory_space<hbm>>) target(%dma_start3A_107 : memref<128x128xf32, #tpu.memory_space<vmem>>) offsets(%dma_start3A_110 : memref<128xi32, #tpu.memory_space<vmem>>) semaphore(%arg12 : memref<!tpu.dma_semaphore, #tpu.memory_space<semaphore_mem>>)
        } else {
        }
        %run_scoped3A_84 = arith.constant 0 : i32
        "tpu.region"() ({
          %run_scoped3A_104 = tpu.sem_alloc : memref<!tpu.dma_semaphore, #tpu.memory_space<semaphore_mem>>
          %dma_start3A = arith.constant 0 : i32
          %dma_start3A_105 = arith.constant 0 : i32
          %dma_start3A_106 = tpu.memref_slice %arg9[%run_scoped3A_84, %dma_start3A, %dma_start3A_105] : memref<2x128x128xf32, #tpu.memory_space<vmem>> -> memref<1x128x128xf32, #tpu.memory_space<vmem>>
          %dma_start3A_107 = tpu.memref_squeeze %dma_start3A_106 : memref<1x128x128xf32, #tpu.memory_space<vmem>> -> memref<128x128xf32, #tpu.memory_space<vmem>>
          %dma_start3A_108 = arith.constant 0 : i32
          %dma_start3A_109 = tpu.memref_slice %arg8[%mul3A_60, %dma_start3A_108] : memref<32x128xi32, #tpu.memory_space<vmem>> -> memref<1x128xi32, #tpu.memory_space<vmem>>
          %dma_start3A_110 = tpu.memref_squeeze %dma_start3A_109 : memref<1x128xi32, #tpu.memory_space<vmem>> -> memref<128xi32, #tpu.memory_space<vmem>>
          %dma_start3A_111 = arith.constant 0 : i32
          %dma_start3A_112 = arith.constant 0 : i32
          %dma_start3A_113 = tpu.memref_slice %arg10[%dma_start3A_111, %dma_start3A_112] : memref<10240x128xf32, #tpu.memory_space<vmem_shared>> -> memref<10240x128xf32, #tpu.memory_space<vmem_shared>>
          tpu.enqueue_indirect_dma source(%dma_start3A_107 : memref<128x128xf32, #tpu.memory_space<vmem>>) target(%dma_start3A_113 : memref<10240x128xf32, #tpu.memory_space<vmem_shared>>) offsets(%dma_start3A_110 : memref<128xi32, #tpu.memory_space<vmem>>) semaphore(%run_scoped3A_104 : memref<!tpu.dma_semaphore, #tpu.memory_space<semaphore_mem>>) {add = true}
          %dma_wait3A_114 = arith.constant 0 : i32
          %dma_wait3A_115 = arith.constant 0 : i32
          %dma_wait3A_116 = tpu.memref_slice %arg9[%run_scoped3A_84, %dma_wait3A_114, %dma_wait3A_115] : memref<2x128x128xf32, #tpu.memory_space<vmem>> -> memref<1x128x128xf32, #tpu.memory_space<vmem>>
          %dma_wait3A_117 = tpu.memref_squeeze %dma_wait3A_116 : memref<1x128x128xf32, #tpu.memory_space<vmem>> -> memref<128x128xf32, #tpu.memory_space<vmem>>
          %dma_wait3A_118 = arith.constant 0 : i32
          %dma_wait3A_119 = tpu.memref_slice %arg8[%mul3A_60, %dma_wait3A_118] : memref<32x128xi32, #tpu.memory_space<vmem>> -> memref<1x128xi32, #tpu.memory_space<vmem>>
          %dma_wait3A_120 = tpu.memref_squeeze %dma_wait3A_119 : memref<1x128xi32, #tpu.memory_space<vmem>> -> memref<128xi32, #tpu.memory_space<vmem>>
          %dma_wait3A_121 = arith.constant 0 : i32
          %dma_wait3A_122 = arith.constant 0 : i32
          %dma_wait3A_123 = tpu.memref_slice %arg10[%dma_wait3A_121, %dma_wait3A_122] : memref<10240x128xf32, #tpu.memory_space<vmem_shared>> -> memref<10240x128xf32, #tpu.memory_space<vmem_shared>>
          tpu.wait_indirect_dma semaphore(%run_scoped3A_104 : memref<!tpu.dma_semaphore, #tpu.memory_space<semaphore_mem>>) src(%dma_wait3A_117 : memref<128x128xf32, #tpu.memory_space<vmem>>) dst(%dma_wait3A_123 : memref<10240x128xf32, #tpu.memory_space<vmem_shared>>)
          tpu.yield
        }) : () -> ()
        %dma_wait3A_85 = arith.constant 0 : i32
        %dma_wait3A_86 = arith.constant 1 : i32
        %dma_wait3A_87 = arith.constant 0 : i32
        %dma_wait3A_88 = arith.constant 0 : i32
        %dma_wait3A_89 = tpu.memref_slice %arg9[%dma_wait3A_86, %dma_wait3A_87, %dma_wait3A_88] : memref<2x128x128xf32, #tpu.memory_space<vmem>> -> memref<1x128x128xf32, #tpu.memory_space<vmem>>
        %dma_wait3A_90 = tpu.memref_squeeze %dma_wait3A_89 : memref<1x128x128xf32, #tpu.memory_space<vmem>> -> memref<128x128xf32, #tpu.memory_space<vmem>>
        %dma_wait3A_91 = arith.constant 0 : i32
        %dma_wait3A_92 = tpu.memref_slice %arg7[%dma_wait3A_85, %dma_wait3A_91] : memref<32x128xi32, #tpu.memory_space<vmem>> -> memref<1x128xi32, #tpu.memory_space<vmem>>
        %dma_wait3A_93 = tpu.memref_squeeze %dma_wait3A_92 : memref<1x128xi32, #tpu.memory_space<vmem>> -> memref<128xi32, #tpu.memory_space<vmem>>
        %dma_wait3A_94 = arith.constant 0 : i32
        %dma_wait3A_95 = arith.constant 0 : i32
        %dma_wait3A_96 = tpu.memref_slice %arg2[%dma_wait3A_94, %dma_wait3A_95] : memref<10000x128xf32, #tpu.memory_space<hbm>> -> memref<10000x128xf32, #tpu.memory_space<hbm>>
        tpu.wait_indirect_dma semaphore(%arg12 : memref<!tpu.dma_semaphore, #tpu.memory_space<semaphore_mem>>) src(%dma_wait3A_96 : memref<10000x128xf32, #tpu.memory_space<hbm>>) dst(%dma_wait3A_90 : memref<128x128xf32, #tpu.memory_space<vmem>>)
        %lt3A = arith.constant 15 : i32
        %lt3A_97 = arith.cmpi slt, %scan3A_58, %lt3A : i32
        %convert_element_type3A_98 = arith.extui %lt3A_97 : i1 to i32
        %cond3A_99 = arith.constant 0 : i32
        %cond3A_100 = arith.cmpi ne, %convert_element_type3A_98, %cond3A_99 : i32
        scf.if %cond3A_100 {
          %add3A_104 = arith.constant 2 : i32
          %add3A_105 = arith.addi %mul3A_60, %add3A_104 : i32
          %eq3A_106 = arith.constant 0 : i32
          %eq3A_107 = arith.cmpi eq, %arg0, %eq3A_106 : i32
          %convert_element_type3A_108 = arith.extui %eq3A_107 : i1 to i32
          %cond3A_109 = arith.constant 0 : i32
          %cond3A_110 = arith.cmpi ne, %convert_element_type3A_108, %cond3A_109 : i32
          scf.if %cond3A_110 {
            %dma_start3A = arith.constant 0 : i32
            %dma_start3A_116 = arith.constant 0 : i32
            %dma_start3A_117 = arith.constant 0 : i32
            %dma_start3A_118 = tpu.memref_slice %arg9[%dma_start3A, %dma_start3A_116, %dma_start3A_117] : memref<2x128x128xf32, #tpu.memory_space<vmem>> -> memref<1x128x128xf32, #tpu.memory_space<vmem>>
            %dma_start3A_119 = tpu.memref_squeeze %dma_start3A_118 : memref<1x128x128xf32, #tpu.memory_space<vmem>> -> memref<128x128xf32, #tpu.memory_space<vmem>>
            %dma_start3A_120 = arith.constant 0 : i32
            %dma_start3A_121 = tpu.memref_slice %arg7[%add3A_105, %dma_start3A_120] : memref<32x128xi32, #tpu.memory_space<vmem>> -> memref<1x128xi32, #tpu.memory_space<vmem>>
            %dma_start3A_122 = tpu.memref_squeeze %dma_start3A_121 : memref<1x128xi32, #tpu.memory_space<vmem>> -> memref<128xi32, #tpu.memory_space<vmem>>
            %dma_start3A_123 = arith.constant 0 : i32
            %dma_start3A_124 = arith.constant 0 : i32
            %dma_start3A_125 = tpu.memref_slice %arg2[%dma_start3A_123, %dma_start3A_124] : memref<10000x128xf32, #tpu.memory_space<hbm>> -> memref<10000x128xf32, #tpu.memory_space<hbm>>
            tpu.enqueue_indirect_dma source(%dma_start3A_125 : memref<10000x128xf32, #tpu.memory_space<hbm>>) target(%dma_start3A_119 : memref<128x128xf32, #tpu.memory_space<vmem>>) offsets(%dma_start3A_122 : memref<128xi32, #tpu.memory_space<vmem>>) semaphore(%arg11 : memref<!tpu.dma_semaphore, #tpu.memory_space<semaphore_mem>>)
          } else {
          }
          %eq3A_111 = arith.constant 1 : i32
          %eq3A_112 = arith.cmpi eq, %arg0, %eq3A_111 : i32
          %convert_element_type3A_113 = arith.extui %eq3A_112 : i1 to i32
          %cond3A_114 = arith.constant 0 : i32
          %cond3A_115 = arith.cmpi ne, %convert_element_type3A_113, %cond3A_114 : i32
          scf.if %cond3A_115 {
            %dma_start3A = arith.constant 0 : i32
            %dma_start3A_116 = arith.constant 0 : i32
            %dma_start3A_117 = arith.constant 0 : i32
            %dma_start3A_118 = tpu.memref_slice %arg9[%dma_start3A, %dma_start3A_116, %dma_start3A_117] : memref<2x128x128xf32, #tpu.memory_space<vmem>> -> memref<1x128x128xf32, #tpu.memory_space<vmem>>
            %dma_start3A_119 = tpu.memref_squeeze %dma_start3A_118 : memref<1x128x128xf32, #tpu.memory_space<vmem>> -> memref<128x128xf32, #tpu.memory_space<vmem>>
            %dma_start3A_120 = arith.constant 0 : i32
            %dma_start3A_121 = tpu.memref_slice %arg7[%add3A_105, %dma_start3A_120] : memref<32x128xi32, #tpu.memory_space<vmem>> -> memref<1x128xi32, #tpu.memory_space<vmem>>
            %dma_start3A_122 = tpu.memref_squeeze %dma_start3A_121 : memref<1x128xi32, #tpu.memory_space<vmem>> -> memref<128xi32, #tpu.memory_space<vmem>>
            %dma_start3A_123 = arith.constant 0 : i32
            %dma_start3A_124 = arith.constant 0 : i32
            %dma_start3A_125 = tpu.memref_slice %arg3[%dma_start3A_123, %dma_start3A_124] : memref<10000x128xf32, #tpu.memory_space<hbm>> -> memref<10000x128xf32, #tpu.memory_space<hbm>>
            tpu.enqueue_indirect_dma source(%dma_start3A_125 : memref<10000x128xf32, #tpu.memory_space<hbm>>) target(%dma_start3A_119 : memref<128x128xf32, #tpu.memory_space<vmem>>) offsets(%dma_start3A_122 : memref<128xi32, #tpu.memory_space<vmem>>) semaphore(%arg11 : memref<!tpu.dma_semaphore, #tpu.memory_space<semaphore_mem>>)
          } else {
          }
        } else {
        }
        %add3A_101 = arith.constant 1 : i32
        %add3A_102 = arith.addi %mul3A_60, %add3A_101 : i32
        %run_scoped3A_103 = arith.constant 1 : i32
        "tpu.region"() ({
          %run_scoped3A_104 = tpu.sem_alloc : memref<!tpu.dma_semaphore, #tpu.memory_space<semaphore_mem>>
          %dma_start3A = arith.constant 0 : i32
          %dma_start3A_105 = arith.constant 0 : i32
          %dma_start3A_106 = tpu.memref_slice %arg9[%run_scoped3A_103, %dma_start3A, %dma_start3A_105] : memref<2x128x128xf32, #tpu.memory_space<vmem>> -> memref<1x128x128xf32, #tpu.memory_space<vmem>>
          %dma_start3A_107 = tpu.memref_squeeze %dma_start3A_106 : memref<1x128x128xf32, #tpu.memory_space<vmem>> -> memref<128x128xf32, #tpu.memory_space<vmem>>
          %dma_start3A_108 = arith.constant 0 : i32
          %dma_start3A_109 = tpu.memref_slice %arg8[%add3A_102, %dma_start3A_108] : memref<32x128xi32, #tpu.memory_space<vmem>> -> memref<1x128xi32, #tpu.memory_space<vmem>>
          %dma_start3A_110 = tpu.memref_squeeze %dma_start3A_109 : memref<1x128xi32, #tpu.memory_space<vmem>> -> memref<128xi32, #tpu.memory_space<vmem>>
          %dma_start3A_111 = arith.constant 0 : i32
          %dma_start3A_112 = arith.constant 0 : i32
          %dma_start3A_113 = tpu.memref_slice %arg10[%dma_start3A_111, %dma_start3A_112] : memref<10240x128xf32, #tpu.memory_space<vmem_shared>> -> memref<10240x128xf32, #tpu.memory_space<vmem_shared>>
          tpu.enqueue_indirect_dma source(%dma_start3A_107 : memref<128x128xf32, #tpu.memory_space<vmem>>) target(%dma_start3A_113 : memref<10240x128xf32, #tpu.memory_space<vmem_shared>>) offsets(%dma_start3A_110 : memref<128xi32, #tpu.memory_space<vmem>>) semaphore(%run_scoped3A_104 : memref<!tpu.dma_semaphore, #tpu.memory_space<semaphore_mem>>) {add = true}
          %dma_wait3A_114 = arith.constant 0 : i32
          %dma_wait3A_115 = arith.constant 0 : i32
          %dma_wait3A_116 = tpu.memref_slice %arg9[%run_scoped3A_103, %dma_wait3A_114, %dma_wait3A_115] : memref<2x128x128xf32, #tpu.memory_space<vmem>> -> memref<1x128x128xf32, #tpu.memory_space<vmem>>
          %dma_wait3A_117 = tpu.memref_squeeze %dma_wait3A_116 : memref<1x128x128xf32, #tpu.memory_space<vmem>> -> memref<128x128xf32, #tpu.memory_space<vmem>>
          %dma_wait3A_118 = arith.constant 0 : i32
          %dma_wait3A_119 = tpu.memref_slice %arg8[%add3A_102, %dma_wait3A_118] : memref<32x128xi32, #tpu.memory_space<vmem>> -> memref<1x128xi32, #tpu.memory_space<vmem>>
          %dma_wait3A_120 = tpu.memref_squeeze %dma_wait3A_119 : memref<1x128xi32, #tpu.memory_space<vmem>> -> memref<128xi32, #tpu.memory_space<vmem>>
          %dma_wait3A_121 = arith.constant 0 : i32
          %dma_wait3A_122 = arith.constant 0 : i32
          %dma_wait3A_123 = tpu.memref_slice %arg10[%dma_wait3A_121, %dma_wait3A_122] : memref<10240x128xf32, #tpu.memory_space<vmem_shared>> -> memref<10240x128xf32, #tpu.memory_space<vmem_shared>>
          tpu.wait_indirect_dma semaphore(%run_scoped3A_104 : memref<!tpu.dma_semaphore, #tpu.memory_space<semaphore_mem>>) src(%dma_wait3A_117 : memref<128x128xf32, #tpu.memory_space<vmem>>) dst(%dma_wait3A_123 : memref<10240x128xf32, #tpu.memory_space<vmem_shared>>)
          tpu.yield
        }) : () -> ()
      }
      %scan3A_57 = arith.constant 16 : i32
    }
    %scan3A_33 = arith.constant 5 : i32
    %barrier3A_34 = arith.constant 0 : index
    tpu.barrier barrier_id(%barrier3A_34)
    %mul3A_35 = arith.constant 640 : i32
    %mul3A_36 = arith.muli %arg1, %mul3A_35 : i32
    %mul3A_37 = arith.constant 640 : i32
    %mul3A_38 = arith.muli %arg1, %mul3A_37 : i32
    "tpu.region"() ({
      %run_scoped3A_39 = tpu.sem_alloc : memref<!tpu.dma_semaphore, #tpu.memory_space<semaphore_mem>>
      %dma_start3A = arith.constant 0 : i32
      %dma_start3A_40 = arith.constant 0 : i32
      %dma_start3A_41 = tpu.memref_slice %arg6[%arg0, %dma_start3A, %dma_start3A_40] : memref<2x10240x128xf32, #tpu.memory_space<hbm>> -> memref<1x10240x128xf32, #tpu.memory_space<hbm>>
      %dma_start3A_42 = tpu.memref_squeeze %dma_start3A_41 : memref<1x10240x128xf32, #tpu.memory_space<hbm>> -> memref<10240x128xf32, #tpu.memory_space<hbm>>
      %dma_start3A_43 = arith.constant 0 : i32
      %dma_start3A_44 = tpu.memref_slice %dma_start3A_42[%mul3A_38, %dma_start3A_43] : memref<10240x128xf32, #tpu.memory_space<hbm>> -> memref<640x128xf32, #tpu.memory_space<hbm>>
      %dma_start3A_45 = arith.constant 0 : i32
      %dma_start3A_46 = tpu.memref_slice %arg10[%mul3A_36, %dma_start3A_45] : memref<10240x128xf32, #tpu.memory_space<vmem_shared>> -> memref<640x128xf32, #tpu.memory_space<vmem_shared>>
      tpu.enqueue_dma source(%dma_start3A_46 : memref<640x128xf32, #tpu.memory_space<vmem_shared>>) target(%dma_start3A_44 : memref<640x128xf32, #tpu.memory_space<hbm>>) target_semaphore(%run_scoped3A_39 : memref<!tpu.dma_semaphore, #tpu.memory_space<semaphore_mem>>)
      %dma_wait3A = arith.constant 0 : i32
      %dma_wait3A_47 = arith.constant 0 : i32
      %dma_wait3A_48 = tpu.memref_slice %arg6[%arg0, %dma_wait3A, %dma_wait3A_47] : memref<2x10240x128xf32, #tpu.memory_space<hbm>> -> memref<1x10240x128xf32, #tpu.memory_space<hbm>>
      %dma_wait3A_49 = tpu.memref_squeeze %dma_wait3A_48 : memref<1x10240x128xf32, #tpu.memory_space<hbm>> -> memref<10240x128xf32, #tpu.memory_space<hbm>>
      %dma_wait3A_50 = arith.constant 0 : i32
      %dma_wait3A_51 = tpu.memref_slice %dma_wait3A_49[%mul3A_38, %dma_wait3A_50] : memref<10240x128xf32, #tpu.memory_space<hbm>> -> memref<640x128xf32, #tpu.memory_space<hbm>>
      %dma_wait3A_52 = arith.constant 0 : i32
      %dma_wait3A_53 = tpu.memref_slice %arg10[%mul3A_36, %dma_wait3A_52] : memref<10240x128xf32, #tpu.memory_space<vmem_shared>> -> memref<640x128xf32, #tpu.memory_space<vmem_shared>>
      tpu.wait_dma2 semaphore(%run_scoped3A_39 : memref<!tpu.dma_semaphore, #tpu.memory_space<semaphore_mem>>) src(%dma_wait3A_53 : memref<640x128xf32, #tpu.memory_space<vmem_shared>>) dst(%dma_wait3A_51 : memref<640x128xf32, #tpu.memory_space<hbm>>)
      tpu.yield
    }) : () -> ()
    return
  }
}

#map = affine_map<(d0, d1) -> (0, 0)>
#map1 = affine_map<(d0, d1) -> (0, 0, 0)>
module attributes {stable_mosaic.version = 14 : i64} {
  func.func @k(%arg0: i32, %arg1: i32, %arg2: memref<10000x128xf32, #tpu.memory_space<hbm>>, %arg3: memref<10000x128xf32, #tpu.memory_space<hbm>>, %arg4: memref<2560x128xi32, #tpu.memory_space<hbm>>, %arg5: memref<2560x128xi32, #tpu.memory_space<hbm>>, %arg6: memref<2x10240x128xf32, #tpu.memory_space<hbm>>, %arg7: memref<32x128xi32, #tpu.memory_space<vmem>>, %arg8: memref<32x128xi32, #tpu.memory_space<vmem>>, %arg9: memref<2x128x128xf32, #tpu.memory_space<vmem>>, %arg10: memref<10240x128xf32, #tpu.memory_space<vmem_shared>>, %arg11: memref<!tpu.dma_semaphore, #tpu.memory_space<semaphore_mem>>, %arg12: memref<!tpu.dma_semaphore, #tpu.memory_space<semaphore_mem>>) attributes {dimension_semantics = [#tpu.dimension_semantics<core_parallel>, #tpu.dimension_semantics<subcore_parallel>], iteration_bounds = array<i64: 2, 16>, scalar_prefetch = 0 : i64, scratch_operands = 6 : i64, tpu.core_type = #tpu.core_type<sc_vector_subcore>, window_params = [{transform_indices = #map}, {transform_indices = #map}, {transform_indices = #map}, {transform_indices = #map}, {transform_indices = #map1}]} {
    %broadcast_in_dim3A = arith.constant 0.000000e+00 : f32
    %broadcast_in_dim3A_0 = vector.broadcast %broadcast_in_dim3A : f32 to vector<16xf32>
    %scan3A = arith.constant 0 : i32
    %scan3A_1 = arith.constant 0 : i32
    %scan3A_2 = arith.constant 128 : i32
    %scan3A_3 = arith.addi %scan3A_1, %scan3A_2 : i32
    %scan3A_4 = arith.constant 1 : i32
    scf.for %scan3A_39 = %scan3A_1 to %scan3A_3 step %scan3A_4  : i32 {
      %swap3A = arith.constant 0 : i32
      %swap3A_40 = arith.index_cast %swap3A : i32 to index
      %swap3A_41 = arith.index_cast %scan3A_39 : i32 to index
      %swap3A_42 = arith.constant 0 : index
      %swap3A_43 = tpu.vector_load %arg9[%swap3A_40, %swap3A_41, %swap3A_42] {strides = array<i32>} : memref<2x128x128xf32, #tpu.memory_space<vmem>>, vector<1x1x16xf32>,
      %swap3A_44 = vector.shape_cast %swap3A_43 : vector<1x1x16xf32> to vector<16xf32>
      %swap3A_45 = vector.shape_cast %broadcast_in_dim3A_0 : vector<16xf32> to vector<1x1x16xf32>
      tpu.vector_store %arg9[%swap3A_40, %swap3A_41, %swap3A_42], %swap3A_45 {strides = array<i32>} : memref<2x128x128xf32, #tpu.memory_space<vmem>>, vector<1x1x16xf32>,
      %swap3A_46 = arith.constant 0 : i32
      %swap3A_47 = arith.index_cast %swap3A_46 : i32 to index
      %swap3A_48 = arith.index_cast %scan3A_39 : i32 to index
      %swap3A_49 = arith.constant 16 : index
      %swap3A_50 = tpu.vector_load %arg9[%swap3A_47, %swap3A_48, %swap3A_49] {strides = array<i32>} : memref<2x128x128xf32, #tpu.memory_space<vmem>>, vector<1x1x16xf32>,
      %swap3A_51 = vector.shape_cast %swap3A_50 : vector<1x1x16xf32> to vector<16xf32>
      %swap3A_52 = vector.shape_cast %broadcast_in_dim3A_0 : vector<16xf32> to vector<1x1x16xf32>
      tpu.vector_store %arg9[%swap3A_47, %swap3A_48, %swap3A_49], %swap3A_52 {strides = array<i32>} : memref<2x128x128xf32, #tpu.memory_space<vmem>>, vector<1x1x16xf32>,
      %swap3A_53 = arith.constant 0 : i32
      %swap3A_54 = arith.index_cast %swap3A_53 : i32 to index
      %swap3A_55 = arith.index_cast %scan3A_39 : i32 to index
      %swap3A_56 = arith.constant 32 : index
      %swap3A_57 = tpu.vector_load %arg9[%swap3A_54, %swap3A_55, %swap3A_56] {strides = array<i32>} : memref<2x128x128xf32, #tpu.memory_space<vmem>>, vector<1x1x16xf32>,
      %swap3A_58 = vector.shape_cast %swap3A_57 : vector<1x1x16xf32> to vector<16xf32>
      %swap3A_59 = vector.shape_cast %broadcast_in_dim3A_0 : vector<16xf32> to vector<1x1x16xf32>
      tpu.vector_store %arg9[%swap3A_54, %swap3A_55, %swap3A_56], %swap3A_59 {strides = array<i32>} : memref<2x128x128xf32, #tpu.memory_space<vmem>>, vector<1x1x16xf32>,
      %swap3A_60 = arith.constant 0 : i32
      %swap3A_61 = arith.index_cast %swap3A_60 : i32 to index
      %swap3A_62 = arith.index_cast %scan3A_39 : i32 to index
      %swap3A_63 = arith.constant 48 : index
      %swap3A_64 = tpu.vector_load %arg9[%swap3A_61, %swap3A_62, %swap3A_63] {strides = array<i32>} : memref<2x128x128xf32, #tpu.memory_space<vmem>>, vector<1x1x16xf32>,
      %swap3A_65 = vector.shape_cast %swap3A_64 : vector<1x1x16xf32> to vector<16xf32>
      %swap3A_66 = vector.shape_cast %broadcast_in_dim3A_0 : vector<16xf32> to vector<1x1x16xf32>
      tpu.vector_store %arg9[%swap3A_61, %swap3A_62, %swap3A_63], %swap3A_66 {strides = array<i32>} : memref<2x128x128xf32, #tpu.memory_space<vmem>>, vector<1x1x16xf32>,
      %swap3A_67 = arith.constant 0 : i32
      %swap3A_68 = arith.index_cast %swap3A_67 : i32 to index
      %swap3A_69 = arith.index_cast %scan3A_39 : i32 to index
      %swap3A_70 = arith.constant 64 : index
      %swap3A_71 = tpu.vector_load %arg9[%swap3A_68, %swap3A_69, %swap3A_70] {strides = array<i32>} : memref<2x128x128xf32, #tpu.memory_space<vmem>>, vector<1x1x16xf32>,
      %swap3A_72 = vector.shape_cast %swap3A_71 : vector<1x1x16xf32> to vector<16xf32>
      %swap3A_73 = vector.shape_cast %broadcast_in_dim3A_0 : vector<16xf32> to vector<1x1x16xf32>
      tpu.vector_store %arg9[%swap3A_68, %swap3A_69, %swap3A_70], %swap3A_73 {strides = array<i32>} : memref<2x128x128xf32, #tpu.memory_space<vmem>>, vector<1x1x16xf32>,
      %swap3A_74 = arith.constant 0 : i32
      %swap3A_75 = arith.index_cast %swap3A_74 : i32 to index
      %swap3A_76 = arith.index_cast %scan3A_39 : i32 to index
      %swap3A_77 = arith.constant 80 : index
      %swap3A_78 = tpu.vector_load %arg9[%swap3A_75, %swap3A_76, %swap3A_77] {strides = array<i32>} : memref<2x128x128xf32, #tpu.memory_space<vmem>>, vector<1x1x16xf32>,
      %swap3A_79 = vector.shape_cast %swap3A_78 : vector<1x1x16xf32> to vector<16xf32>
      %swap3A_80 = vector.shape_cast %broadcast_in_dim3A_0 : vector<16xf32> to vector<1x1x16xf32>
      tpu.vector_store %arg9[%swap3A_75, %swap3A_76, %swap3A_77], %swap3A_80 {strides = array<i32>} : memref<2x128x128xf32, #tpu.memory_space<vmem>>, vector<1x1x16xf32>,
      %swap3A_81 = arith.constant 0 : i32
      %swap3A_82 = arith.index_cast %swap3A_81 : i32 to index
      %swap3A_83 = arith.index_cast %scan3A_39 : i32 to index
      %swap3A_84 = arith.constant 96 : index
      %swap3A_85 = tpu.vector_load %arg9[%swap3A_82, %swap3A_83, %swap3A_84] {strides = array<i32>} : memref<2x128x128xf32, #tpu.memory_space<vmem>>, vector<1x1x16xf32>,
      %swap3A_86 = vector.shape_cast %swap3A_85 : vector<1x1x16xf32> to vector<16xf32>
      %swap3A_87 = vector.shape_cast %broadcast_in_dim3A_0 : vector<16xf32> to vector<1x1x16xf32>
      tpu.vector_store %arg9[%swap3A_82, %swap3A_83, %swap3A_84], %swap3A_87 {strides = array<i32>} : memref<2x128x128xf32, #tpu.memory_space<vmem>>, vector<1x1x16xf32>,
      %swap3A_88 = arith.constant 0 : i32
      %swap3A_89 = arith.index_cast %swap3A_88 : i32 to index
      %swap3A_90 = arith.index_cast %scan3A_39 : i32 to index
      %swap3A_91 = arith.constant 112 : index
      %swap3A_92 = tpu.vector_load %arg9[%swap3A_89, %swap3A_90, %swap3A_91] {strides = array<i32>} : memref<2x128x128xf32, #tpu.memory_space<vmem>>, vector<1x1x16xf32>,
      %swap3A_93 = vector.shape_cast %swap3A_92 : vector<1x1x16xf32> to vector<16xf32>
      %swap3A_94 = vector.shape_cast %broadcast_in_dim3A_0 : vector<16xf32> to vector<1x1x16xf32>
      tpu.vector_store %arg9[%swap3A_89, %swap3A_90, %swap3A_91], %swap3A_94 {strides = array<i32>} : memref<2x128x128xf32, #tpu.memory_space<vmem>>, vector<1x1x16xf32>,
    }
    %scan3A_5 = arith.constant 128 : i32
    %mul3A = arith.constant 640 : i32
    %mul3A_6 = arith.muli %arg1, %mul3A : i32
    %add3A = arith.constant 0 : i32
    %add3A_7 = arith.addi %mul3A_6, %add3A : i32
    %run_scoped3A = arith.constant 0 : i32
    "tpu.region"() ({
      %run_scoped3A_39 = tpu.sem_alloc : memref<!tpu.dma_semaphore, #tpu.memory_space<semaphore_mem>>
      %dma_start3A = arith.constant 0 : i32
      %dma_start3A_40 = arith.constant 0 : i32
      %dma_start3A_41 = tpu.memref_slice %arg9[%run_scoped3A, %dma_start3A, %dma_start3A_40] : memref<2x128x128xf32, #tpu.memory_space<vmem>> -> memref<1x128x128xf32, #tpu.memory_space<vmem>>
      %dma_start3A_42 = tpu.memref_squeeze %dma_start3A_41 : memref<1x128x128xf32, #tpu.memory_space<vmem>> -> memref<128x128xf32, #tpu.memory_space<vmem>>
      %dma_start3A_43 = arith.constant 0 : i32
      %dma_start3A_44 = tpu.memref_slice %arg10[%add3A_7, %dma_start3A_43] : memref<10240x128xf32, #tpu.memory_space<vmem_shared>> -> memref<128x128xf32, #tpu.memory_space<vmem_shared>>
      %dma_start3A_45 = arith.constant 0 : i32
      %dma_start3A_46 = tpu.memref_slice %arg10[%add3A_7, %dma_start3A_45] : memref<10240x128xf32, #tpu.memory_space<vmem_shared>> -> memref<128x128xf32, #tpu.memory_space<vmem_shared>>
      %dma_start3A_47 = arith.constant 0 : i32
      %dma_start3A_48 = arith.constant 0 : i32
      %dma_start3A_49 = tpu.memref_slice %arg9[%run_scoped3A, %dma_start3A_47, %dma_start3A_48] : memref<2x128x128xf32, #tpu.memory_space<vmem>> -> memref<1x128x128xf32, #tpu.memory_space<vmem>>
      %dma_start3A_50 = tpu.memref_squeeze %dma_start3A_49 : memref<1x128x128xf32, #tpu.memory_space<vmem>> -> memref<128x128xf32, #tpu.memory_space<vmem>>
      tpu.enqueue_dma source(%dma_start3A_50 : memref<128x128xf32, #tpu.memory_space<vmem>>) target(%dma_start3A_46 : memref<128x128xf32, #tpu.memory_space<vmem_shared>>) target_semaphore(%run_scoped3A_39 : memref<!tpu.dma_semaphore, #tpu.memory_space<semaphore_mem>>)
      %dma_wait3A = arith.constant 0 : i32
      %dma_wait3A_51 = arith.constant 0 : i32
      %dma_wait3A_52 = tpu.memref_slice %arg9[%run_scoped3A, %dma_wait3A, %dma_wait3A_51] : memref<2x128x128xf32, #tpu.memory_space<vmem>> -> memref<1x128x128xf32, #tpu.memory_space<vmem>>
      %dma_wait3A_53 = tpu.memref_squeeze %dma_wait3A_52 : memref<1x128x128xf32, #tpu.memory_space<vmem>> -> memref<128x128xf32, #tpu.memory_space<vmem>>
      %dma_wait3A_54 = arith.constant 0 : i32
      %dma_wait3A_55 = tpu.memref_slice %arg10[%add3A_7, %dma_wait3A_54] : memref<10240x128xf32, #tpu.memory_space<vmem_shared>> -> memref<128x128xf32, #tpu.memory_space<vmem_shared>>
      %dma_wait3A_56 = arith.constant 0 : i32
      %dma_wait3A_57 = tpu.memref_slice %arg10[%add3A_7, %dma_wait3A_56] : memref<10240x128xf32, #tpu.memory_space<vmem_shared>> -> memref<128x128xf32, #tpu.memory_space<vmem_shared>>
      %dma_wait3A_58 = arith.constant 0 : i32
      %dma_wait3A_59 = arith.constant 0 : i32
      %dma_wait3A_60 = tpu.memref_slice %arg9[%run_scoped3A, %dma_wait3A_58, %dma_wait3A_59] : memref<2x128x128xf32, #tpu.memory_space<vmem>> -> memref<1x128x128xf32, #tpu.memory_space<vmem>>
      %dma_wait3A_61 = tpu.memref_squeeze %dma_wait3A_60 : memref<1x128x128xf32, #tpu.memory_space<vmem>> -> memref<128x128xf32, #tpu.memory_space<vmem>>
      tpu.wait_dma2 semaphore(%run_scoped3A_39 : memref<!tpu.dma_semaphore, #tpu.memory_space<semaphore_mem>>) src(%dma_wait3A_61 : memref<128x128xf32, #tpu.memory_space<vmem>>) dst(%dma_wait3A_57 : memref<128x128xf32, #tpu.memory_space<vmem_shared>>)
      tpu.yield
    }) : () -> ()
    %mul3A_8 = arith.constant 640 : i32
    %mul3A_9 = arith.muli %arg1, %mul3A_8 : i32
    %add3A_10 = arith.constant 128 : i32
    %add3A_11 = arith.addi %mul3A_9, %add3A_10 : i32
    %run_scoped3A_12 = arith.constant 0 : i32
    "tpu.region"() ({
      %run_scoped3A_39 = tpu.sem_alloc : memref<!tpu.dma_semaphore, #tpu.memory_space<semaphore_mem>>
      %dma_start3A = arith.constant 0 : i32
      %dma_start3A_40 = arith.constant 0 : i32
      %dma_start3A_41 = tpu.memref_slice %arg9[%run_scoped3A_12, %dma_start3A, %dma_start3A_40] : memref<2x128x128xf32, #tpu.memory_space<vmem>> -> memref<1x128x128xf32, #tpu.memory_space<vmem>>
      %dma_start3A_42 = tpu.memref_squeeze %dma_start3A_41 : memref<1x128x128xf32, #tpu.memory_space<vmem>> -> memref<128x128xf32, #tpu.memory_space<vmem>>
      %dma_start3A_43 = arith.constant 0 : i32
      %dma_start3A_44 = tpu.memref_slice %arg10[%add3A_11, %dma_start3A_43] : memref<10240x128xf32, #tpu.memory_space<vmem_shared>> -> memref<128x128xf32, #tpu.memory_space<vmem_shared>>
      %dma_start3A_45 = arith.constant 0 : i32
      %dma_start3A_46 = tpu.memref_slice %arg10[%add3A_11, %dma_start3A_45] : memref<10240x128xf32, #tpu.memory_space<vmem_shared>> -> memref<128x128xf32, #tpu.memory_space<vmem_shared>>
      %dma_start3A_47 = arith.constant 0 : i32
      %dma_start3A_48 = arith.constant 0 : i32
      %dma_start3A_49 = tpu.memref_slice %arg9[%run_scoped3A_12, %dma_start3A_47, %dma_start3A_48] : memref<2x128x128xf32, #tpu.memory_space<vmem>> -> memref<1x128x128xf32, #tpu.memory_space<vmem>>
      %dma_start3A_50 = tpu.memref_squeeze %dma_start3A_49 : memref<1x128x128xf32, #tpu.memory_space<vmem>> -> memref<128x128xf32, #tpu.memory_space<vmem>>
      tpu.enqueue_dma source(%dma_start3A_50 : memref<128x128xf32, #tpu.memory_space<vmem>>) target(%dma_start3A_46 : memref<128x128xf32, #tpu.memory_space<vmem_shared>>) target_semaphore(%run_scoped3A_39 : memref<!tpu.dma_semaphore, #tpu.memory_space<semaphore_mem>>)
      %dma_wait3A = arith.constant 0 : i32
      %dma_wait3A_51 = arith.constant 0 : i32
      %dma_wait3A_52 = tpu.memref_slice %arg9[%run_scoped3A_12, %dma_wait3A, %dma_wait3A_51] : memref<2x128x128xf32, #tpu.memory_space<vmem>> -> memref<1x128x128xf32, #tpu.memory_space<vmem>>
      %dma_wait3A_53 = tpu.memref_squeeze %dma_wait3A_52 : memref<1x128x128xf32, #tpu.memory_space<vmem>> -> memref<128x128xf32, #tpu.memory_space<vmem>>
      %dma_wait3A_54 = arith.constant 0 : i32
      %dma_wait3A_55 = tpu.memref_slice %arg10[%add3A_11, %dma_wait3A_54] : memref<10240x128xf32, #tpu.memory_space<vmem_shared>> -> memref<128x128xf32, #tpu.memory_space<vmem_shared>>
      %dma_wait3A_56 = arith.constant 0 : i32
      %dma_wait3A_57 = tpu.memref_slice %arg10[%add3A_11, %dma_wait3A_56] : memref<10240x128xf32, #tpu.memory_space<vmem_shared>> -> memref<128x128xf32, #tpu.memory_space<vmem_shared>>
      %dma_wait3A_58 = arith.constant 0 : i32
      %dma_wait3A_59 = arith.constant 0 : i32
      %dma_wait3A_60 = tpu.memref_slice %arg9[%run_scoped3A_12, %dma_wait3A_58, %dma_wait3A_59] : memref<2x128x128xf32, #tpu.memory_space<vmem>> -> memref<1x128x128xf32, #tpu.memory_space<vmem>>
      %dma_wait3A_61 = tpu.memref_squeeze %dma_wait3A_60 : memref<1x128x128xf32, #tpu.memory_space<vmem>> -> memref<128x128xf32, #tpu.memory_space<vmem>>
      tpu.wait_dma2 semaphore(%run_scoped3A_39 : memref<!tpu.dma_semaphore, #tpu.memory_space<semaphore_mem>>) src(%dma_wait3A_61 : memref<128x128xf32, #tpu.memory_space<vmem>>) dst(%dma_wait3A_57 : memref<128x128xf32, #tpu.memory_space<vmem_shared>>)
      tpu.yield
    }) : () -> ()
    %mul3A_13 = arith.constant 640 : i32
    %mul3A_14 = arith.muli %arg1, %mul3A_13 : i32
    %add3A_15 = arith.constant 256 : i32
    %add3A_16 = arith.addi %mul3A_14, %add3A_15 : i32
    %run_scoped3A_17 = arith.constant 0 : i32
    "tpu.region"() ({
      %run_scoped3A_39 = tpu.sem_alloc : memref<!tpu.dma_semaphore, #tpu.memory_space<semaphore_mem>>
      %dma_start3A = arith.constant 0 : i32
      %dma_start3A_40 = arith.constant 0 : i32
      %dma_start3A_41 = tpu.memref_slice %arg9[%run_scoped3A_17, %dma_start3A, %dma_start3A_40] : memref<2x128x128xf32, #tpu.memory_space<vmem>> -> memref<1x128x128xf32, #tpu.memory_space<vmem>>
      %dma_start3A_42 = tpu.memref_squeeze %dma_start3A_41 : memref<1x128x128xf32, #tpu.memory_space<vmem>> -> memref<128x128xf32, #tpu.memory_space<vmem>>
      %dma_start3A_43 = arith.constant 0 : i32
      %dma_start3A_44 = tpu.memref_slice %arg10[%add3A_16, %dma_start3A_43] : memref<10240x128xf32, #tpu.memory_space<vmem_shared>> -> memref<128x128xf32, #tpu.memory_space<vmem_shared>>
      %dma_start3A_45 = arith.constant 0 : i32
      %dma_start3A_46 = tpu.memref_slice %arg10[%add3A_16, %dma_start3A_45] : memref<10240x128xf32, #tpu.memory_space<vmem_shared>> -> memref<128x128xf32, #tpu.memory_space<vmem_shared>>
      %dma_start3A_47 = arith.constant 0 : i32
      %dma_start3A_48 = arith.constant 0 : i32
      %dma_start3A_49 = tpu.memref_slice %arg9[%run_scoped3A_17, %dma_start3A_47, %dma_start3A_48] : memref<2x128x128xf32, #tpu.memory_space<vmem>> -> memref<1x128x128xf32, #tpu.memory_space<vmem>>
      %dma_start3A_50 = tpu.memref_squeeze %dma_start3A_49 : memref<1x128x128xf32, #tpu.memory_space<vmem>> -> memref<128x128xf32, #tpu.memory_space<vmem>>
      tpu.enqueue_dma source(%dma_start3A_50 : memref<128x128xf32, #tpu.memory_space<vmem>>) target(%dma_start3A_46 : memref<128x128xf32, #tpu.memory_space<vmem_shared>>) target_semaphore(%run_scoped3A_39 : memref<!tpu.dma_semaphore, #tpu.memory_space<semaphore_mem>>)
      %dma_wait3A = arith.constant 0 : i32
      %dma_wait3A_51 = arith.constant 0 : i32
      %dma_wait3A_52 = tpu.memref_slice %arg9[%run_scoped3A_17, %dma_wait3A, %dma_wait3A_51] : memref<2x128x128xf32, #tpu.memory_space<vmem>> -> memref<1x128x128xf32, #tpu.memory_space<vmem>>
      %dma_wait3A_53 = tpu.memref_squeeze %dma_wait3A_52 : memref<1x128x128xf32, #tpu.memory_space<vmem>> -> memref<128x128xf32, #tpu.memory_space<vmem>>
      %dma_wait3A_54 = arith.constant 0 : i32
      %dma_wait3A_55 = tpu.memref_slice %arg10[%add3A_16, %dma_wait3A_54] : memref<10240x128xf32, #tpu.memory_space<vmem_shared>> -> memref<128x128xf32, #tpu.memory_space<vmem_shared>>
      %dma_wait3A_56 = arith.constant 0 : i32
      %dma_wait3A_57 = tpu.memref_slice %arg10[%add3A_16, %dma_wait3A_56] : memref<10240x128xf32, #tpu.memory_space<vmem_shared>> -> memref<128x128xf32, #tpu.memory_space<vmem_shared>>
      %dma_wait3A_58 = arith.constant 0 : i32
      %dma_wait3A_59 = arith.constant 0 : i32
      %dma_wait3A_60 = tpu.memref_slice %arg9[%run_scoped3A_17, %dma_wait3A_58, %dma_wait3A_59] : memref<2x128x128xf32, #tpu.memory_space<vmem>> -> memref<1x128x128xf32, #tpu.memory_space<vmem>>
      %dma_wait3A_61 = tpu.memref_squeeze %dma_wait3A_60 : memref<1x128x128xf32, #tpu.memory_space<vmem>> -> memref<128x128xf32, #tpu.memory_space<vmem>>
      tpu.wait_dma2 semaphore(%run_scoped3A_39 : memref<!tpu.dma_semaphore, #tpu.memory_space<semaphore_mem>>) src(%dma_wait3A_61 : memref<128x128xf32, #tpu.memory_space<vmem>>) dst(%dma_wait3A_57 : memref<128x128xf32, #tpu.memory_space<vmem_shared>>)
      tpu.yield
    }) : () -> ()
    %mul3A_18 = arith.constant 640 : i32
    %mul3A_19 = arith.muli %arg1, %mul3A_18 : i32
    %add3A_20 = arith.constant 384 : i32
    %add3A_21 = arith.addi %mul3A_19, %add3A_20 : i32
    %run_scoped3A_22 = arith.constant 0 : i32
    "tpu.region"() ({
      %run_scoped3A_39 = tpu.sem_alloc : memref<!tpu.dma_semaphore, #tpu.memory_space<semaphore_mem>>
      %dma_start3A = arith.constant 0 : i32
      %dma_start3A_40 = arith.constant 0 : i32
      %dma_start3A_41 = tpu.memref_slice %arg9[%run_scoped3A_22, %dma_start3A, %dma_start3A_40] : memref<2x128x128xf32, #tpu.memory_space<vmem>> -> memref<1x128x128xf32, #tpu.memory_space<vmem>>
      %dma_start3A_42 = tpu.memref_squeeze %dma_start3A_41 : memref<1x128x128xf32, #tpu.memory_space<vmem>> -> memref<128x128xf32, #tpu.memory_space<vmem>>
      %dma_start3A_43 = arith.constant 0 : i32
      %dma_start3A_44 = tpu.memref_slice %arg10[%add3A_21, %dma_start3A_43] : memref<10240x128xf32, #tpu.memory_space<vmem_shared>> -> memref<128x128xf32, #tpu.memory_space<vmem_shared>>
      %dma_start3A_45 = arith.constant 0 : i32
      %dma_start3A_46 = tpu.memref_slice %arg10[%add3A_21, %dma_start3A_45] : memref<10240x128xf32, #tpu.memory_space<vmem_shared>> -> memref<128x128xf32, #tpu.memory_space<vmem_shared>>
      %dma_start3A_47 = arith.constant 0 : i32
      %dma_start3A_48 = arith.constant 0 : i32
      %dma_start3A_49 = tpu.memref_slice %arg9[%run_scoped3A_22, %dma_start3A_47, %dma_start3A_48] : memref<2x128x128xf32, #tpu.memory_space<vmem>> -> memref<1x128x128xf32, #tpu.memory_space<vmem>>
      %dma_start3A_50 = tpu.memref_squeeze %dma_start3A_49 : memref<1x128x128xf32, #tpu.memory_space<vmem>> -> memref<128x128xf32, #tpu.memory_space<vmem>>
      tpu.enqueue_dma source(%dma_start3A_50 : memref<128x128xf32, #tpu.memory_space<vmem>>) target(%dma_start3A_46 : memref<128x128xf32, #tpu.memory_space<vmem_shared>>) target_semaphore(%run_scoped3A_39 : memref<!tpu.dma_semaphore, #tpu.memory_space<semaphore_mem>>)
      %dma_wait3A = arith.constant 0 : i32
      %dma_wait3A_51 = arith.constant 0 : i32
      %dma_wait3A_52 = tpu.memref_slice %arg9[%run_scoped3A_22, %dma_wait3A, %dma_wait3A_51] : memref<2x128x128xf32, #tpu.memory_space<vmem>> -> memref<1x128x128xf32, #tpu.memory_space<vmem>>
      %dma_wait3A_53 = tpu.memref_squeeze %dma_wait3A_52 : memref<1x128x128xf32, #tpu.memory_space<vmem>> -> memref<128x128xf32, #tpu.memory_space<vmem>>
      %dma_wait3A_54 = arith.constant 0 : i32
      %dma_wait3A_55 = tpu.memref_slice %arg10[%add3A_21, %dma_wait3A_54] : memref<10240x128xf32, #tpu.memory_space<vmem_shared>> -> memref<128x128xf32, #tpu.memory_space<vmem_shared>>
      %dma_wait3A_56 = arith.constant 0 : i32
      %dma_wait3A_57 = tpu.memref_slice %arg10[%add3A_21, %dma_wait3A_56] : memref<10240x128xf32, #tpu.memory_space<vmem_shared>> -> memref<128x128xf32, #tpu.memory_space<vmem_shared>>
      %dma_wait3A_58 = arith.constant 0 : i32
      %dma_wait3A_59 = arith.constant 0 : i32
      %dma_wait3A_60 = tpu.memref_slice %arg9[%run_scoped3A_22, %dma_wait3A_58, %dma_wait3A_59] : memref<2x128x128xf32, #tpu.memory_space<vmem>> -> memref<1x128x128xf32, #tpu.memory_space<vmem>>
      %dma_wait3A_61 = tpu.memref_squeeze %dma_wait3A_60 : memref<1x128x128xf32, #tpu.memory_space<vmem>> -> memref<128x128xf32, #tpu.memory_space<vmem>>
      tpu.wait_dma2 semaphore(%run_scoped3A_39 : memref<!tpu.dma_semaphore, #tpu.memory_space<semaphore_mem>>) src(%dma_wait3A_61 : memref<128x128xf32, #tpu.memory_space<vmem>>) dst(%dma_wait3A_57 : memref<128x128xf32, #tpu.memory_space<vmem_shared>>)
      tpu.yield
    }) : () -> ()
    %mul3A_23 = arith.constant 640 : i32
    %mul3A_24 = arith.muli %arg1, %mul3A_23 : i32
    %add3A_25 = arith.constant 512 : i32
    %add3A_26 = arith.addi %mul3A_24, %add3A_25 : i32
    %run_scoped3A_27 = arith.constant 0 : i32
    "tpu.region"() ({
      %run_scoped3A_39 = tpu.sem_alloc : memref<!tpu.dma_semaphore, #tpu.memory_space<semaphore_mem>>
      %dma_start3A = arith.constant 0 : i32
      %dma_start3A_40 = arith.constant 0 : i32
      %dma_start3A_41 = tpu.memref_slice %arg9[%run_scoped3A_27, %dma_start3A, %dma_start3A_40] : memref<2x128x128xf32, #tpu.memory_space<vmem>> -> memref<1x128x128xf32, #tpu.memory_space<vmem>>
      %dma_start3A_42 = tpu.memref_squeeze %dma_start3A_41 : memref<1x128x128xf32, #tpu.memory_space<vmem>> -> memref<128x128xf32, #tpu.memory_space<vmem>>
      %dma_start3A_43 = arith.constant 0 : i32
      %dma_start3A_44 = tpu.memref_slice %arg10[%add3A_26, %dma_start3A_43] : memref<10240x128xf32, #tpu.memory_space<vmem_shared>> -> memref<128x128xf32, #tpu.memory_space<vmem_shared>>
      %dma_start3A_45 = arith.constant 0 : i32
      %dma_start3A_46 = tpu.memref_slice %arg10[%add3A_26, %dma_start3A_45] : memref<10240x128xf32, #tpu.memory_space<vmem_shared>> -> memref<128x128xf32, #tpu.memory_space<vmem_shared>>
      %dma_start3A_47 = arith.constant 0 : i32
      %dma_start3A_48 = arith.constant 0 : i32
      %dma_start3A_49 = tpu.memref_slice %arg9[%run_scoped3A_27, %dma_start3A_47, %dma_start3A_48] : memref<2x128x128xf32, #tpu.memory_space<vmem>> -> memref<1x128x128xf32, #tpu.memory_space<vmem>>
      %dma_start3A_50 = tpu.memref_squeeze %dma_start3A_49 : memref<1x128x128xf32, #tpu.memory_space<vmem>> -> memref<128x128xf32, #tpu.memory_space<vmem>>
      tpu.enqueue_dma source(%dma_start3A_50 : memref<128x128xf32, #tpu.memory_space<vmem>>) target(%dma_start3A_46 : memref<128x128xf32, #tpu.memory_space<vmem_shared>>) target_semaphore(%run_scoped3A_39 : memref<!tpu.dma_semaphore, #tpu.memory_space<semaphore_mem>>)
      %dma_wait3A = arith.constant 0 : i32
      %dma_wait3A_51 = arith.constant 0 : i32
      %dma_wait3A_52 = tpu.memref_slice %arg9[%run_scoped3A_27, %dma_wait3A, %dma_wait3A_51] : memref<2x128x128xf32, #tpu.memory_space<vmem>> -> memref<1x128x128xf32, #tpu.memory_space<vmem>>
      %dma_wait3A_53 = tpu.memref_squeeze %dma_wait3A_52 : memref<1x128x128xf32, #tpu.memory_space<vmem>> -> memref<128x128xf32, #tpu.memory_space<vmem>>
      %dma_wait3A_54 = arith.constant 0 : i32
      %dma_wait3A_55 = tpu.memref_slice %arg10[%add3A_26, %dma_wait3A_54] : memref<10240x128xf32, #tpu.memory_space<vmem_shared>> -> memref<128x128xf32, #tpu.memory_space<vmem_shared>>
      %dma_wait3A_56 = arith.constant 0 : i32
      %dma_wait3A_57 = tpu.memref_slice %arg10[%add3A_26, %dma_wait3A_56] : memref<10240x128xf32, #tpu.memory_space<vmem_shared>> -> memref<128x128xf32, #tpu.memory_space<vmem_shared>>
      %dma_wait3A_58 = arith.constant 0 : i32
      %dma_wait3A_59 = arith.constant 0 : i32
      %dma_wait3A_60 = tpu.memref_slice %arg9[%run_scoped3A_27, %dma_wait3A_58, %dma_wait3A_59] : memref<2x128x128xf32, #tpu.memory_space<vmem>> -> memref<1x128x128xf32, #tpu.memory_space<vmem>>
      %dma_wait3A_61 = tpu.memref_squeeze %dma_wait3A_60 : memref<1x128x128xf32, #tpu.memory_space<vmem>> -> memref<128x128xf32, #tpu.memory_space<vmem>>
      tpu.wait_dma2 semaphore(%run_scoped3A_39 : memref<!tpu.dma_semaphore, #tpu.memory_space<semaphore_mem>>) src(%dma_wait3A_61 : memref<128x128xf32, #tpu.memory_space<vmem>>) dst(%dma_wait3A_57 : memref<128x128xf32, #tpu.memory_space<vmem_shared>>)
      tpu.yield
    }) : () -> ()
    %barrier3A = arith.constant 0 : index
    tpu.barrier barrier_id(%barrier3A)
    %scan3A_28 = arith.constant 0 : i32
    %scan3A_29 = arith.constant 0 : i32
    %scan3A_30 = arith.constant 5 : i32
    %scan3A_31 = arith.addi %scan3A_29, %scan3A_30 : i32
    %scan3A_32 = arith.constant 1 : i32
    scf.for %scan3A_39 = %scan3A_29 to %scan3A_31 step %scan3A_32  : i32 {
      %mul3A_40 = arith.constant 160 : i32
      %mul3A_41 = arith.muli %arg1, %mul3A_40 : i32
      %mul3A_42 = arith.constant 32 : i32
      %mul3A_43 = arith.muli %scan3A_39, %mul3A_42 : i32
      %add3A_44 = arith.addi %mul3A_41, %mul3A_43 : i32
      "tpu.region"() ({
        %run_scoped3A_58 = tpu.sem_alloc : memref<!tpu.dma_semaphore, #tpu.memory_space<semaphore_mem>>
        %dma_start3A = arith.constant 0 : i32
        %dma_start3A_59 = tpu.memref_slice %arg4[%add3A_44, %dma_start3A] : memref<2560x128xi32, #tpu.memory_space<hbm>> -> memref<32x128xi32, #tpu.memory_space<hbm>>
        %dma_start3A_60 = arith.constant 0 : i32
        %dma_start3A_61 = tpu.memref_slice %arg4[%add3A_44, %dma_start3A_60] : memref<2560x128xi32, #tpu.memory_space<hbm>> -> memref<32x128xi32, #tpu.memory_space<hbm>>
        tpu.enqueue_dma source(%dma_start3A_61 : memref<32x128xi32, #tpu.memory_space<hbm>>) target(%arg7 : memref<32x128xi32, #tpu.memory_space<vmem>>) target_semaphore(%run_scoped3A_58 : memref<!tpu.dma_semaphore, #tpu.memory_space<semaphore_mem>>)
        %dma_wait3A = arith.constant 0 : i32
        %dma_wait3A_62 = tpu.memref_slice %arg4[%add3A_44, %dma_wait3A] : memref<2560x128xi32, #tpu.memory_space<hbm>> -> memref<32x128xi32, #tpu.memory_space<hbm>>
        %dma_wait3A_63 = arith.constant 0 : i32
        %dma_wait3A_64 = tpu.memref_slice %arg4[%add3A_44, %dma_wait3A_63] : memref<2560x128xi32, #tpu.memory_space<hbm>> -> memref<32x128xi32, #tpu.memory_space<hbm>>
        tpu.wait_dma2 semaphore(%run_scoped3A_58 : memref<!tpu.dma_semaphore, #tpu.memory_space<semaphore_mem>>) src(%dma_wait3A_64 : memref<32x128xi32, #tpu.memory_space<hbm>>) dst(%arg7 : memref<32x128xi32, #tpu.memory_space<vmem>>)
        tpu.yield
      }) : () -> ()
      "tpu.region"() ({
        %run_scoped3A_58 = tpu.sem_alloc : memref<!tpu.dma_semaphore, #tpu.memory_space<semaphore_mem>>
        %dma_start3A = arith.constant 0 : i32
        %dma_start3A_59 = tpu.memref_slice %arg5[%add3A_44, %dma_start3A] : memref<2560x128xi32, #tpu.memory_space<hbm>> -> memref<32x128xi32, #tpu.memory_space<hbm>>
        %dma_start3A_60 = arith.constant 0 : i32
        %dma_start3A_61 = tpu.memref_slice %arg5[%add3A_44, %dma_start3A_60] : memref<2560x128xi32, #tpu.memory_space<hbm>> -> memref<32x128xi32, #tpu.memory_space<hbm>>
        tpu.enqueue_dma source(%dma_start3A_61 : memref<32x128xi32, #tpu.memory_space<hbm>>) target(%arg8 : memref<32x128xi32, #tpu.memory_space<vmem>>) target_semaphore(%run_scoped3A_58 : memref<!tpu.dma_semaphore, #tpu.memory_space<semaphore_mem>>)
        %dma_wait3A = arith.constant 0 : i32
        %dma_wait3A_62 = tpu.memref_slice %arg5[%add3A_44, %dma_wait3A] : memref<2560x128xi32, #tpu.memory_space<hbm>> -> memref<32x128xi32, #tpu.memory_space<hbm>>
        %dma_wait3A_63 = arith.constant 0 : i32
        %dma_wait3A_64 = tpu.memref_slice %arg5[%add3A_44, %dma_wait3A_63] : memref<2560x128xi32, #tpu.memory_space<hbm>> -> memref<32x128xi32, #tpu.memory_space<hbm>>
        tpu.wait_dma2 semaphore(%run_scoped3A_58 : memref<!tpu.dma_semaphore, #tpu.memory_space<semaphore_mem>>) src(%dma_wait3A_64 : memref<32x128xi32, #tpu.memory_space<hbm>>) dst(%arg8 : memref<32x128xi32, #tpu.memory_space<vmem>>)
        tpu.yield
      }) : () -> ()
      %eq3A = arith.constant 0 : i32
      %eq3A_45 = arith.cmpi eq, %arg0, %eq3A : i32
      %convert_element_type3A = arith.extui %eq3A_45 : i1 to i32
      %cond3A = arith.constant 0 : i32
      %cond3A_46 = arith.cmpi ne, %convert_element_type3A, %cond3A : i32
      scf.if %cond3A_46 {
        %dma_start3A = arith.constant 0 : i32
        %dma_start3A_58 = arith.constant 0 : i32
        %dma_start3A_59 = arith.constant 0 : i32
        %dma_start3A_60 = arith.constant 0 : i32
        %dma_start3A_61 = tpu.memref_slice %arg9[%dma_start3A_58, %dma_start3A_59, %dma_start3A_60] : memref<2x128x128xf32, #tpu.memory_space<vmem>> -> memref<1x128x128xf32, #tpu.memory_space<vmem>>
        %dma_start3A_62 = tpu.memref_squeeze %dma_start3A_61 : memref<1x128x128xf32, #tpu.memory_space<vmem>> -> memref<128x128xf32, #tpu.memory_space<vmem>>
        %dma_start3A_63 = arith.constant 0 : i32
        %dma_start3A_64 = tpu.memref_slice %arg7[%dma_start3A, %dma_start3A_63] : memref<32x128xi32, #tpu.memory_space<vmem>> -> memref<1x128xi32, #tpu.memory_space<vmem>>
        %dma_start3A_65 = tpu.memref_squeeze %dma_start3A_64 : memref<1x128xi32, #tpu.memory_space<vmem>> -> memref<128xi32, #tpu.memory_space<vmem>>
        %dma_start3A_66 = arith.constant 0 : i32
        %dma_start3A_67 = arith.constant 0 : i32
        %dma_start3A_68 = tpu.memref_slice %arg2[%dma_start3A_66, %dma_start3A_67] : memref<10000x128xf32, #tpu.memory_space<hbm>> -> memref<10000x128xf32, #tpu.memory_space<hbm>>
        tpu.enqueue_indirect_dma source(%dma_start3A_68 : memref<10000x128xf32, #tpu.memory_space<hbm>>) target(%dma_start3A_62 : memref<128x128xf32, #tpu.memory_space<vmem>>) offsets(%dma_start3A_65 : memref<128xi32, #tpu.memory_space<vmem>>) semaphore(%arg11 : memref<!tpu.dma_semaphore, #tpu.memory_space<semaphore_mem>>)
      } else {
      }
      %eq3A_47 = arith.constant 1 : i32
      %eq3A_48 = arith.cmpi eq, %arg0, %eq3A_47 : i32
      %convert_element_type3A_49 = arith.extui %eq3A_48 : i1 to i32
      %cond3A_50 = arith.constant 0 : i32
      %cond3A_51 = arith.cmpi ne, %convert_element_type3A_49, %cond3A_50 : i32
      scf.if %cond3A_51 {
        %dma_start3A = arith.constant 0 : i32
        %dma_start3A_58 = arith.constant 0 : i32
        %dma_start3A_59 = arith.constant 0 : i32
        %dma_start3A_60 = arith.constant 0 : i32
        %dma_start3A_61 = tpu.memref_slice %arg9[%dma_start3A_58, %dma_start3A_59, %dma_start3A_60] : memref<2x128x128xf32, #tpu.memory_space<vmem>> -> memref<1x128x128xf32, #tpu.memory_space<vmem>>
        %dma_start3A_62 = tpu.memref_squeeze %dma_start3A_61 : memref<1x128x128xf32, #tpu.memory_space<vmem>> -> memref<128x128xf32, #tpu.memory_space<vmem>>
        %dma_start3A_63 = arith.constant 0 : i32
        %dma_start3A_64 = tpu.memref_slice %arg7[%dma_start3A, %dma_start3A_63] : memref<32x128xi32, #tpu.memory_space<vmem>> -> memref<1x128xi32, #tpu.memory_space<vmem>>
        %dma_start3A_65 = tpu.memref_squeeze %dma_start3A_64 : memref<1x128xi32, #tpu.memory_space<vmem>> -> memref<128xi32, #tpu.memory_space<vmem>>
        %dma_start3A_66 = arith.constant 0 : i32
        %dma_start3A_67 = arith.constant 0 : i32
        %dma_start3A_68 = tpu.memref_slice %arg3[%dma_start3A_66, %dma_start3A_67] : memref<10000x128xf32, #tpu.memory_space<hbm>> -> memref<10000x128xf32, #tpu.memory_space<hbm>>
        tpu.enqueue_indirect_dma source(%dma_start3A_68 : memref<10000x128xf32, #tpu.memory_space<hbm>>) target(%dma_start3A_62 : memref<128x128xf32, #tpu.memory_space<vmem>>) offsets(%dma_start3A_65 : memref<128xi32, #tpu.memory_space<vmem>>) semaphore(%arg11 : memref<!tpu.dma_semaphore, #tpu.memory_space<semaphore_mem>>)
      } else {
      }
      %scan3A_52 = arith.constant 0 : i32
      %scan3A_53 = arith.constant 0 : i32
      %scan3A_54 = arith.constant 16 : i32
      %scan3A_55 = arith.addi %scan3A_53, %scan3A_54 : i32
      %scan3A_56 = arith.constant 1 : i32
      scf.for %scan3A_58 = %scan3A_53 to %scan3A_55 step %scan3A_56  : i32 {
        %mul3A_59 = arith.constant 2 : i32
        %mul3A_60 = arith.muli %scan3A_58, %mul3A_59 : i32
        %dma_wait3A = arith.constant 0 : i32
        %dma_wait3A_61 = arith.constant 0 : i32
        %dma_wait3A_62 = arith.constant 0 : i32
        %dma_wait3A_63 = arith.constant 0 : i32
        %dma_wait3A_64 = tpu.memref_slice %arg9[%dma_wait3A_61, %dma_wait3A_62, %dma_wait3A_63] : memref<2x128x128xf32, #tpu.memory_space<vmem>> -> memref<1x128x128xf32, #tpu.memory_space<vmem>>
        %dma_wait3A_65 = tpu.memref_squeeze %dma_wait3A_64 : memref<1x128x128xf32, #tpu.memory_space<vmem>> -> memref<128x128xf32, #tpu.memory_space<vmem>>
        %dma_wait3A_66 = arith.constant 0 : i32
        %dma_wait3A_67 = tpu.memref_slice %arg7[%dma_wait3A, %dma_wait3A_66] : memref<32x128xi32, #tpu.memory_space<vmem>> -> memref<1x128xi32, #tpu.memory_space<vmem>>
        %dma_wait3A_68 = tpu.memref_squeeze %dma_wait3A_67 : memref<1x128xi32, #tpu.memory_space<vmem>> -> memref<128xi32, #tpu.memory_space<vmem>>
        %dma_wait3A_69 = arith.constant 0 : i32
        %dma_wait3A_70 = arith.constant 0 : i32
        %dma_wait3A_71 = tpu.memref_slice %arg2[%dma_wait3A_69, %dma_wait3A_70] : memref<10000x128xf32, #tpu.memory_space<hbm>> -> memref<10000x128xf32, #tpu.memory_space<hbm>>
        tpu.wait_indirect_dma semaphore(%arg11 : memref<!tpu.dma_semaphore, #tpu.memory_space<semaphore_mem>>) src(%dma_wait3A_71 : memref<10000x128xf32, #tpu.memory_space<hbm>>) dst(%dma_wait3A_65 : memref<128x128xf32, #tpu.memory_space<vmem>>)
        %add3A_72 = arith.constant 1 : i32
        %add3A_73 = arith.addi %mul3A_60, %add3A_72 : i32
        %eq3A_74 = arith.constant 0 : i32
        %eq3A_75 = arith.cmpi eq, %arg0, %eq3A_74 : i32
        %convert_element_type3A_76 = arith.extui %eq3A_75 : i1 to i32
        %cond3A_77 = arith.constant 0 : i32
        %cond3A_78 = arith.cmpi ne, %convert_element_type3A_76, %cond3A_77 : i32
        scf.if %cond3A_78 {
          %dma_start3A = arith.constant 1 : i32
          %dma_start3A_104 = arith.constant 0 : i32
          %dma_start3A_105 = arith.constant 0 : i32
          %dma_start3A_106 = tpu.memref_slice %arg9[%dma_start3A, %dma_start3A_104, %dma_start3A_105] : memref<2x128x128xf32, #tpu.memory_space<vmem>> -> memref<1x128x128xf32, #tpu.memory_space<vmem>>
          %dma_start3A_107 = tpu.memref_squeeze %dma_start3A_106 : memref<1x128x128xf32, #tpu.memory_space<vmem>> -> memref<128x128xf32, #tpu.memory_space<vmem>>
          %dma_start3A_108 = arith.constant 0 : i32
          %dma_start3A_109 = tpu.memref_slice %arg7[%add3A_73, %dma_start3A_108] : memref<32x128xi32, #tpu.memory_space<vmem>> -> memref<1x128xi32, #tpu.memory_space<vmem>>
          %dma_start3A_110 = tpu.memref_squeeze %dma_start3A_109 : memref<1x128xi32, #tpu.memory_space<vmem>> -> memref<128xi32, #tpu.memory_space<vmem>>
          %dma_start3A_111 = arith.constant 0 : i32
          %dma_start3A_112 = arith.constant 0 : i32
          %dma_start3A_113 = tpu.memref_slice %arg2[%dma_start3A_111, %dma_start3A_112] : memref<10000x128xf32, #tpu.memory_space<hbm>> -> memref<10000x128xf32, #tpu.memory_space<hbm>>
          tpu.enqueue_indirect_dma source(%dma_start3A_113 : memref<10000x128xf32, #tpu.memory_space<hbm>>) target(%dma_start3A_107 : memref<128x128xf32, #tpu.memory_space<vmem>>) offsets(%dma_start3A_110 : memref<128xi32, #tpu.memory_space<vmem>>) semaphore(%arg12 : memref<!tpu.dma_semaphore, #tpu.memory_space<semaphore_mem>>)
        } else {
        }
        %eq3A_79 = arith.constant 1 : i32
        %eq3A_80 = arith.cmpi eq, %arg0, %eq3A_79 : i32
        %convert_element_type3A_81 = arith.extui %eq3A_80 : i1 to i32
        %cond3A_82 = arith.constant 0 : i32
        %cond3A_83 = arith.cmpi ne, %convert_element_type3A_81, %cond3A_82 : i32
        scf.if %cond3A_83 {
          %dma_start3A = arith.constant 1 : i32
          %dma_start3A_104 = arith.constant 0 : i32
          %dma_start3A_105 = arith.constant 0 : i32
          %dma_start3A_106 = tpu.memref_slice %arg9[%dma_start3A, %dma_start3A_104, %dma_start3A_105] : memref<2x128x128xf32, #tpu.memory_space<vmem>> -> memref<1x128x128xf32, #tpu.memory_space<vmem>>
          %dma_start3A_107 = tpu.memref_squeeze %dma_start3A_106 : memref<1x128x128xf32, #tpu.memory_space<vmem>> -> memref<128x128xf32, #tpu.memory_space<vmem>>
          %dma_start3A_108 = arith.constant 0 : i32
          %dma_start3A_109 = tpu.memref_slice %arg7[%add3A_73, %dma_start3A_108] : memref<32x128xi32, #tpu.memory_space<vmem>> -> memref<1x128xi32, #tpu.memory_space<vmem>>
          %dma_start3A_110 = tpu.memref_squeeze %dma_start3A_109 : memref<1x128xi32, #tpu.memory_space<vmem>> -> memref<128xi32, #tpu.memory_space<vmem>>
          %dma_start3A_111 = arith.constant 0 : i32
          %dma_start3A_112 = arith.constant 0 : i32
          %dma_start3A_113 = tpu.memref_slice %arg3[%dma_start3A_111, %dma_start3A_112] : memref<10000x128xf32, #tpu.memory_space<hbm>> -> memref<10000x128xf32, #tpu.memory_space<hbm>>
          tpu.enqueue_indirect_dma source(%dma_start3A_113 : memref<10000x128xf32, #tpu.memory_space<hbm>>) target(%dma_start3A_107 : memref<128x128xf32, #tpu.memory_space<vmem>>) offsets(%dma_start3A_110 : memref<128xi32, #tpu.memory_space<vmem>>) semaphore(%arg12 : memref<!tpu.dma_semaphore, #tpu.memory_space<semaphore_mem>>)
        } else {
        }
        %run_scoped3A_84 = arith.constant 0 : i32
        "tpu.region"() ({
          %run_scoped3A_104 = tpu.sem_alloc : memref<!tpu.dma_semaphore, #tpu.memory_space<semaphore_mem>>
          %dma_start3A = arith.constant 0 : i32
          %dma_start3A_105 = arith.constant 0 : i32
          %dma_start3A_106 = tpu.memref_slice %arg9[%run_scoped3A_84, %dma_start3A, %dma_start3A_105] : memref<2x128x128xf32, #tpu.memory_space<vmem>> -> memref<1x128x128xf32, #tpu.memory_space<vmem>>
          %dma_start3A_107 = tpu.memref_squeeze %dma_start3A_106 : memref<1x128x128xf32, #tpu.memory_space<vmem>> -> memref<128x128xf32, #tpu.memory_space<vmem>>
          %dma_start3A_108 = arith.constant 0 : i32
          %dma_start3A_109 = tpu.memref_slice %arg8[%mul3A_60, %dma_start3A_108] : memref<32x128xi32, #tpu.memory_space<vmem>> -> memref<1x128xi32, #tpu.memory_space<vmem>>
          %dma_start3A_110 = tpu.memref_squeeze %dma_start3A_109 : memref<1x128xi32, #tpu.memory_space<vmem>> -> memref<128xi32, #tpu.memory_space<vmem>>
          %dma_start3A_111 = arith.constant 0 : i32
          %dma_start3A_112 = arith.constant 0 : i32
          %dma_start3A_113 = tpu.memref_slice %arg10[%dma_start3A_111, %dma_start3A_112] : memref<10240x128xf32, #tpu.memory_space<vmem_shared>> -> memref<10240x128xf32, #tpu.memory_space<vmem_shared>>
          tpu.enqueue_indirect_dma source(%dma_start3A_107 : memref<128x128xf32, #tpu.memory_space<vmem>>) target(%dma_start3A_113 : memref<10240x128xf32, #tpu.memory_space<vmem_shared>>) offsets(%dma_start3A_110 : memref<128xi32, #tpu.memory_space<vmem>>) semaphore(%run_scoped3A_104 : memref<!tpu.dma_semaphore, #tpu.memory_space<semaphore_mem>>) {add = true}
          %dma_wait3A_114 = arith.constant 0 : i32
          %dma_wait3A_115 = arith.constant 0 : i32
          %dma_wait3A_116 = tpu.memref_slice %arg9[%run_scoped3A_84, %dma_wait3A_114, %dma_wait3A_115] : memref<2x128x128xf32, #tpu.memory_space<vmem>> -> memref<1x128x128xf32, #tpu.memory_space<vmem>>
          %dma_wait3A_117 = tpu.memref_squeeze %dma_wait3A_116 : memref<1x128x128xf32, #tpu.memory_space<vmem>> -> memref<128x128xf32, #tpu.memory_space<vmem>>
          %dma_wait3A_118 = arith.constant 0 : i32
          %dma_wait3A_119 = tpu.memref_slice %arg8[%mul3A_60, %dma_wait3A_118] : memref<32x128xi32, #tpu.memory_space<vmem>> -> memref<1x128xi32, #tpu.memory_space<vmem>>
          %dma_wait3A_120 = tpu.memref_squeeze %dma_wait3A_119 : memref<1x128xi32, #tpu.memory_space<vmem>> -> memref<128xi32, #tpu.memory_space<vmem>>
          %dma_wait3A_121 = arith.constant 0 : i32
          %dma_wait3A_122 = arith.constant 0 : i32
          %dma_wait3A_123 = tpu.memref_slice %arg10[%dma_wait3A_121, %dma_wait3A_122] : memref<10240x128xf32, #tpu.memory_space<vmem_shared>> -> memref<10240x128xf32, #tpu.memory_space<vmem_shared>>
          tpu.wait_indirect_dma semaphore(%run_scoped3A_104 : memref<!tpu.dma_semaphore, #tpu.memory_space<semaphore_mem>>) src(%dma_wait3A_117 : memref<128x128xf32, #tpu.memory_space<vmem>>) dst(%dma_wait3A_123 : memref<10240x128xf32, #tpu.memory_space<vmem_shared>>)
          tpu.yield
        }) : () -> ()
        %dma_wait3A_85 = arith.constant 0 : i32
        %dma_wait3A_86 = arith.constant 1 : i32
        %dma_wait3A_87 = arith.constant 0 : i32
        %dma_wait3A_88 = arith.constant 0 : i32
        %dma_wait3A_89 = tpu.memref_slice %arg9[%dma_wait3A_86, %dma_wait3A_87, %dma_wait3A_88] : memref<2x128x128xf32, #tpu.memory_space<vmem>> -> memref<1x128x128xf32, #tpu.memory_space<vmem>>
        %dma_wait3A_90 = tpu.memref_squeeze %dma_wait3A_89 : memref<1x128x128xf32, #tpu.memory_space<vmem>> -> memref<128x128xf32, #tpu.memory_space<vmem>>
        %dma_wait3A_91 = arith.constant 0 : i32
        %dma_wait3A_92 = tpu.memref_slice %arg7[%dma_wait3A_85, %dma_wait3A_91] : memref<32x128xi32, #tpu.memory_space<vmem>> -> memref<1x128xi32, #tpu.memory_space<vmem>>
        %dma_wait3A_93 = tpu.memref_squeeze %dma_wait3A_92 : memref<1x128xi32, #tpu.memory_space<vmem>> -> memref<128xi32, #tpu.memory_space<vmem>>
        %dma_wait3A_94 = arith.constant 0 : i32
        %dma_wait3A_95 = arith.constant 0 : i32
        %dma_wait3A_96 = tpu.memref_slice %arg2[%dma_wait3A_94, %dma_wait3A_95] : memref<10000x128xf32, #tpu.memory_space<hbm>> -> memref<10000x128xf32, #tpu.memory_space<hbm>>
        tpu.wait_indirect_dma semaphore(%arg12 : memref<!tpu.dma_semaphore, #tpu.memory_space<semaphore_mem>>) src(%dma_wait3A_96 : memref<10000x128xf32, #tpu.memory_space<hbm>>) dst(%dma_wait3A_90 : memref<128x128xf32, #tpu.memory_space<vmem>>)
        %lt3A = arith.constant 15 : i32
        %lt3A_97 = arith.cmpi slt, %scan3A_58, %lt3A : i32
        %convert_element_type3A_98 = arith.extui %lt3A_97 : i1 to i32
        %cond3A_99 = arith.constant 0 : i32
        %cond3A_100 = arith.cmpi ne, %convert_element_type3A_98, %cond3A_99 : i32
        scf.if %cond3A_100 {
          %add3A_104 = arith.constant 2 : i32
          %add3A_105 = arith.addi %mul3A_60, %add3A_104 : i32
          %eq3A_106 = arith.constant 0 : i32
          %eq3A_107 = arith.cmpi eq, %arg0, %eq3A_106 : i32
          %convert_element_type3A_108 = arith.extui %eq3A_107 : i1 to i32
          %cond3A_109 = arith.constant 0 : i32
          %cond3A_110 = arith.cmpi ne, %convert_element_type3A_108, %cond3A_109 : i32
          scf.if %cond3A_110 {
            %dma_start3A = arith.constant 0 : i32
            %dma_start3A_116 = arith.constant 0 : i32
            %dma_start3A_117 = arith.constant 0 : i32
            %dma_start3A_118 = tpu.memref_slice %arg9[%dma_start3A, %dma_start3A_116, %dma_start3A_117] : memref<2x128x128xf32, #tpu.memory_space<vmem>> -> memref<1x128x128xf32, #tpu.memory_space<vmem>>
            %dma_start3A_119 = tpu.memref_squeeze %dma_start3A_118 : memref<1x128x128xf32, #tpu.memory_space<vmem>> -> memref<128x128xf32, #tpu.memory_space<vmem>>
            %dma_start3A_120 = arith.constant 0 : i32
            %dma_start3A_121 = tpu.memref_slice %arg7[%add3A_105, %dma_start3A_120] : memref<32x128xi32, #tpu.memory_space<vmem>> -> memref<1x128xi32, #tpu.memory_space<vmem>>
            %dma_start3A_122 = tpu.memref_squeeze %dma_start3A_121 : memref<1x128xi32, #tpu.memory_space<vmem>> -> memref<128xi32, #tpu.memory_space<vmem>>
            %dma_start3A_123 = arith.constant 0 : i32
            %dma_start3A_124 = arith.constant 0 : i32
            %dma_start3A_125 = tpu.memref_slice %arg2[%dma_start3A_123, %dma_start3A_124] : memref<10000x128xf32, #tpu.memory_space<hbm>> -> memref<10000x128xf32, #tpu.memory_space<hbm>>
            tpu.enqueue_indirect_dma source(%dma_start3A_125 : memref<10000x128xf32, #tpu.memory_space<hbm>>) target(%dma_start3A_119 : memref<128x128xf32, #tpu.memory_space<vmem>>) offsets(%dma_start3A_122 : memref<128xi32, #tpu.memory_space<vmem>>) semaphore(%arg11 : memref<!tpu.dma_semaphore, #tpu.memory_space<semaphore_mem>>)
          } else {
          }
          %eq3A_111 = arith.constant 1 : i32
          %eq3A_112 = arith.cmpi eq, %arg0, %eq3A_111 : i32
          %convert_element_type3A_113 = arith.extui %eq3A_112 : i1 to i32
          %cond3A_114 = arith.constant 0 : i32
          %cond3A_115 = arith.cmpi ne, %convert_element_type3A_113, %cond3A_114 : i32
          scf.if %cond3A_115 {
            %dma_start3A = arith.constant 0 : i32
            %dma_start3A_116 = arith.constant 0 : i32
            %dma_start3A_117 = arith.constant 0 : i32
            %dma_start3A_118 = tpu.memref_slice %arg9[%dma_start3A, %dma_start3A_116, %dma_start3A_117] : memref<2x128x128xf32, #tpu.memory_space<vmem>> -> memref<1x128x128xf32, #tpu.memory_space<vmem>>
            %dma_start3A_119 = tpu.memref_squeeze %dma_start3A_118 : memref<1x128x128xf32, #tpu.memory_space<vmem>> -> memref<128x128xf32, #tpu.memory_space<vmem>>
            %dma_start3A_120 = arith.constant 0 : i32
            %dma_start3A_121 = tpu.memref_slice %arg7[%add3A_105, %dma_start3A_120] : memref<32x128xi32, #tpu.memory_space<vmem>> -> memref<1x128xi32, #tpu.memory_space<vmem>>
            %dma_start3A_122 = tpu.memref_squeeze %dma_start3A_121 : memref<1x128xi32, #tpu.memory_space<vmem>> -> memref<128xi32, #tpu.memory_space<vmem>>
            %dma_start3A_123 = arith.constant 0 : i32
            %dma_start3A_124 = arith.constant 0 : i32
            %dma_start3A_125 = tpu.memref_slice %arg3[%dma_start3A_123, %dma_start3A_124] : memref<10000x128xf32, #tpu.memory_space<hbm>> -> memref<10000x128xf32, #tpu.memory_space<hbm>>
            tpu.enqueue_indirect_dma source(%dma_start3A_125 : memref<10000x128xf32, #tpu.memory_space<hbm>>) target(%dma_start3A_119 : memref<128x128xf32, #tpu.memory_space<vmem>>) offsets(%dma_start3A_122 : memref<128xi32, #tpu.memory_space<vmem>>) semaphore(%arg11 : memref<!tpu.dma_semaphore, #tpu.memory_space<semaphore_mem>>)
          } else {
          }
        } else {
        }
        %add3A_101 = arith.constant 1 : i32
        %add3A_102 = arith.addi %mul3A_60, %add3A_101 : i32
        %run_scoped3A_103 = arith.constant 1 : i32
        "tpu.region"() ({
          %run_scoped3A_104 = tpu.sem_alloc : memref<!tpu.dma_semaphore, #tpu.memory_space<semaphore_mem>>
          %dma_start3A = arith.constant 0 : i32
          %dma_start3A_105 = arith.constant 0 : i32
          %dma_start3A_106 = tpu.memref_slice %arg9[%run_scoped3A_103, %dma_start3A, %dma_start3A_105] : memref<2x128x128xf32, #tpu.memory_space<vmem>> -> memref<1x128x128xf32, #tpu.memory_space<vmem>>
          %dma_start3A_107 = tpu.memref_squeeze %dma_start3A_106 : memref<1x128x128xf32, #tpu.memory_space<vmem>> -> memref<128x128xf32, #tpu.memory_space<vmem>>
          %dma_start3A_108 = arith.constant 0 : i32
          %dma_start3A_109 = tpu.memref_slice %arg8[%add3A_102, %dma_start3A_108] : memref<32x128xi32, #tpu.memory_space<vmem>> -> memref<1x128xi32, #tpu.memory_space<vmem>>
          %dma_start3A_110 = tpu.memref_squeeze %dma_start3A_109 : memref<1x128xi32, #tpu.memory_space<vmem>> -> memref<128xi32, #tpu.memory_space<vmem>>
          %dma_start3A_111 = arith.constant 0 : i32
          %dma_start3A_112 = arith.constant 0 : i32
          %dma_start3A_113 = tpu.memref_slice %arg10[%dma_start3A_111, %dma_start3A_112] : memref<10240x128xf32, #tpu.memory_space<vmem_shared>> -> memref<10240x128xf32, #tpu.memory_space<vmem_shared>>
          tpu.enqueue_indirect_dma source(%dma_start3A_107 : memref<128x128xf32, #tpu.memory_space<vmem>>) target(%dma_start3A_113 : memref<10240x128xf32, #tpu.memory_space<vmem_shared>>) offsets(%dma_start3A_110 : memref<128xi32, #tpu.memory_space<vmem>>) semaphore(%run_scoped3A_104 : memref<!tpu.dma_semaphore, #tpu.memory_space<semaphore_mem>>) {add = true}
          %dma_wait3A_114 = arith.constant 0 : i32
          %dma_wait3A_115 = arith.constant 0 : i32
          %dma_wait3A_116 = tpu.memref_slice %arg9[%run_scoped3A_103, %dma_wait3A_114, %dma_wait3A_115] : memref<2x128x128xf32, #tpu.memory_space<vmem>> -> memref<1x128x128xf32, #tpu.memory_space<vmem>>
          %dma_wait3A_117 = tpu.memref_squeeze %dma_wait3A_116 : memref<1x128x128xf32, #tpu.memory_space<vmem>> -> memref<128x128xf32, #tpu.memory_space<vmem>>
          %dma_wait3A_118 = arith.constant 0 : i32
          %dma_wait3A_119 = tpu.memref_slice %arg8[%add3A_102, %dma_wait3A_118] : memref<32x128xi32, #tpu.memory_space<vmem>> -> memref<1x128xi32, #tpu.memory_space<vmem>>
          %dma_wait3A_120 = tpu.memref_squeeze %dma_wait3A_119 : memref<1x128xi32, #tpu.memory_space<vmem>> -> memref<128xi32, #tpu.memory_space<vmem>>
          %dma_wait3A_121 = arith.constant 0 : i32
          %dma_wait3A_122 = arith.constant 0 : i32
          %dma_wait3A_123 = tpu.memref_slice %arg10[%dma_wait3A_121, %dma_wait3A_122] : memref<10240x128xf32, #tpu.memory_space<vmem_shared>> -> memref<10240x128xf32, #tpu.memory_space<vmem_shared>>
          tpu.wait_indirect_dma semaphore(%run_scoped3A_104 : memref<!tpu.dma_semaphore, #tpu.memory_space<semaphore_mem>>) src(%dma_wait3A_117 : memref<128x128xf32, #tpu.memory_space<vmem>>) dst(%dma_wait3A_123 : memref<10240x128xf32, #tpu.memory_space<vmem_shared>>)
          tpu.yield
        }) : () -> ()
      }
      %scan3A_57 = arith.constant 16 : i32
    }
    %scan3A_33 = arith.constant 5 : i32
    %barrier3A_34 = arith.constant 0 : index
    tpu.barrier barrier_id(%barrier3A_34)
    %mul3A_35 = arith.constant 640 : i32
    %mul3A_36 = arith.muli %arg1, %mul3A_35 : i32
    %mul3A_37 = arith.constant 640 : i32
    %mul3A_38 = arith.muli %arg1, %mul3A_37 : i32
    "tpu.region"() ({
      %run_scoped3A_39 = tpu.sem_alloc : memref<!tpu.dma_semaphore, #tpu.memory_space<semaphore_mem>>
      %dma_start3A = arith.constant 0 : i32
      %dma_start3A_40 = arith.constant 0 : i32
      %dma_start3A_41 = tpu.memref_slice %arg6[%arg0, %dma_start3A, %dma_start3A_40] : memref<2x10240x128xf32, #tpu.memory_space<hbm>> -> memref<1x10240x128xf32, #tpu.memory_space<hbm>>
      %dma_start3A_42 = tpu.memref_squeeze %dma_start3A_41 : memref<1x10240x128xf32, #tpu.memory_space<hbm>> -> memref<10240x128xf32, #tpu.memory_space<hbm>>
      %dma_start3A_43 = arith.constant 0 : i32
      %dma_start3A_44 = tpu.memref_slice %dma_start3A_42[%mul3A_38, %dma_start3A_43] : memref<10240x128xf32, #tpu.memory_space<hbm>> -> memref<640x128xf32, #tpu.memory_space<hbm>>
      %dma_start3A_45 = arith.constant 0 : i32
      %dma_start3A_46 = tpu.memref_slice %arg10[%mul3A_36, %dma_start3A_45] : memref<10240x128xf32, #tpu.memory_space<vmem_shared>> -> memref<640x128xf32, #tpu.memory_space<vmem_shared>>
      tpu.enqueue_dma source(%dma_start3A_46 : memref<640x128xf32, #tpu.memory_space<vmem_shared>>) target(%dma_start3A_44 : memref<640x128xf32, #tpu.memory_space<hbm>>) target_semaphore(%run_scoped3A_39 : memref<!tpu.dma_semaphore, #tpu.memory_space<semaphore_mem>>)
      %dma_wait3A = arith.constant 0 : i32
      %dma_wait3A_47 = arith.constant 0 : i32
      %dma_wait3A_48 = tpu.memref_slice %arg6[%arg0, %dma_wait3A, %dma_wait3A_47] : memref<2x10240x128xf32, #tpu.memory_space<hbm>> -> memref<1x10240x128xf32, #tpu.memory_space<hbm>>
      %dma_wait3A_49 = tpu.memref_squeeze %dma_wait3A_48 : memref<1x10240x128xf32, #tpu.memory_space<hbm>> -> memref<10240x128xf32, #tpu.memory_space<hbm>>
      %dma_wait3A_50 = arith.constant 0 : i32
      %dma_wait3A_51 = tpu.memref_slice %dma_wait3A_49[%mul3A_38, %dma_wait3A_50] : memref<10240x128xf32, #tpu.memory_space<hbm>> -> memref<640x128xf32, #tpu.memory_space<hbm>>
      %dma_wait3A_52 = arith.constant 0 : i32
      %dma_wait3A_53 = tpu.memref_slice %arg10[%mul3A_36, %dma_wait3A_52] : memref<10240x128xf32, #tpu.memory_space<vmem_shared>> -> memref<640x128xf32, #tpu.memory_space<vmem_shared>>
      tpu.wait_dma2 semaphore(%run_scoped3A_39 : memref<!tpu.dma_semaphore, #tpu.memory_space<semaphore_mem>>) src(%dma_wait3A_53 : memref<640x128xf32, #tpu.memory_space<vmem_shared>>) dst(%dma_wait3A_51 : memref<640x128xf32, #tpu.memory_space<hbm>>)
      tpu.yield
    }) : () -> ()
    return
  }
}

#map = affine_map<(d0, d1) -> (0, 0)>
#map1 = affine_map<(d0, d1) -> (0, 0, 0)>
module attributes {stable_mosaic.version = 14 : i64} {
  func.func @k(%arg0: i32, %arg1: i32, %arg2: memref<2560x128xi32, #tpu.memory_space<hbm>>, %arg3: memref<2x128x16xf32, #tpu.memory_space<hbm>>, %arg4: memref<2x10240x16xf32, #tpu.memory_space<hbm>>, %arg5: memref<16x128xi32, #tpu.memory_space<vmem>>, %arg6: memref<128x16xf32, #tpu.memory_space<vmem>>, %arg7: memref<128x16xf32, #tpu.memory_space<vmem>>, %arg8: memref<10240x16xf32, #tpu.memory_space<vmem_shared>>) attributes {dimension_semantics = [#tpu.dimension_semantics<core_parallel>, #tpu.dimension_semantics<subcore_parallel>], iteration_bounds = array<i64: 2, 16>, scalar_prefetch = 0 : i64, scratch_operands = 4 : i64, tpu.core_type = #tpu.core_type<sc_vector_subcore>, window_params = [{transform_indices = #map}, {transform_indices = #map1}, {transform_indices = #map1}]} {
    %run_scoped3A = arith.constant 0 : i32
    "tpu.region"() ({
      %run_scoped3A_29 = tpu.sem_alloc : memref<!tpu.dma_semaphore, #tpu.memory_space<semaphore_mem>>
      %dma_start3A = arith.constant 0 : i32
      %dma_start3A_30 = arith.constant 0 : i32
      %dma_start3A_31 = tpu.memref_slice %arg3[%run_scoped3A, %dma_start3A, %dma_start3A_30] : memref<2x128x16xf32, #tpu.memory_space<hbm>> -> memref<1x128x16xf32, #tpu.memory_space<hbm>>
      %dma_start3A_32 = tpu.memref_squeeze %dma_start3A_31 : memref<1x128x16xf32, #tpu.memory_space<hbm>> -> memref<128x16xf32, #tpu.memory_space<hbm>>
      %dma_start3A_33 = arith.constant 0 : i32
      %dma_start3A_34 = arith.constant 0 : i32
      %dma_start3A_35 = tpu.memref_slice %arg3[%run_scoped3A, %dma_start3A_33, %dma_start3A_34] : memref<2x128x16xf32, #tpu.memory_space<hbm>> -> memref<1x128x16xf32, #tpu.memory_space<hbm>>
      %dma_start3A_36 = tpu.memref_squeeze %dma_start3A_35 : memref<1x128x16xf32, #tpu.memory_space<hbm>> -> memref<128x16xf32, #tpu.memory_space<hbm>>
      tpu.enqueue_dma source(%dma_start3A_36 : memref<128x16xf32, #tpu.memory_space<hbm>>) target(%arg6 : memref<128x16xf32, #tpu.memory_space<vmem>>) target_semaphore(%run_scoped3A_29 : memref<!tpu.dma_semaphore, #tpu.memory_space<semaphore_mem>>)
      %dma_wait3A = arith.constant 0 : i32
      %dma_wait3A_37 = arith.constant 0 : i32
      %dma_wait3A_38 = tpu.memref_slice %arg3[%run_scoped3A, %dma_wait3A, %dma_wait3A_37] : memref<2x128x16xf32, #tpu.memory_space<hbm>> -> memref<1x128x16xf32, #tpu.memory_space<hbm>>
      %dma_wait3A_39 = tpu.memref_squeeze %dma_wait3A_38 : memref<1x128x16xf32, #tpu.memory_space<hbm>> -> memref<128x16xf32, #tpu.memory_space<hbm>>
      %dma_wait3A_40 = arith.constant 0 : i32
      %dma_wait3A_41 = arith.constant 0 : i32
      %dma_wait3A_42 = tpu.memref_slice %arg3[%run_scoped3A, %dma_wait3A_40, %dma_wait3A_41] : memref<2x128x16xf32, #tpu.memory_space<hbm>> -> memref<1x128x16xf32, #tpu.memory_space<hbm>>
      %dma_wait3A_43 = tpu.memref_squeeze %dma_wait3A_42 : memref<1x128x16xf32, #tpu.memory_space<hbm>> -> memref<128x16xf32, #tpu.memory_space<hbm>>
      tpu.wait_dma2 semaphore(%run_scoped3A_29 : memref<!tpu.dma_semaphore, #tpu.memory_space<semaphore_mem>>) src(%dma_wait3A_43 : memref<128x16xf32, #tpu.memory_space<hbm>>) dst(%arg6 : memref<128x16xf32, #tpu.memory_space<vmem>>)
      tpu.yield
    }) : () -> ()
    %run_scoped3A_0 = arith.constant 1 : i32
    "tpu.region"() ({
      %run_scoped3A_29 = tpu.sem_alloc : memref<!tpu.dma_semaphore, #tpu.memory_space<semaphore_mem>>
      %dma_start3A = arith.constant 0 : i32
      %dma_start3A_30 = arith.constant 0 : i32
      %dma_start3A_31 = tpu.memref_slice %arg3[%run_scoped3A_0, %dma_start3A, %dma_start3A_30] : memref<2x128x16xf32, #tpu.memory_space<hbm>> -> memref<1x128x16xf32, #tpu.memory_space<hbm>>
      %dma_start3A_32 = tpu.memref_squeeze %dma_start3A_31 : memref<1x128x16xf32, #tpu.memory_space<hbm>> -> memref<128x16xf32, #tpu.memory_space<hbm>>
      %dma_start3A_33 = arith.constant 0 : i32
      %dma_start3A_34 = arith.constant 0 : i32
      %dma_start3A_35 = tpu.memref_slice %arg3[%run_scoped3A_0, %dma_start3A_33, %dma_start3A_34] : memref<2x128x16xf32, #tpu.memory_space<hbm>> -> memref<1x128x16xf32, #tpu.memory_space<hbm>>
      %dma_start3A_36 = tpu.memref_squeeze %dma_start3A_35 : memref<1x128x16xf32, #tpu.memory_space<hbm>> -> memref<128x16xf32, #tpu.memory_space<hbm>>
      tpu.enqueue_dma source(%dma_start3A_36 : memref<128x16xf32, #tpu.memory_space<hbm>>) target(%arg7 : memref<128x16xf32, #tpu.memory_space<vmem>>) target_semaphore(%run_scoped3A_29 : memref<!tpu.dma_semaphore, #tpu.memory_space<semaphore_mem>>)
      %dma_wait3A = arith.constant 0 : i32
      %dma_wait3A_37 = arith.constant 0 : i32
      %dma_wait3A_38 = tpu.memref_slice %arg3[%run_scoped3A_0, %dma_wait3A, %dma_wait3A_37] : memref<2x128x16xf32, #tpu.memory_space<hbm>> -> memref<1x128x16xf32, #tpu.memory_space<hbm>>
      %dma_wait3A_39 = tpu.memref_squeeze %dma_wait3A_38 : memref<1x128x16xf32, #tpu.memory_space<hbm>> -> memref<128x16xf32, #tpu.memory_space<hbm>>
      %dma_wait3A_40 = arith.constant 0 : i32
      %dma_wait3A_41 = arith.constant 0 : i32
      %dma_wait3A_42 = tpu.memref_slice %arg3[%run_scoped3A_0, %dma_wait3A_40, %dma_wait3A_41] : memref<2x128x16xf32, #tpu.memory_space<hbm>> -> memref<1x128x16xf32, #tpu.memory_space<hbm>>
      %dma_wait3A_43 = tpu.memref_squeeze %dma_wait3A_42 : memref<1x128x16xf32, #tpu.memory_space<hbm>> -> memref<128x16xf32, #tpu.memory_space<hbm>>
      tpu.wait_dma2 semaphore(%run_scoped3A_29 : memref<!tpu.dma_semaphore, #tpu.memory_space<semaphore_mem>>) src(%dma_wait3A_43 : memref<128x16xf32, #tpu.memory_space<hbm>>) dst(%arg7 : memref<128x16xf32, #tpu.memory_space<vmem>>)
      tpu.yield
    }) : () -> ()
    %mul3A = arith.constant 640 : i32
    %mul3A_1 = arith.muli %arg1, %mul3A : i32
    %add3A = arith.constant 0 : i32
    %add3A_2 = arith.addi %mul3A_1, %add3A : i32
    "tpu.region"() ({
      %run_scoped3A_29 = tpu.sem_alloc : memref<!tpu.dma_semaphore, #tpu.memory_space<semaphore_mem>>
      %dma_start3A = arith.constant 0 : i32
      %dma_start3A_30 = tpu.memref_slice %arg8[%add3A_2, %dma_start3A] : memref<10240x16xf32, #tpu.memory_space<vmem_shared>> -> memref<128x16xf32, #tpu.memory_space<vmem_shared>>
      %dma_start3A_31 = arith.constant 0 : i32
      %dma_start3A_32 = tpu.memref_slice %arg8[%add3A_2, %dma_start3A_31] : memref<10240x16xf32, #tpu.memory_space<vmem_shared>> -> memref<128x16xf32, #tpu.memory_space<vmem_shared>>
      tpu.enqueue_dma source(%arg7 : memref<128x16xf32, #tpu.memory_space<vmem>>) target(%dma_start3A_32 : memref<128x16xf32, #tpu.memory_space<vmem_shared>>) target_semaphore(%run_scoped3A_29 : memref<!tpu.dma_semaphore, #tpu.memory_space<semaphore_mem>>)
      %dma_wait3A = arith.constant 0 : i32
      %dma_wait3A_33 = tpu.memref_slice %arg8[%add3A_2, %dma_wait3A] : memref<10240x16xf32, #tpu.memory_space<vmem_shared>> -> memref<128x16xf32, #tpu.memory_space<vmem_shared>>
      %dma_wait3A_34 = arith.constant 0 : i32
      %dma_wait3A_35 = tpu.memref_slice %arg8[%add3A_2, %dma_wait3A_34] : memref<10240x16xf32, #tpu.memory_space<vmem_shared>> -> memref<128x16xf32, #tpu.memory_space<vmem_shared>>
      tpu.wait_dma2 semaphore(%run_scoped3A_29 : memref<!tpu.dma_semaphore, #tpu.memory_space<semaphore_mem>>) src(%arg7 : memref<128x16xf32, #tpu.memory_space<vmem>>) dst(%dma_wait3A_35 : memref<128x16xf32, #tpu.memory_space<vmem_shared>>)
      tpu.yield
    }) : () -> ()
    %mul3A_3 = arith.constant 640 : i32
    %mul3A_4 = arith.muli %arg1, %mul3A_3 : i32
    %add3A_5 = arith.constant 128 : i32
    %add3A_6 = arith.addi %mul3A_4, %add3A_5 : i32
    "tpu.region"() ({
      %run_scoped3A_29 = tpu.sem_alloc : memref<!tpu.dma_semaphore, #tpu.memory_space<semaphore_mem>>
      %dma_start3A = arith.constant 0 : i32
      %dma_start3A_30 = tpu.memref_slice %arg8[%add3A_6, %dma_start3A] : memref<10240x16xf32, #tpu.memory_space<vmem_shared>> -> memref<128x16xf32, #tpu.memory_space<vmem_shared>>
      %dma_start3A_31 = arith.constant 0 : i32
      %dma_start3A_32 = tpu.memref_slice %arg8[%add3A_6, %dma_start3A_31] : memref<10240x16xf32, #tpu.memory_space<vmem_shared>> -> memref<128x16xf32, #tpu.memory_space<vmem_shared>>
      tpu.enqueue_dma source(%arg7 : memref<128x16xf32, #tpu.memory_space<vmem>>) target(%dma_start3A_32 : memref<128x16xf32, #tpu.memory_space<vmem_shared>>) target_semaphore(%run_scoped3A_29 : memref<!tpu.dma_semaphore, #tpu.memory_space<semaphore_mem>>)
      %dma_wait3A = arith.constant 0 : i32
      %dma_wait3A_33 = tpu.memref_slice %arg8[%add3A_6, %dma_wait3A] : memref<10240x16xf32, #tpu.memory_space<vmem_shared>> -> memref<128x16xf32, #tpu.memory_space<vmem_shared>>
      %dma_wait3A_34 = arith.constant 0 : i32
      %dma_wait3A_35 = tpu.memref_slice %arg8[%add3A_6, %dma_wait3A_34] : memref<10240x16xf32, #tpu.memory_space<vmem_shared>> -> memref<128x16xf32, #tpu.memory_space<vmem_shared>>
      tpu.wait_dma2 semaphore(%run_scoped3A_29 : memref<!tpu.dma_semaphore, #tpu.memory_space<semaphore_mem>>) src(%arg7 : memref<128x16xf32, #tpu.memory_space<vmem>>) dst(%dma_wait3A_35 : memref<128x16xf32, #tpu.memory_space<vmem_shared>>)
      tpu.yield
    }) : () -> ()
    %mul3A_7 = arith.constant 640 : i32
    %mul3A_8 = arith.muli %arg1, %mul3A_7 : i32
    %add3A_9 = arith.constant 256 : i32
    %add3A_10 = arith.addi %mul3A_8, %add3A_9 : i32
    "tpu.region"() ({
      %run_scoped3A_29 = tpu.sem_alloc : memref<!tpu.dma_semaphore, #tpu.memory_space<semaphore_mem>>
      %dma_start3A = arith.constant 0 : i32
      %dma_start3A_30 = tpu.memref_slice %arg8[%add3A_10, %dma_start3A] : memref<10240x16xf32, #tpu.memory_space<vmem_shared>> -> memref<128x16xf32, #tpu.memory_space<vmem_shared>>
      %dma_start3A_31 = arith.constant 0 : i32
      %dma_start3A_32 = tpu.memref_slice %arg8[%add3A_10, %dma_start3A_31] : memref<10240x16xf32, #tpu.memory_space<vmem_shared>> -> memref<128x16xf32, #tpu.memory_space<vmem_shared>>
      tpu.enqueue_dma source(%arg7 : memref<128x16xf32, #tpu.memory_space<vmem>>) target(%dma_start3A_32 : memref<128x16xf32, #tpu.memory_space<vmem_shared>>) target_semaphore(%run_scoped3A_29 : memref<!tpu.dma_semaphore, #tpu.memory_space<semaphore_mem>>)
      %dma_wait3A = arith.constant 0 : i32
      %dma_wait3A_33 = tpu.memref_slice %arg8[%add3A_10, %dma_wait3A] : memref<10240x16xf32, #tpu.memory_space<vmem_shared>> -> memref<128x16xf32, #tpu.memory_space<vmem_shared>>
      %dma_wait3A_34 = arith.constant 0 : i32
      %dma_wait3A_35 = tpu.memref_slice %arg8[%add3A_10, %dma_wait3A_34] : memref<10240x16xf32, #tpu.memory_space<vmem_shared>> -> memref<128x16xf32, #tpu.memory_space<vmem_shared>>
      tpu.wait_dma2 semaphore(%run_scoped3A_29 : memref<!tpu.dma_semaphore, #tpu.memory_space<semaphore_mem>>) src(%arg7 : memref<128x16xf32, #tpu.memory_space<vmem>>) dst(%dma_wait3A_35 : memref<128x16xf32, #tpu.memory_space<vmem_shared>>)
      tpu.yield
    }) : () -> ()
    %mul3A_11 = arith.constant 640 : i32
    %mul3A_12 = arith.muli %arg1, %mul3A_11 : i32
    %add3A_13 = arith.constant 384 : i32
    %add3A_14 = arith.addi %mul3A_12, %add3A_13 : i32
    "tpu.region"() ({
      %run_scoped3A_29 = tpu.sem_alloc : memref<!tpu.dma_semaphore, #tpu.memory_space<semaphore_mem>>
      %dma_start3A = arith.constant 0 : i32
      %dma_start3A_30 = tpu.memref_slice %arg8[%add3A_14, %dma_start3A] : memref<10240x16xf32, #tpu.memory_space<vmem_shared>> -> memref<128x16xf32, #tpu.memory_space<vmem_shared>>
      %dma_start3A_31 = arith.constant 0 : i32
      %dma_start3A_32 = tpu.memref_slice %arg8[%add3A_14, %dma_start3A_31] : memref<10240x16xf32, #tpu.memory_space<vmem_shared>> -> memref<128x16xf32, #tpu.memory_space<vmem_shared>>
      tpu.enqueue_dma source(%arg7 : memref<128x16xf32, #tpu.memory_space<vmem>>) target(%dma_start3A_32 : memref<128x16xf32, #tpu.memory_space<vmem_shared>>) target_semaphore(%run_scoped3A_29 : memref<!tpu.dma_semaphore, #tpu.memory_space<semaphore_mem>>)
      %dma_wait3A = arith.constant 0 : i32
      %dma_wait3A_33 = tpu.memref_slice %arg8[%add3A_14, %dma_wait3A] : memref<10240x16xf32, #tpu.memory_space<vmem_shared>> -> memref<128x16xf32, #tpu.memory_space<vmem_shared>>
      %dma_wait3A_34 = arith.constant 0 : i32
      %dma_wait3A_35 = tpu.memref_slice %arg8[%add3A_14, %dma_wait3A_34] : memref<10240x16xf32, #tpu.memory_space<vmem_shared>> -> memref<128x16xf32, #tpu.memory_space<vmem_shared>>
      tpu.wait_dma2 semaphore(%run_scoped3A_29 : memref<!tpu.dma_semaphore, #tpu.memory_space<semaphore_mem>>) src(%arg7 : memref<128x16xf32, #tpu.memory_space<vmem>>) dst(%dma_wait3A_35 : memref<128x16xf32, #tpu.memory_space<vmem_shared>>)
      tpu.yield
    }) : () -> ()
    %mul3A_15 = arith.constant 640 : i32
    %mul3A_16 = arith.muli %arg1, %mul3A_15 : i32
    %add3A_17 = arith.constant 512 : i32
    %add3A_18 = arith.addi %mul3A_16, %add3A_17 : i32
    "tpu.region"() ({
      %run_scoped3A_29 = tpu.sem_alloc : memref<!tpu.dma_semaphore, #tpu.memory_space<semaphore_mem>>
      %dma_start3A = arith.constant 0 : i32
      %dma_start3A_30 = tpu.memref_slice %arg8[%add3A_18, %dma_start3A] : memref<10240x16xf32, #tpu.memory_space<vmem_shared>> -> memref<128x16xf32, #tpu.memory_space<vmem_shared>>
      %dma_start3A_31 = arith.constant 0 : i32
      %dma_start3A_32 = tpu.memref_slice %arg8[%add3A_18, %dma_start3A_31] : memref<10240x16xf32, #tpu.memory_space<vmem_shared>> -> memref<128x16xf32, #tpu.memory_space<vmem_shared>>
      tpu.enqueue_dma source(%arg7 : memref<128x16xf32, #tpu.memory_space<vmem>>) target(%dma_start3A_32 : memref<128x16xf32, #tpu.memory_space<vmem_shared>>) target_semaphore(%run_scoped3A_29 : memref<!tpu.dma_semaphore, #tpu.memory_space<semaphore_mem>>)
      %dma_wait3A = arith.constant 0 : i32
      %dma_wait3A_33 = tpu.memref_slice %arg8[%add3A_18, %dma_wait3A] : memref<10240x16xf32, #tpu.memory_space<vmem_shared>> -> memref<128x16xf32, #tpu.memory_space<vmem_shared>>
      %dma_wait3A_34 = arith.constant 0 : i32
      %dma_wait3A_35 = tpu.memref_slice %arg8[%add3A_18, %dma_wait3A_34] : memref<10240x16xf32, #tpu.memory_space<vmem_shared>> -> memref<128x16xf32, #tpu.memory_space<vmem_shared>>
      tpu.wait_dma2 semaphore(%run_scoped3A_29 : memref<!tpu.dma_semaphore, #tpu.memory_space<semaphore_mem>>) src(%arg7 : memref<128x16xf32, #tpu.memory_space<vmem>>) dst(%dma_wait3A_35 : memref<128x16xf32, #tpu.memory_space<vmem_shared>>)
      tpu.yield
    }) : () -> ()
    %barrier3A = arith.constant 0 : index
    tpu.barrier barrier_id(%barrier3A)
    %scan3A = arith.constant 0 : i32
    %scan3A_19 = arith.constant 0 : i32
    %scan3A_20 = arith.constant 5 : i32
    %scan3A_21 = arith.addi %scan3A_19, %scan3A_20 : i32
    %scan3A_22 = arith.constant 1 : i32
    scf.for %scan3A_29 = %scan3A_19 to %scan3A_21 step %scan3A_22  : i32 {
      %mul3A_30 = arith.constant 16 : i32
      %mul3A_31 = arith.muli %arg0, %mul3A_30 : i32
      %add3A_32 = arith.addi %mul3A_31, %arg1 : i32
      %mul3A_33 = arith.constant 80 : i32
      %mul3A_34 = arith.muli %add3A_32, %mul3A_33 : i32
      %mul3A_35 = arith.constant 16 : i32
      %mul3A_36 = arith.muli %scan3A_29, %mul3A_35 : i32
      %add3A_37 = arith.addi %mul3A_34, %mul3A_36 : i32
      "tpu.region"() ({
        %run_scoped3A_44 = tpu.sem_alloc : memref<!tpu.dma_semaphore, #tpu.memory_space<semaphore_mem>>
        %dma_start3A = arith.constant 0 : i32
        %dma_start3A_45 = tpu.memref_slice %arg2[%add3A_37, %dma_start3A] : memref<2560x128xi32, #tpu.memory_space<hbm>> -> memref<16x128xi32, #tpu.memory_space<hbm>>
        %dma_start3A_46 = arith.constant 0 : i32
        %dma_start3A_47 = tpu.memref_slice %arg2[%add3A_37, %dma_start3A_46] : memref<2560x128xi32, #tpu.memory_space<hbm>> -> memref<16x128xi32, #tpu.memory_space<hbm>>
        tpu.enqueue_dma source(%dma_start3A_47 : memref<16x128xi32, #tpu.memory_space<hbm>>) target(%arg5 : memref<16x128xi32, #tpu.memory_space<vmem>>) target_semaphore(%run_scoped3A_44 : memref<!tpu.dma_semaphore, #tpu.memory_space<semaphore_mem>>)
        %dma_wait3A = arith.constant 0 : i32
        %dma_wait3A_48 = tpu.memref_slice %arg2[%add3A_37, %dma_wait3A] : memref<2560x128xi32, #tpu.memory_space<hbm>> -> memref<16x128xi32, #tpu.memory_space<hbm>>
        %dma_wait3A_49 = arith.constant 0 : i32
        %dma_wait3A_50 = tpu.memref_slice %arg2[%add3A_37, %dma_wait3A_49] : memref<2560x128xi32, #tpu.memory_space<hbm>> -> memref<16x128xi32, #tpu.memory_space<hbm>>
        tpu.wait_dma2 semaphore(%run_scoped3A_44 : memref<!tpu.dma_semaphore, #tpu.memory_space<semaphore_mem>>) src(%dma_wait3A_50 : memref<16x128xi32, #tpu.memory_space<hbm>>) dst(%arg5 : memref<16x128xi32, #tpu.memory_space<vmem>>)
        tpu.yield
      }) : () -> ()
      %scan3A_38 = arith.constant 0 : i32
      %scan3A_39 = arith.constant 0 : i32
      %scan3A_40 = arith.constant 16 : i32
      %scan3A_41 = arith.addi %scan3A_39, %scan3A_40 : i32
      %scan3A_42 = arith.constant 1 : i32
      scf.for %scan3A_44 = %scan3A_39 to %scan3A_41 step %scan3A_42  : i32 {
        "tpu.region"() ({
          %run_scoped3A_45 = tpu.sem_alloc : memref<!tpu.dma_semaphore, #tpu.memory_space<semaphore_mem>>
          %dma_start3A = arith.constant 0 : i32
          %dma_start3A_46 = tpu.memref_slice %arg5[%scan3A_44, %dma_start3A] : memref<16x128xi32, #tpu.memory_space<vmem>> -> memref<1x128xi32, #tpu.memory_space<vmem>>
          %dma_start3A_47 = tpu.memref_squeeze %dma_start3A_46 : memref<1x128xi32, #tpu.memory_space<vmem>> -> memref<128xi32, #tpu.memory_space<vmem>>
          %dma_start3A_48 = arith.constant 0 : i32
          %dma_start3A_49 = arith.constant 0 : i32
          %dma_start3A_50 = tpu.memref_slice %arg8[%dma_start3A_48, %dma_start3A_49] : memref<10240x16xf32, #tpu.memory_space<vmem_shared>> -> memref<10240x16xf32, #tpu.memory_space<vmem_shared>>
          tpu.enqueue_indirect_dma source(%arg6 : memref<128x16xf32, #tpu.memory_space<vmem>>) target(%dma_start3A_50 : memref<10240x16xf32, #tpu.memory_space<vmem_shared>>) offsets(%dma_start3A_47 : memref<128xi32, #tpu.memory_space<vmem>>) semaphore(%run_scoped3A_45 : memref<!tpu.dma_semaphore, #tpu.memory_space<semaphore_mem>>) {add = true}
          %dma_wait3A = arith.constant 0 : i32
          %dma_wait3A_51 = tpu.memref_slice %arg5[%scan3A_44, %dma_wait3A] : memref<16x128xi32, #tpu.memory_space<vmem>> -> memref<1x128xi32, #tpu.memory_space<vmem>>
          %dma_wait3A_52 = tpu.memref_squeeze %dma_wait3A_51 : memref<1x128xi32, #tpu.memory_space<vmem>> -> memref<128xi32, #tpu.memory_space<vmem>>
          %dma_wait3A_53 = arith.constant 0 : i32
          %dma_wait3A_54 = arith.constant 0 : i32
          %dma_wait3A_55 = tpu.memref_slice %arg8[%dma_wait3A_53, %dma_wait3A_54] : memref<10240x16xf32, #tpu.memory_space<vmem_shared>> -> memref<10240x16xf32, #tpu.memory_space<vmem_shared>>
          tpu.wait_indirect_dma semaphore(%run_scoped3A_45 : memref<!tpu.dma_semaphore, #tpu.memory_space<semaphore_mem>>) src(%arg6 : memref<128x16xf32, #tpu.memory_space<vmem>>) dst(%dma_wait3A_55 : memref<10240x16xf32, #tpu.memory_space<vmem_shared>>)
          tpu.yield
        }) : () -> ()
      }
      %scan3A_43 = arith.constant 16 : i32
    }
    %scan3A_23 = arith.constant 5 : i32
    %barrier3A_24 = arith.constant 0 : index
    tpu.barrier barrier_id(%barrier3A_24)
    %mul3A_25 = arith.constant 640 : i32
    %mul3A_26 = arith.muli %arg1, %mul3A_25 : i32
    %mul3A_27 = arith.constant 640 : i32
    %mul3A_28 = arith.muli %arg1, %mul3A_27 : i32
    "tpu.region"() ({
      %run_scoped3A_29 = tpu.sem_alloc : memref<!tpu.dma_semaphore, #tpu.memory_space<semaphore_mem>>
      %dma_start3A = arith.constant 0 : i32
      %dma_start3A_30 = arith.constant 0 : i32
      %dma_start3A_31 = tpu.memref_slice %arg4[%arg0, %dma_start3A, %dma_start3A_30] : memref<2x10240x16xf32, #tpu.memory_space<hbm>> -> memref<1x10240x16xf32, #tpu.memory_space<hbm>>
      %dma_start3A_32 = tpu.memref_squeeze %dma_start3A_31 : memref<1x10240x16xf32, #tpu.memory_space<hbm>> -> memref<10240x16xf32, #tpu.memory_space<hbm>>
      %dma_start3A_33 = arith.constant 0 : i32
      %dma_start3A_34 = tpu.memref_slice %dma_start3A_32[%mul3A_28, %dma_start3A_33] : memref<10240x16xf32, #tpu.memory_space<hbm>> -> memref<640x16xf32, #tpu.memory_space<hbm>>
      %dma_start3A_35 = arith.constant 0 : i32
      %dma_start3A_36 = tpu.memref_slice %arg8[%mul3A_26, %dma_start3A_35] : memref<10240x16xf32, #tpu.memory_space<vmem_shared>> -> memref<640x16xf32, #tpu.memory_space<vmem_shared>>
      tpu.enqueue_dma source(%dma_start3A_36 : memref<640x16xf32, #tpu.memory_space<vmem_shared>>) target(%dma_start3A_34 : memref<640x16xf32, #tpu.memory_space<hbm>>) target_semaphore(%run_scoped3A_29 : memref<!tpu.dma_semaphore, #tpu.memory_space<semaphore_mem>>)
      %dma_wait3A = arith.constant 0 : i32
      %dma_wait3A_37 = arith.constant 0 : i32
      %dma_wait3A_38 = tpu.memref_slice %arg4[%arg0, %dma_wait3A, %dma_wait3A_37] : memref<2x10240x16xf32, #tpu.memory_space<hbm>> -> memref<1x10240x16xf32, #tpu.memory_space<hbm>>
      %dma_wait3A_39 = tpu.memref_squeeze %dma_wait3A_38 : memref<1x10240x16xf32, #tpu.memory_space<hbm>> -> memref<10240x16xf32, #tpu.memory_space<hbm>>
      %dma_wait3A_40 = arith.constant 0 : i32
      %dma_wait3A_41 = tpu.memref_slice %dma_wait3A_39[%mul3A_28, %dma_wait3A_40] : memref<10240x16xf32, #tpu.memory_space<hbm>> -> memref<640x16xf32, #tpu.memory_space<hbm>>
      %dma_wait3A_42 = arith.constant 0 : i32
      %dma_wait3A_43 = tpu.memref_slice %arg8[%mul3A_26, %dma_wait3A_42] : memref<10240x16xf32, #tpu.memory_space<vmem_shared>> -> memref<640x16xf32, #tpu.memory_space<vmem_shared>>
      tpu.wait_dma2 semaphore(%run_scoped3A_29 : memref<!tpu.dma_semaphore, #tpu.memory_space<semaphore_mem>>) src(%dma_wait3A_43 : memref<640x16xf32, #tpu.memory_space<vmem_shared>>) dst(%dma_wait3A_41 : memref<640x16xf32, #tpu.memory_space<hbm>>)
      tpu.yield
    }) : () -> ()
    return
  }
}

module attributes {stable_mosaic.version = 14 : i64} {
  func.func @_layer_body(%arg0: i32, %arg1: memref<2x2000x128xf32, #tpu.memory_space<vmem>>, %arg2: memref<2x2000x16xf32, #tpu.memory_space<vmem>>, %arg3: memref<2000x128xf32, #tpu.memory_space<vmem>>, %arg4: memref<2000x128xf32, #tpu.memory_space<vmem>>, %arg5: memref<256x256xf32, #tpu.memory_space<vmem>>, %arg6: memref<1x256xf32, #tpu.memory_space<vmem>>, %arg7: memref<256x256xf32, #tpu.memory_space<vmem>>, %arg8: memref<1x256xf32, #tpu.memory_space<vmem>>, %arg9: memref<1x256xf32, #tpu.memory_space<vmem>>, %arg10: memref<1x256xf32, #tpu.memory_space<vmem>>, %arg11: memref<1x256xf32, #tpu.memory_space<vmem>>, %arg12: memref<2000x128xf32, #tpu.memory_space<vmem>>, %arg13: memref<2000x128xf32, #tpu.memory_space<vmem>>) attributes {dimension_semantics = [#tpu.dimension_semantics<arbitrary>], iteration_bounds = array<i64: 5>, scalar_prefetch = 0 : i64, scratch_operands = 0 : i64, tpu.core_type = #tpu.core_type<tc>, window_params = [{transform_indices = @transform_0, window_bounds = array<i64: 2, 2000, 128>}, {transform_indices = @transform_1, window_bounds = array<i64: 2, 2000, 16>}, {transform_indices = @transform_2, window_bounds = array<i64: 2000, 128>}, {transform_indices = @transform_3, window_bounds = array<i64: 2000, 128>}, {pipeline_mode = #tpu.pipeline_mode<synchronous>, transform_indices = @transform_4, window_bounds = array<i64: 256, 256>}, {pipeline_mode = #tpu.pipeline_mode<synchronous>, transform_indices = @transform_5, window_bounds = array<i64: 1, 256>}, {pipeline_mode = #tpu.pipeline_mode<synchronous>, transform_indices = @transform_6, window_bounds = array<i64: 256, 256>}, {pipeline_mode = #tpu.pipeline_mode<synchronous>, transform_indices = @transform_7, window_bounds = array<i64: 1, 256>}, {pipeline_mode = #tpu.pipeline_mode<synchronous>, transform_indices = @transform_8, window_bounds = array<i64: 1, 256>}, {pipeline_mode = #tpu.pipeline_mode<synchronous>, transform_indices = @transform_9, window_bounds = array<i64: 1, 256>}, {pipeline_mode = #tpu.pipeline_mode<synchronous>, transform_indices = @transform_10, window_bounds = array<i64: 1, 256>}, {transform_indices = @transform_11, window_bounds = array<i64: 2000, 128>}, {transform_indices = @transform_12, window_bounds = array<i64: 2000, 128>}]} {
    %get3A = arith.constant 0 : index
    %get3A_0 = arith.constant 0 : index
    %get3A_1 = arith.constant 0 : index
    %get3A_2 = vector.load %arg2[%get3A, %get3A_0, %get3A_1] : memref<2x2000x16xf32, #tpu.memory_space<vmem>>, vector<1x2000x16xf32>
    %get3A_3 = vector.shape_cast %get3A_2 : vector<1x2000x16xf32> to vector<2000x16xf32>
    %get3A_4 = arith.constant 1 : index
    %get3A_5 = arith.constant 0 : index
    %get3A_6 = arith.constant 0 : index
    %get3A_7 = vector.load %arg2[%get3A_4, %get3A_5, %get3A_6] : memref<2x2000x16xf32, #tpu.memory_space<vmem>>, vector<1x2000x16xf32>
    %get3A_8 = vector.shape_cast %get3A_7 : vector<1x2000x16xf32> to vector<2000x16xf32>
    %add3A = arith.addf %get3A_3, %get3A_8 : vector<2000x16xf32>
    %reduce_sum3A = arith.constant dense<0.000000e+00> : vector<2000xf32>
    %reduce_sum3A_9 = vector.multi_reduction <add>, %add3A, %reduce_sum3A [1] : vector<2000x16xf32> to vector<2000xf32>
    %max3A = arith.constant 1.000000e+00 : f32
    %max3A_10 = vector.broadcast %max3A : f32 to vector<2000xf32>
    %max3A_11 = arith.maximumf %reduce_sum3A_9, %max3A_10 : vector<2000xf32>
    %div3A = arith.constant 1.000000e+00 : f32
    %div3A_12 = vector.broadcast %div3A : f32 to vector<2000xf32>
    %div3A_13 = arith.divf %div3A_12, %max3A_11 : vector<2000xf32>
    %broadcast_in_dim3A = vector.shape_cast %div3A_13 : vector<2000xf32> to vector<2000x1xf32>
    %get3A_14 = arith.constant 0 : index
    %get3A_15 = arith.constant 0 : index
    %get3A_16 = arith.constant 0 : index
    %get3A_17 = vector.load %arg1[%get3A_14, %get3A_15, %get3A_16] : memref<2x2000x128xf32, #tpu.memory_space<vmem>>, vector<1x2000x128xf32>
    %get3A_18 = vector.shape_cast %get3A_17 : vector<1x2000x128xf32> to vector<2000x128xf32>
    %mul3A = vector.broadcast %broadcast_in_dim3A : vector<2000x1xf32> to vector<2000x128xf32>
    %mul3A_19 = arith.mulf %get3A_18, %mul3A : vector<2000x128xf32>
    %get3A_20 = arith.constant 1 : index
    %get3A_21 = arith.constant 0 : index
    %get3A_22 = arith.constant 0 : index
    %get3A_23 = vector.load %arg1[%get3A_20, %get3A_21, %get3A_22] : memref<2x2000x128xf32, #tpu.memory_space<vmem>>, vector<1x2000x128xf32>
    %get3A_24 = vector.shape_cast %get3A_23 : vector<1x2000x128xf32> to vector<2000x128xf32>
    %mul3A_25 = vector.broadcast %broadcast_in_dim3A : vector<2000x1xf32> to vector<2000x128xf32>
    %mul3A_26 = arith.mulf %get3A_24, %mul3A_25 : vector<2000x128xf32>
    %get3A_27 = arith.constant 0 : index
    %get3A_28 = arith.constant 0 : index
    %get3A_29 = vector.load %arg3[%get3A_27, %get3A_28] : memref<2000x128xf32, #tpu.memory_space<vmem>>, vector<2000x128xf32>
    %get3A_30 = arith.constant 0 : index
    %get3A_31 = arith.constant 0 : index
    %get3A_32 = vector.load %arg4[%get3A_30, %get3A_31] : memref<2000x128xf32, #tpu.memory_space<vmem>>, vector<2000x128xf32>
    %get3A_33 = arith.constant 0 : index
    %get3A_34 = arith.constant 0 : index
    %get3A_35 = vector.load %arg5[%get3A_33, %get3A_34] : memref<256x256xf32, #tpu.memory_space<vmem>>, vector<128x256xf32>
    %dot_general3A = arith.constant dense<0.000000e+00> : vector<2000x256xf32>
    %dot_general3A_36 = tpu.matmul %mul3A_19, %get3A_35, %dot_general3A {dimension_numbers = #tpu.dot_dimension_numbers<[1], [0], [0], [1], [0, 0, 1, 1], [], []>, transpose_lhs_hint = false} : vector<2000x128xf32>, vector<128x256xf32>, vector<2000x256xf32> -> vector<2000x256xf32>
    %get3A_37 = arith.constant 128 : index
    %get3A_38 = arith.constant 0 : index
    %get3A_39 = vector.load %arg5[%get3A_37, %get3A_38] : memref<256x256xf32, #tpu.memory_space<vmem>>, vector<128x256xf32>
    %dot_general3A_40 = arith.constant dense<0.000000e+00> : vector<2000x256xf32>
    %dot_general3A_41 = tpu.matmul %mul3A_26, %get3A_39, %dot_general3A_40 {dimension_numbers = #tpu.dot_dimension_numbers<[1], [0], [0], [1], [0, 0, 1, 1], [], []>, transpose_lhs_hint = false} : vector<2000x128xf32>, vector<128x256xf32>, vector<2000x256xf32> -> vector<2000x256xf32>
    %add3A_42 = arith.addf %dot_general3A_36, %dot_general3A_41 : vector<2000x256xf32>
    %get3A_43 = arith.constant 0 : index
    %get3A_44 = arith.constant 0 : index
    %get3A_45 = vector.load %arg7[%get3A_43, %get3A_44] : memref<256x256xf32, #tpu.memory_space<vmem>>, vector<128x256xf32>
    %dot_general3A_46 = arith.constant dense<0.000000e+00> : vector<2000x256xf32>
    %dot_general3A_47 = tpu.matmul %get3A_29, %get3A_45, %dot_general3A_46 {dimension_numbers = #tpu.dot_dimension_numbers<[1], [0], [0], [1], [0, 0, 1, 1], [], []>, transpose_lhs_hint = false} : vector<2000x128xf32>, vector<128x256xf32>, vector<2000x256xf32> -> vector<2000x256xf32>
    %add3A_48 = arith.addf %add3A_42, %dot_general3A_47 : vector<2000x256xf32>
    %get3A_49 = arith.constant 128 : index
    %get3A_50 = arith.constant 0 : index
    %get3A_51 = vector.load %arg7[%get3A_49, %get3A_50] : memref<256x256xf32, #tpu.memory_space<vmem>>, vector<128x256xf32>
    %dot_general3A_52 = arith.constant dense<0.000000e+00> : vector<2000x256xf32>
    %dot_general3A_53 = tpu.matmul %get3A_32, %get3A_51, %dot_general3A_52 {dimension_numbers = #tpu.dot_dimension_numbers<[1], [0], [0], [1], [0, 0, 1, 1], [], []>, transpose_lhs_hint = false} : vector<2000x128xf32>, vector<128x256xf32>, vector<2000x256xf32> -> vector<2000x256xf32>
    %add3A_54 = arith.addf %add3A_48, %dot_general3A_53 : vector<2000x256xf32>
    %get3A_55 = arith.constant 0 : index
    %get3A_56 = arith.constant 0 : index
    %get3A_57 = vector.load %arg6[%get3A_55, %get3A_56] : memref<1x256xf32, #tpu.memory_space<vmem>>, vector<1x256xf32>
    %add3A_58 = vector.broadcast %get3A_57 : vector<1x256xf32> to vector<2000x256xf32>
    %add3A_59 = arith.addf %add3A_54, %add3A_58 : vector<2000x256xf32>
    %get3A_60 = arith.constant 0 : index
    %get3A_61 = arith.constant 0 : index
    %get3A_62 = vector.load %arg8[%get3A_60, %get3A_61] : memref<1x256xf32, #tpu.memory_space<vmem>>, vector<1x256xf32>
    %get3A_63 = arith.constant 0 : index
    %get3A_64 = arith.constant 0 : index
    %get3A_65 = vector.load %arg11[%get3A_63, %get3A_64] : memref<1x256xf32, #tpu.memory_space<vmem>>, vector<1x256xf32>
    %add3A_66 = arith.constant 9.99999974E-6 : f32
    %add3A_67 = vector.broadcast %add3A_66 : f32 to vector<1x256xf32>
    %add3A_68 = arith.addf %get3A_65, %add3A_67 : vector<1x256xf32>
    %sqrt3A = math.sqrt %add3A_68 : vector<1x256xf32>
    %div3A_69 = arith.divf %get3A_62, %sqrt3A : vector<1x256xf32>
    %get3A_70 = arith.constant 0 : index
    %get3A_71 = arith.constant 0 : index
    %get3A_72 = vector.load %arg10[%get3A_70, %get3A_71] : memref<1x256xf32, #tpu.memory_space<vmem>>, vector<1x256xf32>
    %sub3A = vector.broadcast %get3A_72 : vector<1x256xf32> to vector<2000x256xf32>
    %sub3A_73 = arith.subf %add3A_59, %sub3A : vector<2000x256xf32>
    %mul3A_74 = vector.broadcast %div3A_69 : vector<1x256xf32> to vector<2000x256xf32>
    %mul3A_75 = arith.mulf %sub3A_73, %mul3A_74 : vector<2000x256xf32>
    %get3A_76 = arith.constant 0 : index
    %get3A_77 = arith.constant 0 : index
    %get3A_78 = vector.load %arg9[%get3A_76, %get3A_77] : memref<1x256xf32, #tpu.memory_space<vmem>>, vector<1x256xf32>
    %add3A_79 = vector.broadcast %get3A_78 : vector<1x256xf32> to vector<2000x256xf32>
    %add3A_80 = arith.addf %mul3A_75, %add3A_79 : vector<2000x256xf32>
    %max3A_81 = arith.constant 0.000000e+00 : f32
    %max3A_82 = vector.broadcast %max3A_81 : f32 to vector<2000x256xf32>
    %max3A_83 = arith.maximumf %add3A_80, %max3A_82 : vector<2000x256xf32>
    %slice3A = vector.extract_strided_slice %max3A_83 {offsets = [0, 0], sizes = [2000, 128], strides = [1, 1]} : vector<2000x256xf32> to vector<2000x128xf32>
    %add3A_84 = arith.addf %slice3A, %get3A_29 : vector<2000x128xf32>
    %slice3A_85 = vector.extract_strided_slice %max3A_83 {offsets = [0, 128], sizes = [2000, 128], strides = [1, 1]} : vector<2000x256xf32> to vector<2000x128xf32>
    %add3A_86 = arith.addf %slice3A_85, %get3A_32 : vector<2000x128xf32>
    %swap3A = arith.constant 0 : index
    %swap3A_87 = arith.constant 0 : index
    %swap3A_88 = vector.load %arg12[%swap3A, %swap3A_87] : memref<2000x128xf32, #tpu.memory_space<vmem>>, vector<2000x128xf32>
    tpu.vector_store %arg12[%swap3A, %swap3A_87], %add3A_84 {strides = array<i32>} : memref<2000x128xf32, #tpu.memory_space<vmem>>, vector<2000x128xf32>,
    %swap3A_89 = arith.constant 0 : index
    %swap3A_90 = arith.constant 0 : index
    %swap3A_91 = vector.load %arg13[%swap3A_89, %swap3A_90] : memref<2000x128xf32, #tpu.memory_space<vmem>>, vector<2000x128xf32>
    tpu.vector_store %arg13[%swap3A_89, %swap3A_90], %add3A_86 {strides = array<i32>} : memref<2000x128xf32, #tpu.memory_space<vmem>>, vector<2000x128xf32>,
    return
  }
  func.func @transform_0(%arg0: i32) -> (i32, i32, i32) {
    %c0_i32 = arith.constant 0 : i32
    %c0_i32_0 = arith.constant 0 : i32
    %c0_i32_1 = arith.constant 0 : i32
    return %c0_i32, %arg0, %c0_i32_0 : i32, i32, i32
  }
  func.func @transform_1(%arg0: i32) -> (i32, i32, i32) {
    %c0_i32 = arith.constant 0 : i32
    %c0_i32_0 = arith.constant 0 : i32
    %c0_i32_1 = arith.constant 0 : i32
    return %c0_i32, %arg0, %c0_i32_0 : i32, i32, i32
  }
  func.func @transform_2(%arg0: i32) -> (i32, i32) {
    %c0_i32 = arith.constant 0 : i32
    %c0_i32_0 = arith.constant 0 : i32
    return %arg0, %c0_i32 : i32, i32
  }
  func.func @transform_3(%arg0: i32) -> (i32, i32) {
    %c0_i32 = arith.constant 0 : i32
    %c0_i32_0 = arith.constant 0 : i32
    return %arg0, %c0_i32 : i32, i32
  }
  func.func @transform_4(%arg0: i32) -> (i32, i32) {
    %c0_i32 = arith.constant 0 : i32
    %c0_i32_0 = arith.constant 0 : i32
    %c0_i32_1 = arith.constant 0 : i32
    return %c0_i32, %c0_i32_0 : i32, i32
  }
  func.func @transform_5(%arg0: i32) -> (i32, i32) {
    %c0_i32 = arith.constant 0 : i32
    %c0_i32_0 = arith.constant 0 : i32
    %c0_i32_1 = arith.constant 0 : i32
    return %c0_i32, %c0_i32_0 : i32, i32
  }
  func.func @transform_6(%arg0: i32) -> (i32, i32) {
    %c0_i32 = arith.constant 0 : i32
    %c0_i32_0 = arith.constant 0 : i32
    %c0_i32_1 = arith.constant 0 : i32
    return %c0_i32, %c0_i32_0 : i32, i32
  }
  func.func @transform_7(%arg0: i32) -> (i32, i32) {
    %c0_i32 = arith.constant 0 : i32
    %c0_i32_0 = arith.constant 0 : i32
    %c0_i32_1 = arith.constant 0 : i32
    return %c0_i32, %c0_i32_0 : i32, i32
  }
  func.func @transform_8(%arg0: i32) -> (i32, i32) {
    %c0_i32 = arith.constant 0 : i32
    %c0_i32_0 = arith.constant 0 : i32
    %c0_i32_1 = arith.constant 0 : i32
    return %c0_i32, %c0_i32_0 : i32, i32
  }
  func.func @transform_9(%arg0: i32) -> (i32, i32) {
    %c0_i32 = arith.constant 0 : i32
    %c0_i32_0 = arith.constant 0 : i32
    %c0_i32_1 = arith.constant 0 : i32
    return %c0_i32, %c0_i32_0 : i32, i32
  }
  func.func @transform_10(%arg0: i32) -> (i32, i32) {
    %c0_i32 = arith.constant 0 : i32
    %c0_i32_0 = arith.constant 0 : i32
    %c0_i32_1 = arith.constant 0 : i32
    return %c0_i32, %c0_i32_0 : i32, i32
  }
  func.func @transform_11(%arg0: i32) -> (i32, i32) {
    %c0_i32 = arith.constant 0 : i32
    %c0_i32_0 = arith.constant 0 : i32
    return %arg0, %c0_i32 : i32, i32
  }
  func.func @transform_12(%arg0: i32) -> (i32, i32) {
    %c0_i32 = arith.constant 0 : i32
    %c0_i32_0 = arith.constant 0 : i32
    return %arg0, %c0_i32 : i32, i32
  }
}

module attributes {stable_mosaic.version = 14 : i64} {
  func.func @_pre_body(%arg0: i32, %arg1: memref<2000x128xf32, #tpu.memory_space<vmem>>, %arg2: memref<2000x5xi32, #tpu.memory_space<vmem>>, %arg3: memref<2000x5xf32, #tpu.memory_space<vmem>>, %arg4: memref<64x32xf32, #tpu.memory_space<vmem>>, %arg5: memref<160x256xf32, #tpu.memory_space<vmem>>, %arg6: memref<1x256xf32, #tpu.memory_space<vmem>>, %arg7: memref<2000x128xf32, #tpu.memory_space<vmem>>, %arg8: memref<2000x128xf32, #tpu.memory_space<vmem>>) attributes {dimension_semantics = [#tpu.dimension_semantics<arbitrary>], iteration_bounds = array<i64: 5>, scalar_prefetch = 0 : i64, scratch_operands = 0 : i64, tpu.core_type = #tpu.core_type<tc>, window_params = [{transform_indices = @transform_0, window_bounds = array<i64: 2000, 128>}, {transform_indices = @transform_1, window_bounds = array<i64: 2000, 5>}, {transform_indices = @transform_2, window_bounds = array<i64: 2000, 5>}, {pipeline_mode = #tpu.pipeline_mode<synchronous>, transform_indices = @transform_3, window_bounds = array<i64: 64, 32>}, {pipeline_mode = #tpu.pipeline_mode<synchronous>, transform_indices = @transform_4, window_bounds = array<i64: 160, 256>}, {pipeline_mode = #tpu.pipeline_mode<synchronous>, transform_indices = @transform_5, window_bounds = array<i64: 1, 256>}, {transform_indices = @transform_6, window_bounds = array<i64: 2000, 128>}, {transform_indices = @transform_7, window_bounds = array<i64: 2000, 128>}]} {
    %get3A = arith.constant 0 : index
    %get3A_0 = arith.constant 0 : index
    %get3A_1 = vector.load %arg2[%get3A, %get3A_0] : memref<2000x5xi32, #tpu.memory_space<vmem>>, vector<2000x5xi32>
    %get3A_2 = arith.constant 0 : index
    %get3A_3 = arith.constant 0 : index
    %get3A_4 = vector.load %arg3[%get3A_2, %get3A_3] : memref<2000x5xf32, #tpu.memory_space<vmem>>, vector<2000x5xf32>
    %iota3A = tpu.iota {dimensions = array<i32: 1>} : vector<1x64xi32>
    %broadcast_in_dim3A = arith.constant 0.000000e+00 : f32
    %broadcast_in_dim3A_5 = vector.broadcast %broadcast_in_dim3A : f32 to vector<2000x64xf32>
    %slice3A = vector.extract_strided_slice %get3A_1 {offsets = [0, 0], sizes = [2000, 1], strides = [1, 1]} : vector<2000x5xi32> to vector<2000x1xi32>
    %eq3A = vector.broadcast %slice3A : vector<2000x1xi32> to vector<2000x64xi32>
    %eq3A_6 = vector.broadcast %iota3A : vector<1x64xi32> to vector<2000x64xi32>
    %eq3A_7 = arith.cmpi eq, %eq3A, %eq3A_6 : vector<2000x64xi32>
    %convert_element_type3A = arith.extui %eq3A_7 : vector<2000x64xi1> to vector<2000x64xi32>
    %convert_element_type3A_8 = arith.sitofp %convert_element_type3A : vector<2000x64xi32> to vector<2000x64xf32>
    %slice3A_9 = vector.extract_strided_slice %get3A_4 {offsets = [0, 0], sizes = [2000, 1], strides = [1, 1]} : vector<2000x5xf32> to vector<2000x1xf32>
    %mul3A = vector.broadcast %slice3A_9 : vector<2000x1xf32> to vector<2000x64xf32>
    %mul3A_10 = arith.mulf %convert_element_type3A_8, %mul3A : vector<2000x64xf32>
    %add3A = arith.addf %broadcast_in_dim3A_5, %mul3A_10 : vector<2000x64xf32>
    %slice3A_11 = vector.extract_strided_slice %get3A_1 {offsets = [0, 1], sizes = [2000, 1], strides = [1, 1]} : vector<2000x5xi32> to vector<2000x1xi32>
    %eq3A_12 = vector.broadcast %slice3A_11 : vector<2000x1xi32> to vector<2000x64xi32>
    %eq3A_13 = vector.broadcast %iota3A : vector<1x64xi32> to vector<2000x64xi32>
    %eq3A_14 = arith.cmpi eq, %eq3A_12, %eq3A_13 : vector<2000x64xi32>
    %convert_element_type3A_15 = arith.extui %eq3A_14 : vector<2000x64xi1> to vector<2000x64xi32>
    %convert_element_type3A_16 = arith.sitofp %convert_element_type3A_15 : vector<2000x64xi32> to vector<2000x64xf32>
    %slice3A_17 = vector.extract_strided_slice %get3A_4 {offsets = [0, 1], sizes = [2000, 1], strides = [1, 1]} : vector<2000x5xf32> to vector<2000x1xf32>
    %mul3A_18 = vector.broadcast %slice3A_17 : vector<2000x1xf32> to vector<2000x64xf32>
    %mul3A_19 = arith.mulf %convert_element_type3A_16, %mul3A_18 : vector<2000x64xf32>
    %add3A_20 = arith.addf %add3A, %mul3A_19 : vector<2000x64xf32>
    %slice3A_21 = vector.extract_strided_slice %get3A_1 {offsets = [0, 2], sizes = [2000, 1], strides = [1, 1]} : vector<2000x5xi32> to vector<2000x1xi32>
    %eq3A_22 = vector.broadcast %slice3A_21 : vector<2000x1xi32> to vector<2000x64xi32>
    %eq3A_23 = vector.broadcast %iota3A : vector<1x64xi32> to vector<2000x64xi32>
    %eq3A_24 = arith.cmpi eq, %eq3A_22, %eq3A_23 : vector<2000x64xi32>
    %convert_element_type3A_25 = arith.extui %eq3A_24 : vector<2000x64xi1> to vector<2000x64xi32>
    %convert_element_type3A_26 = arith.sitofp %convert_element_type3A_25 : vector<2000x64xi32> to vector<2000x64xf32>
    %slice3A_27 = vector.extract_strided_slice %get3A_4 {offsets = [0, 2], sizes = [2000, 1], strides = [1, 1]} : vector<2000x5xf32> to vector<2000x1xf32>
    %mul3A_28 = vector.broadcast %slice3A_27 : vector<2000x1xf32> to vector<2000x64xf32>
    %mul3A_29 = arith.mulf %convert_element_type3A_26, %mul3A_28 : vector<2000x64xf32>
    %add3A_30 = arith.addf %add3A_20, %mul3A_29 : vector<2000x64xf32>
    %slice3A_31 = vector.extract_strided_slice %get3A_1 {offsets = [0, 3], sizes = [2000, 1], strides = [1, 1]} : vector<2000x5xi32> to vector<2000x1xi32>
    %eq3A_32 = vector.broadcast %slice3A_31 : vector<2000x1xi32> to vector<2000x64xi32>
    %eq3A_33 = vector.broadcast %iota3A : vector<1x64xi32> to vector<2000x64xi32>
    %eq3A_34 = arith.cmpi eq, %eq3A_32, %eq3A_33 : vector<2000x64xi32>
    %convert_element_type3A_35 = arith.extui %eq3A_34 : vector<2000x64xi1> to vector<2000x64xi32>
    %convert_element_type3A_36 = arith.sitofp %convert_element_type3A_35 : vector<2000x64xi32> to vector<2000x64xf32>
    %slice3A_37 = vector.extract_strided_slice %get3A_4 {offsets = [0, 3], sizes = [2000, 1], strides = [1, 1]} : vector<2000x5xf32> to vector<2000x1xf32>
    %mul3A_38 = vector.broadcast %slice3A_37 : vector<2000x1xf32> to vector<2000x64xf32>
    %mul3A_39 = arith.mulf %convert_element_type3A_36, %mul3A_38 : vector<2000x64xf32>
    %add3A_40 = arith.addf %add3A_30, %mul3A_39 : vector<2000x64xf32>
    %slice3A_41 = vector.extract_strided_slice %get3A_1 {offsets = [0, 4], sizes = [2000, 1], strides = [1, 1]} : vector<2000x5xi32> to vector<2000x1xi32>
    %eq3A_42 = vector.broadcast %slice3A_41 : vector<2000x1xi32> to vector<2000x64xi32>
    %eq3A_43 = vector.broadcast %iota3A : vector<1x64xi32> to vector<2000x64xi32>
    %eq3A_44 = arith.cmpi eq, %eq3A_42, %eq3A_43 : vector<2000x64xi32>
    %convert_element_type3A_45 = arith.extui %eq3A_44 : vector<2000x64xi1> to vector<2000x64xi32>
    %convert_element_type3A_46 = arith.sitofp %convert_element_type3A_45 : vector<2000x64xi32> to vector<2000x64xf32>
    %slice3A_47 = vector.extract_strided_slice %get3A_4 {offsets = [0, 4], sizes = [2000, 1], strides = [1, 1]} : vector<2000x5xf32> to vector<2000x1xf32>
    %mul3A_48 = vector.broadcast %slice3A_47 : vector<2000x1xf32> to vector<2000x64xf32>
    %mul3A_49 = arith.mulf %convert_element_type3A_46, %mul3A_48 : vector<2000x64xf32>
    %add3A_50 = arith.addf %add3A_40, %mul3A_49 : vector<2000x64xf32>
    %reduce_sum3A = arith.constant dense<0.000000e+00> : vector<2000xf32>
    %reduce_sum3A_51 = vector.multi_reduction <add>, %get3A_4, %reduce_sum3A [1] : vector<2000x5xf32> to vector<2000xf32>
    %broadcast_in_dim3A_52 = vector.shape_cast %reduce_sum3A_51 : vector<2000xf32> to vector<2000x1xf32>
    %jit3A = arith.constant 9.99999993E-9 : f32
    %max3A = vector.broadcast %jit3A : f32 to vector<2000x1xf32>
    %max3A_53 = arith.maximumf %max3A, %broadcast_in_dim3A_52 : vector<2000x1xf32>
    %get3A_54 = arith.constant 0 : index
    %get3A_55 = arith.constant 0 : index
    %get3A_56 = vector.load %arg4[%get3A_54, %get3A_55] : memref<64x32xf32, #tpu.memory_space<vmem>>, vector<64x32xf32>
    %dot_general3A = arith.constant dense<0.000000e+00> : vector<2000x32xf32>
    %dot_general3A_57 = tpu.matmul %add3A_50, %get3A_56, %dot_general3A {dimension_numbers = #tpu.dot_dimension_numbers<[1], [0], [0], [1], [0, 0, 1, 1], [], []>, transpose_lhs_hint = false} : vector<2000x64xf32>, vector<64x32xf32>, vector<2000x32xf32> -> vector<2000x32xf32>
    %div3A = vector.broadcast %max3A_53 : vector<2000x1xf32> to vector<2000x32xf32>
    %div3A_58 = arith.divf %dot_general3A_57, %div3A : vector<2000x32xf32>
    %get3A_59 = arith.constant 0 : index
    %get3A_60 = arith.constant 0 : index
    %get3A_61 = vector.load %arg1[%get3A_59, %get3A_60] : memref<2000x128xf32, #tpu.memory_space<vmem>>, vector<2000x128xf32>
    %get3A_62 = arith.constant 0 : index
    %get3A_63 = arith.constant 0 : index
    %get3A_64 = vector.load %arg5[%get3A_62, %get3A_63] : memref<160x256xf32, #tpu.memory_space<vmem>>, vector<128x256xf32>
    %dot_general3A_65 = arith.constant dense<0.000000e+00> : vector<2000x256xf32>
    %dot_general3A_66 = tpu.matmul %get3A_61, %get3A_64, %dot_general3A_65 {dimension_numbers = #tpu.dot_dimension_numbers<[1], [0], [0], [1], [0, 0, 1, 1], [], []>, transpose_lhs_hint = false} : vector<2000x128xf32>, vector<128x256xf32>, vector<2000x256xf32> -> vector<2000x256xf32>
    %get3A_67 = arith.constant 128 : index
    %get3A_68 = arith.constant 0 : index
    %get3A_69 = vector.load %arg5[%get3A_67, %get3A_68] : memref<160x256xf32, #tpu.memory_space<vmem>>, vector<32x256xf32>
    %dot_general3A_70 = arith.constant dense<0.000000e+00> : vector<2000x256xf32>
    %dot_general3A_71 = tpu.matmul %div3A_58, %get3A_69, %dot_general3A_70 {dimension_numbers = #tpu.dot_dimension_numbers<[1], [0], [0], [1], [0, 0, 1, 1], [], []>, transpose_lhs_hint = false} : vector<2000x32xf32>, vector<32x256xf32>, vector<2000x256xf32> -> vector<2000x256xf32>
    %add3A_72 = arith.addf %dot_general3A_66, %dot_general3A_71 : vector<2000x256xf32>
    %get3A_73 = arith.constant 0 : index
    %get3A_74 = arith.constant 0 : index
    %get3A_75 = vector.load %arg6[%get3A_73, %get3A_74] : memref<1x256xf32, #tpu.memory_space<vmem>>, vector<1x256xf32>
    %add3A_76 = vector.broadcast %get3A_75 : vector<1x256xf32> to vector<2000x256xf32>
    %add3A_77 = arith.addf %add3A_72, %add3A_76 : vector<2000x256xf32>
    %max3A_78 = arith.constant 0.000000e+00 : f32
    %max3A_79 = vector.broadcast %max3A_78 : f32 to vector<2000x256xf32>
    %max3A_80 = arith.maximumf %add3A_77, %max3A_79 : vector<2000x256xf32>
    %slice3A_81 = vector.extract_strided_slice %max3A_80 {offsets = [0, 0], sizes = [2000, 128], strides = [1, 1]} : vector<2000x256xf32> to vector<2000x128xf32>
    %swap3A = arith.constant 0 : index
    %swap3A_82 = arith.constant 0 : index
    %swap3A_83 = vector.load %arg7[%swap3A, %swap3A_82] : memref<2000x128xf32, #tpu.memory_space<vmem>>, vector<2000x128xf32>
    tpu.vector_store %arg7[%swap3A, %swap3A_82], %slice3A_81 {strides = array<i32>} : memref<2000x128xf32, #tpu.memory_space<vmem>>, vector<2000x128xf32>,
    %slice3A_84 = vector.extract_strided_slice %max3A_80 {offsets = [0, 128], sizes = [2000, 128], strides = [1, 1]} : vector<2000x256xf32> to vector<2000x128xf32>
    %swap3A_85 = arith.constant 0 : index
    %swap3A_86 = arith.constant 0 : index
    %swap3A_87 = vector.load %arg8[%swap3A_85, %swap3A_86] : memref<2000x128xf32, #tpu.memory_space<vmem>>, vector<2000x128xf32>
    tpu.vector_store %arg8[%swap3A_85, %swap3A_86], %slice3A_84 {strides = array<i32>} : memref<2000x128xf32, #tpu.memory_space<vmem>>, vector<2000x128xf32>,
    return
  }
  func.func @transform_0(%arg0: i32) -> (i32, i32) {
    %c0_i32 = arith.constant 0 : i32
    %c0_i32_0 = arith.constant 0 : i32
    return %arg0, %c0_i32 : i32, i32
  }
  func.func @transform_1(%arg0: i32) -> (i32, i32) {
    %c0_i32 = arith.constant 0 : i32
    %c0_i32_0 = arith.constant 0 : i32
    return %arg0, %c0_i32 : i32, i32
  }
  func.func @transform_2(%arg0: i32) -> (i32, i32) {
    %c0_i32 = arith.constant 0 : i32
    %c0_i32_0 = arith.constant 0 : i32
    return %arg0, %c0_i32 : i32, i32
  }
  func.func @transform_3(%arg0: i32) -> (i32, i32) {
    %c0_i32 = arith.constant 0 : i32
    %c0_i32_0 = arith.constant 0 : i32
    %c0_i32_1 = arith.constant 0 : i32
    return %c0_i32, %c0_i32_0 : i32, i32
  }
  func.func @transform_4(%arg0: i32) -> (i32, i32) {
    %c0_i32 = arith.constant 0 : i32
    %c0_i32_0 = arith.constant 0 : i32
    %c0_i32_1 = arith.constant 0 : i32
    return %c0_i32, %c0_i32_0 : i32, i32
  }
  func.func @transform_5(%arg0: i32) -> (i32, i32) {
    %c0_i32 = arith.constant 0 : i32
    %c0_i32_0 = arith.constant 0 : i32
    %c0_i32_1 = arith.constant 0 : i32
    return %c0_i32, %c0_i32_0 : i32, i32
  }
  func.func @transform_6(%arg0: i32) -> (i32, i32) {
    %c0_i32 = arith.constant 0 : i32
    %c0_i32_0 = arith.constant 0 : i32
    return %arg0, %c0_i32 : i32, i32
  }
  func.func @transform_7(%arg0: i32) -> (i32, i32) {
    %c0_i32 = arith.constant 0 : i32
    %c0_i32_0 = arith.constant 0 : i32
    return %arg0, %c0_i32 : i32, i32
  }
}

module attributes {stable_mosaic.version = 14 : i64} {
  func.func @_layer_body(%arg0: i32, %arg1: memref<2x2000x128xf32, #tpu.memory_space<vmem>>, %arg2: memref<2x2000x16xf32, #tpu.memory_space<vmem>>, %arg3: memref<2000x128xf32, #tpu.memory_space<vmem>>, %arg4: memref<2000x128xf32, #tpu.memory_space<vmem>>, %arg5: memref<256x256xf32, #tpu.memory_space<vmem>>, %arg6: memref<1x256xf32, #tpu.memory_space<vmem>>, %arg7: memref<256x256xf32, #tpu.memory_space<vmem>>, %arg8: memref<1x256xf32, #tpu.memory_space<vmem>>, %arg9: memref<1x256xf32, #tpu.memory_space<vmem>>, %arg10: memref<1x256xf32, #tpu.memory_space<vmem>>, %arg11: memref<1x256xf32, #tpu.memory_space<vmem>>, %arg12: memref<256x128xf32, #tpu.memory_space<vmem>>, %arg13: memref<1x128xf32, #tpu.memory_space<vmem>>, %arg14: memref<128x1xf32, #tpu.memory_space<vmem>>, %arg15: memref<1x1xf32, #tpu.memory_space<vmem>>, %arg16: memref<2000x1xf32, #tpu.memory_space<vmem>>) attributes {dimension_semantics = [#tpu.dimension_semantics<arbitrary>], iteration_bounds = array<i64: 5>, scalar_prefetch = 0 : i64, scratch_operands = 0 : i64, tpu.core_type = #tpu.core_type<tc>, window_params = [{transform_indices = @transform_0, window_bounds = array<i64: 2, 2000, 128>}, {transform_indices = @transform_1, window_bounds = array<i64: 2, 2000, 16>}, {transform_indices = @transform_2, window_bounds = array<i64: 2000, 128>}, {transform_indices = @transform_3, window_bounds = array<i64: 2000, 128>}, {pipeline_mode = #tpu.pipeline_mode<synchronous>, transform_indices = @transform_4, window_bounds = array<i64: 256, 256>}, {pipeline_mode = #tpu.pipeline_mode<synchronous>, transform_indices = @transform_5, window_bounds = array<i64: 1, 256>}, {pipeline_mode = #tpu.pipeline_mode<synchronous>, transform_indices = @transform_6, window_bounds = array<i64: 256, 256>}, {pipeline_mode = #tpu.pipeline_mode<synchronous>, transform_indices = @transform_7, window_bounds = array<i64: 1, 256>}, {pipeline_mode = #tpu.pipeline_mode<synchronous>, transform_indices = @transform_8, window_bounds = array<i64: 1, 256>}, {pipeline_mode = #tpu.pipeline_mode<synchronous>, transform_indices = @transform_9, window_bounds = array<i64: 1, 256>}, {pipeline_mode = #tpu.pipeline_mode<synchronous>, transform_indices = @transform_10, window_bounds = array<i64: 1, 256>}, {pipeline_mode = #tpu.pipeline_mode<synchronous>, transform_indices = @transform_11, window_bounds = array<i64: 256, 128>}, {pipeline_mode = #tpu.pipeline_mode<synchronous>, transform_indices = @transform_12, window_bounds = array<i64: 1, 128>}, {pipeline_mode = #tpu.pipeline_mode<synchronous>, transform_indices = @transform_13, window_bounds = array<i64: 128, 1>}, {pipeline_mode = #tpu.pipeline_mode<synchronous>, transform_indices = @transform_14, window_bounds = array<i64: 1, 1>}, {transform_indices = @transform_15, window_bounds = array<i64: 2000, 1>}]} {
    %get3A = arith.constant 0 : index
    %get3A_0 = arith.constant 0 : index
    %get3A_1 = arith.constant 0 : index
    %get3A_2 = vector.load %arg2[%get3A, %get3A_0, %get3A_1] : memref<2x2000x16xf32, #tpu.memory_space<vmem>>, vector<1x2000x16xf32>
    %get3A_3 = vector.shape_cast %get3A_2 : vector<1x2000x16xf32> to vector<2000x16xf32>
    %get3A_4 = arith.constant 1 : index
    %get3A_5 = arith.constant 0 : index
    %get3A_6 = arith.constant 0 : index
    %get3A_7 = vector.load %arg2[%get3A_4, %get3A_5, %get3A_6] : memref<2x2000x16xf32, #tpu.memory_space<vmem>>, vector<1x2000x16xf32>
    %get3A_8 = vector.shape_cast %get3A_7 : vector<1x2000x16xf32> to vector<2000x16xf32>
    %add3A = arith.addf %get3A_3, %get3A_8 : vector<2000x16xf32>
    %reduce_sum3A = arith.constant dense<0.000000e+00> : vector<2000xf32>
    %reduce_sum3A_9 = vector.multi_reduction <add>, %add3A, %reduce_sum3A [1] : vector<2000x16xf32> to vector<2000xf32>
    %max3A = arith.constant 1.000000e+00 : f32
    %max3A_10 = vector.broadcast %max3A : f32 to vector<2000xf32>
    %max3A_11 = arith.maximumf %reduce_sum3A_9, %max3A_10 : vector<2000xf32>
    %div3A = arith.constant 1.000000e+00 : f32
    %div3A_12 = vector.broadcast %div3A : f32 to vector<2000xf32>
    %div3A_13 = arith.divf %div3A_12, %max3A_11 : vector<2000xf32>
    %broadcast_in_dim3A = vector.shape_cast %div3A_13 : vector<2000xf32> to vector<2000x1xf32>
    %get3A_14 = arith.constant 0 : index
    %get3A_15 = arith.constant 0 : index
    %get3A_16 = arith.constant 0 : index
    %get3A_17 = vector.load %arg1[%get3A_14, %get3A_15, %get3A_16] : memref<2x2000x128xf32, #tpu.memory_space<vmem>>, vector<1x2000x128xf32>
    %get3A_18 = vector.shape_cast %get3A_17 : vector<1x2000x128xf32> to vector<2000x128xf32>
    %mul3A = vector.broadcast %broadcast_in_dim3A : vector<2000x1xf32> to vector<2000x128xf32>
    %mul3A_19 = arith.mulf %get3A_18, %mul3A : vector<2000x128xf32>
    %get3A_20 = arith.constant 1 : index
    %get3A_21 = arith.constant 0 : index
    %get3A_22 = arith.constant 0 : index
    %get3A_23 = vector.load %arg1[%get3A_20, %get3A_21, %get3A_22] : memref<2x2000x128xf32, #tpu.memory_space<vmem>>, vector<1x2000x128xf32>
    %get3A_24 = vector.shape_cast %get3A_23 : vector<1x2000x128xf32> to vector<2000x128xf32>
    %mul3A_25 = vector.broadcast %broadcast_in_dim3A : vector<2000x1xf32> to vector<2000x128xf32>
    %mul3A_26 = arith.mulf %get3A_24, %mul3A_25 : vector<2000x128xf32>
    %get3A_27 = arith.constant 0 : index
    %get3A_28 = arith.constant 0 : index
    %get3A_29 = vector.load %arg3[%get3A_27, %get3A_28] : memref<2000x128xf32, #tpu.memory_space<vmem>>, vector<2000x128xf32>
    %get3A_30 = arith.constant 0 : index
    %get3A_31 = arith.constant 0 : index
    %get3A_32 = vector.load %arg4[%get3A_30, %get3A_31] : memref<2000x128xf32, #tpu.memory_space<vmem>>, vector<2000x128xf32>
    %get3A_33 = arith.constant 0 : index
    %get3A_34 = arith.constant 0 : index
    %get3A_35 = vector.load %arg5[%get3A_33, %get3A_34] : memref<256x256xf32, #tpu.memory_space<vmem>>, vector<128x256xf32>
    %dot_general3A = arith.constant dense<0.000000e+00> : vector<2000x256xf32>
    %dot_general3A_36 = tpu.matmul %mul3A_19, %get3A_35, %dot_general3A {dimension_numbers = #tpu.dot_dimension_numbers<[1], [0], [0], [1], [0, 0, 1, 1], [], []>, transpose_lhs_hint = false} : vector<2000x128xf32>, vector<128x256xf32>, vector<2000x256xf32> -> vector<2000x256xf32>
    %get3A_37 = arith.constant 128 : index
    %get3A_38 = arith.constant 0 : index
    %get3A_39 = vector.load %arg5[%get3A_37, %get3A_38] : memref<256x256xf32, #tpu.memory_space<vmem>>, vector<128x256xf32>
    %dot_general3A_40 = arith.constant dense<0.000000e+00> : vector<2000x256xf32>
    %dot_general3A_41 = tpu.matmul %mul3A_26, %get3A_39, %dot_general3A_40 {dimension_numbers = #tpu.dot_dimension_numbers<[1], [0], [0], [1], [0, 0, 1, 1], [], []>, transpose_lhs_hint = false} : vector<2000x128xf32>, vector<128x256xf32>, vector<2000x256xf32> -> vector<2000x256xf32>
    %add3A_42 = arith.addf %dot_general3A_36, %dot_general3A_41 : vector<2000x256xf32>
    %get3A_43 = arith.constant 0 : index
    %get3A_44 = arith.constant 0 : index
    %get3A_45 = vector.load %arg7[%get3A_43, %get3A_44] : memref<256x256xf32, #tpu.memory_space<vmem>>, vector<128x256xf32>
    %dot_general3A_46 = arith.constant dense<0.000000e+00> : vector<2000x256xf32>
    %dot_general3A_47 = tpu.matmul %get3A_29, %get3A_45, %dot_general3A_46 {dimension_numbers = #tpu.dot_dimension_numbers<[1], [0], [0], [1], [0, 0, 1, 1], [], []>, transpose_lhs_hint = false} : vector<2000x128xf32>, vector<128x256xf32>, vector<2000x256xf32> -> vector<2000x256xf32>
    %add3A_48 = arith.addf %add3A_42, %dot_general3A_47 : vector<2000x256xf32>
    %get3A_49 = arith.constant 128 : index
    %get3A_50 = arith.constant 0 : index
    %get3A_51 = vector.load %arg7[%get3A_49, %get3A_50] : memref<256x256xf32, #tpu.memory_space<vmem>>, vector<128x256xf32>
    %dot_general3A_52 = arith.constant dense<0.000000e+00> : vector<2000x256xf32>
    %dot_general3A_53 = tpu.matmul %get3A_32, %get3A_51, %dot_general3A_52 {dimension_numbers = #tpu.dot_dimension_numbers<[1], [0], [0], [1], [0, 0, 1, 1], [], []>, transpose_lhs_hint = false} : vector<2000x128xf32>, vector<128x256xf32>, vector<2000x256xf32> -> vector<2000x256xf32>
    %add3A_54 = arith.addf %add3A_48, %dot_general3A_53 : vector<2000x256xf32>
    %get3A_55 = arith.constant 0 : index
    %get3A_56 = arith.constant 0 : index
    %get3A_57 = vector.load %arg6[%get3A_55, %get3A_56] : memref<1x256xf32, #tpu.memory_space<vmem>>, vector<1x256xf32>
    %add3A_58 = vector.broadcast %get3A_57 : vector<1x256xf32> to vector<2000x256xf32>
    %add3A_59 = arith.addf %add3A_54, %add3A_58 : vector<2000x256xf32>
    %get3A_60 = arith.constant 0 : index
    %get3A_61 = arith.constant 0 : index
    %get3A_62 = vector.load %arg8[%get3A_60, %get3A_61] : memref<1x256xf32, #tpu.memory_space<vmem>>, vector<1x256xf32>
    %get3A_63 = arith.constant 0 : index
    %get3A_64 = arith.constant 0 : index
    %get3A_65 = vector.load %arg11[%get3A_63, %get3A_64] : memref<1x256xf32, #tpu.memory_space<vmem>>, vector<1x256xf32>
    %add3A_66 = arith.constant 9.99999974E-6 : f32
    %add3A_67 = vector.broadcast %add3A_66 : f32 to vector<1x256xf32>
    %add3A_68 = arith.addf %get3A_65, %add3A_67 : vector<1x256xf32>
    %sqrt3A = math.sqrt %add3A_68 : vector<1x256xf32>
    %div3A_69 = arith.divf %get3A_62, %sqrt3A : vector<1x256xf32>
    %get3A_70 = arith.constant 0 : index
    %get3A_71 = arith.constant 0 : index
    %get3A_72 = vector.load %arg10[%get3A_70, %get3A_71] : memref<1x256xf32, #tpu.memory_space<vmem>>, vector<1x256xf32>
    %sub3A = vector.broadcast %get3A_72 : vector<1x256xf32> to vector<2000x256xf32>
    %sub3A_73 = arith.subf %add3A_59, %sub3A : vector<2000x256xf32>
    %mul3A_74 = vector.broadcast %div3A_69 : vector<1x256xf32> to vector<2000x256xf32>
    %mul3A_75 = arith.mulf %sub3A_73, %mul3A_74 : vector<2000x256xf32>
    %get3A_76 = arith.constant 0 : index
    %get3A_77 = arith.constant 0 : index
    %get3A_78 = vector.load %arg9[%get3A_76, %get3A_77] : memref<1x256xf32, #tpu.memory_space<vmem>>, vector<1x256xf32>
    %add3A_79 = vector.broadcast %get3A_78 : vector<1x256xf32> to vector<2000x256xf32>
    %add3A_80 = arith.addf %mul3A_75, %add3A_79 : vector<2000x256xf32>
    %max3A_81 = arith.constant 0.000000e+00 : f32
    %max3A_82 = vector.broadcast %max3A_81 : f32 to vector<2000x256xf32>
    %max3A_83 = arith.maximumf %add3A_80, %max3A_82 : vector<2000x256xf32>
    %slice3A = vector.extract_strided_slice %max3A_83 {offsets = [0, 0], sizes = [2000, 128], strides = [1, 1]} : vector<2000x256xf32> to vector<2000x128xf32>
    %add3A_84 = arith.addf %slice3A, %get3A_29 : vector<2000x128xf32>
    %slice3A_85 = vector.extract_strided_slice %max3A_83 {offsets = [0, 128], sizes = [2000, 128], strides = [1, 1]} : vector<2000x256xf32> to vector<2000x128xf32>
    %add3A_86 = arith.addf %slice3A_85, %get3A_32 : vector<2000x128xf32>
    %get3A_87 = arith.constant 0 : index
    %get3A_88 = arith.constant 0 : index
    %get3A_89 = vector.load %arg12[%get3A_87, %get3A_88] : memref<256x128xf32, #tpu.memory_space<vmem>>, vector<128x128xf32>
    %dot_general3A_90 = arith.constant dense<0.000000e+00> : vector<2000x128xf32>
    %dot_general3A_91 = tpu.matmul %add3A_84, %get3A_89, %dot_general3A_90 {dimension_numbers = #tpu.dot_dimension_numbers<[1], [0], [0], [1], [0, 0, 1, 1], [], []>, transpose_lhs_hint = false} : vector<2000x128xf32>, vector<128x128xf32>, vector<2000x128xf32> -> vector<2000x128xf32>
    %get3A_92 = arith.constant 128 : index
    %get3A_93 = arith.constant 0 : index
    %get3A_94 = vector.load %arg12[%get3A_92, %get3A_93] : memref<256x128xf32, #tpu.memory_space<vmem>>, vector<128x128xf32>
    %dot_general3A_95 = arith.constant dense<0.000000e+00> : vector<2000x128xf32>
    %dot_general3A_96 = tpu.matmul %add3A_86, %get3A_94, %dot_general3A_95 {dimension_numbers = #tpu.dot_dimension_numbers<[1], [0], [0], [1], [0, 0, 1, 1], [], []>, transpose_lhs_hint = false} : vector<2000x128xf32>, vector<128x128xf32>, vector<2000x128xf32> -> vector<2000x128xf32>
    %add3A_97 = arith.addf %dot_general3A_91, %dot_general3A_96 : vector<2000x128xf32>
    %get3A_98 = arith.constant 0 : index
    %get3A_99 = arith.constant 0 : index
    %get3A_100 = vector.load %arg13[%get3A_98, %get3A_99] : memref<1x128xf32, #tpu.memory_space<vmem>>, vector<1x128xf32>
    %add3A_101 = vector.broadcast %get3A_100 : vector<1x128xf32> to vector<2000x128xf32>
    %add3A_102 = arith.addf %add3A_97, %add3A_101 : vector<2000x128xf32>
    %max3A_103 = arith.constant 0.000000e+00 : f32
    %max3A_104 = vector.broadcast %max3A_103 : f32 to vector<2000x128xf32>
    %max3A_105 = arith.maximumf %add3A_102, %max3A_104 : vector<2000x128xf32>
    %get3A_106 = arith.constant 0 : index
    %get3A_107 = arith.constant 0 : index
    %get3A_108 = vector.load %arg14[%get3A_106, %get3A_107] : memref<128x1xf32, #tpu.memory_space<vmem>>, vector<128x1xf32>
    %dot_general3A_109 = arith.constant dense<0.000000e+00> : vector<2000x1xf32>
    %dot_general3A_110 = tpu.matmul %max3A_105, %get3A_108, %dot_general3A_109 {dimension_numbers = #tpu.dot_dimension_numbers<[1], [0], [0], [1], [0, 0, 1, 1], [], []>, transpose_lhs_hint = false} : vector<2000x128xf32>, vector<128x1xf32>, vector<2000x1xf32> -> vector<2000x1xf32>
    %get3A_111 = arith.constant 0 : index
    %get3A_112 = arith.constant 0 : index
    %get3A_113 = vector.load %arg15[%get3A_111, %get3A_112] : memref<1x1xf32, #tpu.memory_space<vmem>>, vector<1x1xf32>
    %add3A_114 = vector.broadcast %get3A_113 : vector<1x1xf32> to vector<2000x1xf32>
    %add3A_115 = arith.addf %dot_general3A_110, %add3A_114 : vector<2000x1xf32>
    %logistic3A = arith.negf %add3A_115 : vector<2000x1xf32>
    %logistic3A_116 = math.exp %logistic3A : vector<2000x1xf32>
    %logistic3A_117 = arith.constant 1.000000e+00 : f32
    %logistic3A_118 = vector.broadcast %logistic3A_117 : f32 to vector<2000x1xf32>
    %logistic3A_119 = arith.addf %logistic3A_118, %logistic3A_116 : vector<2000x1xf32>
    %logistic3A_120 = arith.divf %logistic3A_118, %logistic3A_119 : vector<2000x1xf32>
    %mul3A_121 = arith.constant 9.000000e+00 : f32
    %mul3A_122 = vector.broadcast %mul3A_121 : f32 to vector<2000x1xf32>
    %mul3A_123 = arith.mulf %mul3A_122, %logistic3A_120 : vector<2000x1xf32>
    %add3A_124 = arith.constant 1.000000e+00 : f32
    %add3A_125 = vector.broadcast %add3A_124 : f32 to vector<2000x1xf32>
    %add3A_126 = arith.addf %add3A_125, %mul3A_123 : vector<2000x1xf32>
    %swap3A = arith.constant 0 : index
    %swap3A_127 = arith.constant 0 : index
    %swap3A_128 = vector.load %arg16[%swap3A, %swap3A_127] : memref<2000x1xf32, #tpu.memory_space<vmem>>, vector<2000x1xf32>
    tpu.vector_store %arg16[%swap3A, %swap3A_127], %add3A_126 {strides = array<i32>} : memref<2000x1xf32, #tpu.memory_space<vmem>>, vector<2000x1xf32>,
    return
  }
  func.func @transform_0(%arg0: i32) -> (i32, i32, i32) {
    %c0_i32 = arith.constant 0 : i32
    %c0_i32_0 = arith.constant 0 : i32
    %c0_i32_1 = arith.constant 0 : i32
    return %c0_i32, %arg0, %c0_i32_0 : i32, i32, i32
  }
  func.func @transform_1(%arg0: i32) -> (i32, i32, i32) {
    %c0_i32 = arith.constant 0 : i32
    %c0_i32_0 = arith.constant 0 : i32
    %c0_i32_1 = arith.constant 0 : i32
    return %c0_i32, %arg0, %c0_i32_0 : i32, i32, i32
  }
  func.func @transform_2(%arg0: i32) -> (i32, i32) {
    %c0_i32 = arith.constant 0 : i32
    %c0_i32_0 = arith.constant 0 : i32
    return %arg0, %c0_i32 : i32, i32
  }
  func.func @transform_3(%arg0: i32) -> (i32, i32) {
    %c0_i32 = arith.constant 0 : i32
    %c0_i32_0 = arith.constant 0 : i32
    return %arg0, %c0_i32 : i32, i32
  }
  func.func @transform_4(%arg0: i32) -> (i32, i32) {
    %c0_i32 = arith.constant 0 : i32
    %c0_i32_0 = arith.constant 0 : i32
    %c0_i32_1 = arith.constant 0 : i32
    return %c0_i32, %c0_i32_0 : i32, i32
  }
  func.func @transform_5(%arg0: i32) -> (i32, i32) {
    %c0_i32 = arith.constant 0 : i32
    %c0_i32_0 = arith.constant 0 : i32
    %c0_i32_1 = arith.constant 0 : i32
    return %c0_i32, %c0_i32_0 : i32, i32
  }
  func.func @transform_6(%arg0: i32) -> (i32, i32) {
    %c0_i32 = arith.constant 0 : i32
    %c0_i32_0 = arith.constant 0 : i32
    %c0_i32_1 = arith.constant 0 : i32
    return %c0_i32, %c0_i32_0 : i32, i32
  }
  func.func @transform_7(%arg0: i32) -> (i32, i32) {
    %c0_i32 = arith.constant 0 : i32
    %c0_i32_0 = arith.constant 0 : i32
    %c0_i32_1 = arith.constant 0 : i32
    return %c0_i32, %c0_i32_0 : i32, i32
  }
  func.func @transform_8(%arg0: i32) -> (i32, i32) {
    %c0_i32 = arith.constant 0 : i32
    %c0_i32_0 = arith.constant 0 : i32
    %c0_i32_1 = arith.constant 0 : i32
    return %c0_i32, %c0_i32_0 : i32, i32
  }
  func.func @transform_9(%arg0: i32) -> (i32, i32) {
    %c0_i32 = arith.constant 0 : i32
    %c0_i32_0 = arith.constant 0 : i32
    %c0_i32_1 = arith.constant 0 : i32
    return %c0_i32, %c0_i32_0 : i32, i32
  }
  func.func @transform_10(%arg0: i32) -> (i32, i32) {
    %c0_i32 = arith.constant 0 : i32
    %c0_i32_0 = arith.constant 0 : i32
    %c0_i32_1 = arith.constant 0 : i32
    return %c0_i32, %c0_i32_0 : i32, i32
  }
  func.func @transform_11(%arg0: i32) -> (i32, i32) {
    %c0_i32 = arith.constant 0 : i32
    %c0_i32_0 = arith.constant 0 : i32
    %c0_i32_1 = arith.constant 0 : i32
    return %c0_i32, %c0_i32_0 : i32, i32
  }
  func.func @transform_12(%arg0: i32) -> (i32, i32) {
    %c0_i32 = arith.constant 0 : i32
    %c0_i32_0 = arith.constant 0 : i32
    %c0_i32_1 = arith.constant 0 : i32
    return %c0_i32, %c0_i32_0 : i32, i32
  }
  func.func @transform_13(%arg0: i32) -> (i32, i32) {
    %c0_i32 = arith.constant 0 : i32
    %c0_i32_0 = arith.constant 0 : i32
    %c0_i32_1 = arith.constant 0 : i32
    return %c0_i32, %c0_i32_0 : i32, i32
  }
  func.func @transform_14(%arg0: i32) -> (i32, i32) {
    %c0_i32 = arith.constant 0 : i32
    %c0_i32_0 = arith.constant 0 : i32
    %c0_i32_1 = arith.constant 0 : i32
    return %c0_i32, %c0_i32_0 : i32, i32
  }
  func.func @transform_15(%arg0: i32) -> (i32, i32) {
    %c0_i32 = arith.constant 0 : i32
    %c0_i32_0 = arith.constant 0 : i32
    return %arg0, %c0_i32 : i32, i32
  }
}

</mosaic_0001>

<sc_bundles>
// kernel: kernel.11.cloned.1.call-start
scs
__scs_entry_jumppad:
0x0: {  	(pc) =	sbr.rel $0x88, $3  }
0x1: {  	(tag) =	ssettag $0x0;
	lr =	simm.s32 $0x1  }
0x2: {  	[smem:$0x3F88] =	sst lr;
	_ =	strace $0xD0000000  }
0x3: {  	_ = 	snop  }
0x4: {  	_ = 	snop  }
0x5: {  	_ = 	snop  }
0x6: {  	_ = 	snop  }
0x7: {  	_ = 	snop  }
__scs_overlays_trampoline_lowered:
0x8: {  	[smem:$0x3F97] =	sst s0  }
0x9: {  	[smem:$0x3F98] =	sst s1  }
0xa: {  	[smem:$0x3F99] =	sst s2  }
0xb: {  	[smem:$0x3F9A] =	sst s3  }
0xc: {  	[smem:$0x3F9B] =	sst s4  }
0xd: {  	[smem:$0x3F9C] =	sst s5  }
0xe: {  	[smem:$0x3F9D] =	sst s6  }
0xf: {  	[smem:$0x3F9E] =	sst s7  }
0x10: {  	[smem:$0x3F9F] =	sst s8  }
0x11: {  	[smem:$0x3FA0] =	sst s9;
	s0 =	simm.s32 @!p0 $0x0  }
0x12: {  	s1 =	sld [smem:$0x3F86];
	s0 =	simm.s32 @p0 $0x1  }
0x13: {  	[smem:$0x3FA1] =	sst s0;
	s0 =	simm.s32 @!p1 $0x0  }
0x14: {  	s2 =	sld [smem:$0x3F85];
	s0 =	simm.s32 @p1 $0x1  }
0x15: {  	[smem:$0x3FA2] =	sst s0;
	s0 =	simm.s32 @!p2 $0x0  }
0x16: {  	s3 =	sld [smem:$0x3FDB];
	s0 =	simm.s32 @p2 $0x1  }
0x17: {  	s4 =	simm.s32 $0x1BF5;
	[smem:$0x3FA4] =	sst s0  }
0x18: {  	s0 =	sld [smem:$0x3F87];
	_ =	swait.ge [sflag:s4], $0x0  }
0x19: {  	s7 =	sld [smem:$0x3F88]  }
0x1a: {  	s8 =	sadd.s32 $0xFFFFE003, lr  }
0x1b: {  	s9 =	sadd.s32 $0xFFFFFEF7, lr;
	s5 =	simm.s32 $0xFFFFFFFF;
	p2 =	slt.u32 s8, $0xFFFFF086  }
0x1c: {  	p1 =	slt.u32 s9, $0xF7A;
	s5 =	simm.s32 @!p2 $0x0  }
0x1d: {  	s5 =	simm.s32 @p1 $0x1;
	p0 =	seq.s32 s7, s2  }
0x1e: {  	s7 =	smul.u32 @!p0 $0xF7A, s2;
	p2 =	seq.s32 @!p0 s5, $0x0  }
0x1f: {  	s9 =	smul.u32 $0xF7A, s1;
	s8 =	simm.s32 @!p0 $0x1BF5;
	p2 =	por !p2, p0  }
0x20: {  	[sflag:s8] =	ssyncset.s32 @!p0 $0xFFFFF086;
	s6 =	sadd.s32 @!p0 s3, s7;
	s7 =	simm.s32 @!p0 $0x108  }
0x21: {  	s3 =	sadd.s32 s3, s9;
	s6 =	sadd.s32 @!p0 $0x88, s6;
	s7 =	simm.s32 @p2 $0x1082  }
0x22: {  	[simem:s7], [sflag:s8] =	dma.local @!p0 [hbm:s6], $0xF7A  }
0x23: {  	s9 =	sor.u32 $0xD0000000, s2;
	s6 =	simm.s32 $0x108;
	_ =	swait.ge @!p0 [sflag:s8], $0x0  }
0x24: {  	s3 =	sadd.s32 $0x88, s3;
	s6 =	simm.s32 @!p1 $0x1082;
	[sflag:s4] =	ssyncset.s32 $0xFFFFF086  }
0x25: {  	[simem:s6], [sflag:s4] =	dma.local [hbm:s3], $0xF7A  }
0x26: {  	[smem:$0x3F88] =	sst s1;
	(tag) =	ssettag s2;
	_ =	strace s9  }
0x27: {  	s1 =	sld [smem:$0x3F98]  }
0x28: {  	s2 =	sld [smem:$0x3F99]  }
0x29: {  	s4 =	sld [smem:$0x3F9B]  }
0x2a: {  	p0 =	seq.s32 s5, $0x0;
	s5 =	sld [smem:$0x3F9C]  }
0x2b: {  	s6 =	sld [smem:$0x3F9D]  }
0x2c: {  	s7 =	sld [smem:$0x3F9E]  }
0x2d: {  	s3 =	simm.s32 $0x108;
	s8 =	sld [smem:$0x3F9F]  }
0x2e: {  	s3 =	simm.s32 @!p0 $0x1082;
	s9 =	sld [smem:$0x3FA0]  }
0x2f: {  	lr =	sadd.s32 s0, s3;
	s0 =	sld [smem:$0x3F97]  }
0x30: {  	s3 =	sld [smem:$0x3F9A]  }
0x31: {  	[smem:$0x3FA3] =	sst s10  }
0x32: {  	s10 =	sld [smem:$0x3FA1];
	_ =	sdelay $0x3  }
0x33: {  	p0 =	seq.s32 s10, $0x1;
	s10 =	sld [smem:$0x3FA3];
	_ =	sdelay $0x3  }
0x34: {  	[smem:$0x3FA3] =	sst s10  }
0x35: {  	s10 =	sld [smem:$0x3FA2];
	_ =	sdelay $0x3  }
0x36: {  	p1 =	seq.s32 s10, $0x1;
	s10 =	sld [smem:$0x3FA3];
	_ =	sdelay $0x3  }
0x37: {  	[smem:$0x3FA3] =	sst s10  }
0x38: {  	s10 =	sld [smem:$0x3FA4]  }
0x39: {  	_ = 	snop;
	(pc) =	sbr.ind lr, $3  }
0x3a: {  	_ = 	snop  }
0x3b: {  	_ = 	snop  }
0x3c: {  	p2 =	seq.s32 s10, $0x1;
	s10 =	sld [smem:$0x3FA3]  }
0x3d: {  	_ =	shalt  }
0x3e: {  	_ =	shalt  }
0x3f: {  	_ =	shalt  }
0x40: {  	_ =	shalt  }
0x41: {  	_ =	shalt  }
0x42: {  	_ =	shalt  }
0x43: {  	_ =	shalt  }
0x44: {  	_ =	shalt  }
0x45: {  	_ =	shalt  }
0x46: {  	_ =	shalt  }
0x47: {  	_ =	shalt  }
0x48: {  	_ =	shalt  }
0x49: {  	_ =	shalt  }
0x4a: {  	_ =	shalt  }
0x4b: {  	_ =	shalt  }
0x4c: {  	_ =	shalt  }
0x4d: {  	_ =	shalt  }
0x4e: {  	_ =	shalt  }
0x4f: {  	_ =	shalt  }
0x50: {  	_ =	shalt  }
0x51: {  	_ =	shalt  }
0x52: {  	_ =	shalt  }
0x53: {  	_ =	shalt  }
0x54: {  	_ =	shalt  }
0x55: {  	_ =	shalt  }
0x56: {  	_ =	shalt  }
0x57: {  	_ =	shalt  }
0x58: {  	_ =	shalt  }
0x59: {  	_ =	shalt  }
0x5a: {  	_ =	shalt  }
0x5b: {  	_ =	shalt  }
0x5c: {  	_ =	shalt  }
0x5d: {  	_ =	shalt  }
0x5e: {  	_ =	shalt  }
0x5f: {  	_ =	shalt  }
0x60: {  	_ =	shalt  }
0x61: {  	_ =	shalt  }
0x62: {  	_ =	shalt  }
0x63: {  	_ =	shalt  }
0x64: {  	_ =	shalt  }
0x65: {  	_ =	shalt  }
0x66: {  	_ =	shalt  }
0x67: {  	_ =	shalt  }
0x68: {  	_ =	shalt  }
0x69: {  	_ =	shalt  }
0x6a: {  	_ =	shalt  }
0x6b: {  	_ =	shalt  }
0x6c: {  	_ =	shalt  }
0x6d: {  	_ =	shalt  }
0x6e: {  	_ =	shalt  }
0x6f: {  	_ =	shalt  }
0x70: {  	_ =	shalt  }
0x71: {  	_ =	shalt  }
0x72: {  	_ =	shalt  }
0x73: {  	_ =	shalt  }
0x74: {  	_ =	shalt  }
0x75: {  	_ =	shalt  }
0x76: {  	_ =	shalt  }
0x77: {  	_ =	shalt  }
0x78: {  	_ =	shalt  }
0x79: {  	_ =	shalt  }
0x7a: {  	_ =	shalt  }
0x7b: {  	_ =	shalt  }
0x7c: {  	_ =	shalt  }
0x7d: {  	_ =	shalt  }
0x7e: {  	_ =	shalt  }
0x7f: {  	_ =	shalt  }
0x80: {  	_ =	shalt  }
0x81: {  	_ =	shalt  }
0x82: {  	_ =	shalt  }
0x83: {  	_ =	shalt  }
0x84: {  	_ =	shalt  }
0x85: {  	_ =	shalt  }
0x86: {  	_ =	shalt  }
0x87: {  	_ =	shalt  }
.Lfunc_end0:
.L_simem_size_0:
called_computation.1_lowered:
.L_overlay_start_0:
0x88: {  	s2 =	sld [smem:$0x3FD9]  }
0x89: {  	s3 =	sld [smem:$0x3FFE];
	_ =	sdelay $0x1  }
0x8a: {  	s1 =	srdreg.scid  }
0x8b: {  	s0 =	sand.u32 $0x1, s1  }
0x8c: {  	s16 =	sshll.u32 s0, $0xA;
	s2 =	sadd.s32 s3, s2  }
0x8d: {  	s2 =	sadd.s32 s2, s16  }
0x8e: {  	[smem:$0x3FAF] =	sst s2  }
0x8f: {  	_ = 	snop  }
0x90: {  	(tm) =	ssettm $0x1  }
0x91: {  	s17 =	sld [smem:$0x3FFB];
	_ =	sdelay $0x3  }
0x92: {  	_ =	strace s17  }
0x93: {  	s2 =	sld [smem:$0x3FFC];
	_ =	sdelay $0x3  }
0x94: {  	_ =	strace s2  }
0x95: {  	s2 =	sld [smem:$0x3FFD];
	_ =	sdelay $0x3  }
0x96: {  	_ =	strace s2  }
0x97: {  	_ =	strace $0x8FFFFFFF  }
0x98: {  	s18 =	sld [smem:$0x3FDB];
	_ =	sdelay $0x1  }
0x99: {  	s19 =	simm.s32 $_scs_section_size  }
0x9a: {  	s4 =	simm.s32 $_size__tile_overlayer_lowered;
	s5 =	simm.s32 $_tile_overlayer_lowered  }
0x9b: {  	s22 =	simm.s32 $0x1BFF;
	s21 =	sshll.u32 s5, $0x1;
	s2 =	sadd.s32 s19, s18  }
0x9c: {  	s6 =	simm.s32 $0x0;
	s20 =	sshll.u32 s4, $0x1;
	s4 =	sadd.s32 s21, s2  }
0x9d: {  	[timem:s6], [sflag:s22] =	dma.local [hbm:s4], s20  }
0x9e: {  	_ =	swait.ge [sflag:s22], s20  }
0x9f: {  	s3 =	ssub.s32 $0x0, s20;
	[sflag:s22] =	ssyncset.done $0x0  }
0xa0: {  	[sflag:s22] =	ssyncadd.s32 s3;
	_ =	sdelay $0x1  }
0xa1: {  	s23 =	simm.s32 $0x1B8B  }
0xa2: {  	_ =	swait.ge [sflag:s23], $0x1  }
0xa3: {  	[sflag:s23] =	ssyncset.done $0x0  }
0xa4: {  	s25 =	simm.s32 $0x1B8E;
	s24 =	sld [smem:$0x3FFE];
	[sflag:s23] =	ssyncadd.s32 $0xFFFFFFFF  }
0xa5: {  	s26 =	simm.s32 $execute0_lowered;
	[smem:$0x3FD2] =	sst s25  }
0xa6: {  	s4 =	sshll.u32 s26, $0x1;
	_ =	strace $0x80000046;
	[dreg:$0x1] =	wrdreg $0xFFFFFFFF  }
0xa7: {  	s28 =	simm.s32 $_size_execute0_lowered;
	s2 =	sadd.s32 s2, s4;
	[dreg:$0x0] =	wrdreg $0x0  }
0xa8: {  	s4 =	sshll.u32 s28, $0x1;
	[dreg:$0x2] =	wrdreg s2  }
0xa9: {  	[dreg:$0x3] =	wrdreg s4  }
0xaa: {  	[dreg:$0x4] =	wrdreg $0xC0  }
0xab: {  	_ =	task [dreg:s6], $0x5FFFF  }
0xac: {  	[dreg:$0x1] =	wrdreg $0xFFFFFFFF  }
0xad: {  	[dreg:$0x0] =	wrdreg $0x60  }
0xae: {  	[dreg:$0x2] =	wrdreg s24  }
0xaf: {  	[dreg:$0x3] =	wrdreg $0xA0000  }
0xb0: {  	[dreg:$0x4] =	wrdreg $0xA  }
0xb1: {  	_ =	task.clear_ibuf [dreg:s6], $0x5FFFF;
	_ =	strace $0x90000046  }
0xb2: {  	s29 =	simm.s32 $0xA;
	_ =	strace $0x80000048  }
0xb3: {  	_ =	swait.ge [sflag:s29], $0x1  }
0xb4: {  	[sflag:s29] =	ssyncadd.s32 $0xFFFFFFFF  }
0xb5: {  	_ =	strace $0x90000048  }
0xb6: {  	_ =	sfence  }
0xb7: {  	s30 =	sld [smem:$0x0];
	_ =	sdelay $0x2  }
0xb8: {  	s31 =	sshll.u32 s1, $0xD;
	s1 =	sshrl.u32 s1, $0x2  }
0xb9: {  	s3 =	sand.u32 $0x4000, s31;
	s1 =	sadd.s32 s1, s30  }
0xba: {  	s0 =	sor.u32 s3, s0;
	s1 =	sshll.u32 s1, $0x11  }
0xbb: {  	s0 =	sor.u32 s1, s0  }
0xbc: {  	s0 =	sadd.s32 $0x8F2B, s0  }
0xbd: {  	[sflag:s0] =	ssyncadd.remote.s32 $0x1  }
0xbe: {  	_ =	sfence.sel $0xFFFF  }
0xbf: {  	[dreg:$0x0] =	wrdreg $0xFFFFFFFF;
	(pc) =	sbr.abs _section_cstart, $3  }
0xc0: {  	[dreg:$0x1] =	wrdreg $0xFFFFFFFF  }
0xc1: {  	_ =	task.clear_ibuf [dreg:s6], $0x2FFFF;
	_ =	strace $0x9FFFFFFF  }
0xc2: {  	(tm) =	ssettm $0x7FFFFFFF  }
0xc3: {  	_ =	shalt  }
tec
execute0_lowered:
.L_overlay_start_1:
0x0: {  	(tag) =	ssettag $0x1  }
0x1: {  	s8 =	rddreg [dreg:$0x0]  }
0x2: {  	s1 =	rddreg [dreg:$0x1]  }
0x3: {  	s0 =	rddreg [dreg:$0x2]  }
0x4: {  	s3 =	simm.s32 $0x0;
	s5 =	srdreg.scid;
	s2 =	stileid.u32  }
0x5: {  	s17 =	simm.s32 $0x3;
	s18 =	simm.s32 $0x1000;
	s19 =	simm.s32 $0x80  }
0x6: {  	s20 =	simm.s32 $0x1;
	s21 =	simm.s32 $0x6000;
	s22 =	simm.s32 $0x2  }
0x7: {  	s23 =	simm.s32 $0x1F00;
	[smem:$0x7FF] =	sst s3;
	s9 =	smul.u32 $0x50000, s2  }
0x8: {  	s4 =	sadd.s32 $0x6800, s8;
	s14 =	sand.u32 $0x1, s5;
	s13 =	smul.u32 $0x5000, s2  }
0x9: {  	s5 =	sadd.s32 $0x41A00, s8;
	s6 =	sadd.s32 $0x37A00, s8;
	s25 =	smul.u32 $0x2800, s2  }
0xa: {  	s7 =	sadd.s32 $0x2DA00, s8;
	_ =	strace $0x80000047;
	s10 =	smul.u32 $0x28000, s14  }
0xb: {  	s11 =	ssub.s32 $0x2, s14;
	p0 =	seq.s32 s14, $0x0;
	s14 =	smov.u32 s5  }
0xc: {  	s9 =	sshrl.u32 s9, $0x2;
	s31 =	sshrl.u32 s11, $0x1;
	s14 =	smov.u32 @p0 s4  }
0xd: {  	s15 =	sadd.s32 s10, s8;
	s8 =	sadd.s32 s9, s1;
	s16 =	ssub.s32 s11, s31  }
0xe: {  	s9 =	sadd.s32 $0x4000, s8;
	s10 =	sadd.s32 $0x8000, s8;
	s11 =	sadd.s32 $0xC000, s8  }
0xf: {  	s12 =	sadd.s32 $0x10000, s8;
	s24 =	sadd.s32 $0x68C00, s15;
	s15 =	smax.u32 s16, $0x1  }
0x10: {  	v0 =	vimm.f32 $0.0e+00;
	s16 =	simm.s32 $0x2000;
	s24 =	sadd.s32 s25, s24;
	s25 =	simm.s32 $0x1F80  }
.LBB2_1:
0x11: {  	s26 =	simm.s32 $0x0;
	s28 =	simm.s32 $0x200  }
.LBB2_2:
0x12: {  	p1 =	sne.s32 s28, $0xFE00;
	[tilespmem:s26+$0x2070] =	vst v0  }
0x13: {  	[tilespmem:s26+$0x2000] =	vst v0  }
0x14: {  	[tilespmem:s26+$0x2010] =	vst v0  }
.Ltmp0:
0x15: {  	[tilespmem:s26+$0x2020] =	vst v0;
	(pc) =	sbr.rel @p1 .LBB2_2-.Ltmp0, $4  }
0x16: {  	[tilespmem:s26+$0x2030] =	vst v0  }
0x17: {  	[tilespmem:s26+$0x2040] =	vst v0  }
0x18: {  	[tilespmem:s26+$0x2050] =	vst v0  }
0x19: {  	[tilespmem:s26+$0x2060] =	vst v0;
	s26 =	sshra.s32 s28, $0x2;
	s28 =	sadd.s32 $0x200, s28  }
0x1a: {  	[tilespmem:s26+$0x2070] =	vst v0  }
0x1b: {  	[tilespmem:s26+$0x2000] =	vst v0  }
0x1c: {  	[tilespmem:s26+$0x2010] =	vst v0  }
0x1d: {  	[tilespmem:s26+$0x2020] =	vst v0  }
0x1e: {  	[tilespmem:s26+$0x2030] =	vst v0  }
0x1f: {  	[tilespmem:s26+$0x2040] =	vst v0  }
0x20: {  	[tilespmem:s26+$0x2050] =	vst v0  }
0x21: {  	[tilespmem:s26+$0x2060] =	vst v0  }
0x22: {  	[spmem:s8] =	stream.linear.scatter [tilespmem:s16], [sflag:$0x3], $0x4000, $0x38;
	[tilespmem:$0x1E000] =	vst v63  }
0x23: {  	_ =	swait.ge [sflag:s17], $0x4000  }
0x24: {  	[sflag:s17] =	ssyncset.done $0x0  }
0x25: {  	[sflag:s17] =	ssyncadd.s32 $0xFFFFC000  }
0x26: {  	[spmem:s9] =	stream.linear.scatter [tilespmem:s16], [sflag:$0x3], $0x4000, $0x38;
	[tilespmem:$0x1E000] =	vst v63  }
0x27: {  	_ =	swait.ge [sflag:s17], $0x4000  }
0x28: {  	[sflag:s17] =	ssyncset.done $0x0  }
0x29: {  	[sflag:s17] =	ssyncadd.s32 $0xFFFFC000  }
0x2a: {  	[spmem:s10] =	stream.linear.scatter [tilespmem:s16], [sflag:$0x3], $0x4000, $0x38;
	[tilespmem:$0x1E000] =	vst v63  }
0x2b: {  	_ =	swait.ge [sflag:s17], $0x4000  }
0x2c: {  	[sflag:s17] =	ssyncset.done $0x0  }
0x2d: {  	[sflag:s17] =	ssyncadd.s32 $0xFFFFC000  }
0x2e: {  	[spmem:s11] =	stream.linear.scatter [tilespmem:s16], [sflag:$0x3], $0x4000, $0x38;
	[tilespmem:$0x1E000] =	vst v63  }
0x2f: {  	_ =	swait.ge [sflag:s17], $0x4000  }
0x30: {  	[sflag:s17] =	ssyncset.done $0x0  }
0x31: {  	[sflag:s17] =	ssyncadd.s32 $0xFFFFC000  }
0x32: {  	[spmem:s12] =	stream.linear.scatter [tilespmem:s16], [sflag:$0x3], $0x4000, $0x38;
	[tilespmem:$0x1E000] =	vst v63  }
0x33: {  	_ =	swait.ge [sflag:s17], $0x4000  }
0x34: {  	[sflag:s17] =	ssyncset.done $0x0  }
0x35: {  	[sflag:s17] =	ssyncadd.s32 $0xFFFFC000  }
0x36: {  	s26 =	simm.s32 $0x0;
	s28 =	simm.s32 $0x0;
	[bflag:$0x0] =	sbarrier.arrive $0xFFFF  }
.LBB2_4:
0x37: {  	s29 =	sshll.u32 s28, $0xC  }
0x38: {  	s29 =	sadd.s32 s13, s29  }
0x39: {  	s29 =	sshrl.u32 s29, $0x3  }
0x3a: {  	s30 =	sadd.s32 s6, s29  }
0x3b: {  	[tilespmem:s26], [sflag:$0x3] =	stream.linear.gather [hbm4b:s30+s26], $0x1000, $0x38;
	[tilespmem:$0x1E000] =	vst v63  }
0x3c: {  	_ =	swait.ge [sflag:s17], $0x1000  }
0x3d: {  	[sflag:s17] =	ssyncset.done $0x0  }
0x3e: {  	s29 =	sadd.s32 s7, s29;
	[sflag:s17] =	ssyncadd.s32 $0xFFFFF000  }
0x3f: {  	[tilespmem:s18], [sflag:$0x3] =	stream.linear.gather [hbm4b:s29+s26], $0x1000, $0x38;
	[tilespmem:$0x1E000] =	vst v63  }
0x40: {  	_ =	swait.ge [sflag:s17], $0x1000  }
0x41: {  	[sflag:s17] =	ssyncset.done $0x0  }
0x42: {  	[sflag:s17] =	ssyncadd.s32 $0xFFFFF000  }
0x43: {  	[tilespmem:s16], [sflag:$0x1] =	stream.indirect.gather [hbm4b:s14+s19], $0x80, s26, s19, $0xb8;
	[tilespmem:$0x1E000] =	vst v63  }
0x44: {  	_ =	swait.ge [sflag:s20], $0x4000  }
0x45: {  	[sflag:s20] =	ssyncset.done $0x0  }
0x46: {  	s29 =	simm.s32 $0x80;
	[sflag:s20] =	ssyncadd.s32 $0xFFFFC000  }
0x47: {  	[tilespmem:s21], [sflag:$0x2] =	stream.indirect.gather [hbm4b:s14+s19], $0x80, s29, s19, $0xb8;
	[tilespmem:$0x1E000] =	vst v63  }
0x48: {  	s29 =	simm.s32 $0x1000  }
0x49: {  	[spmem:s1] =	stream.indirect.scatter.add.f32 [tilespmem:s16], [sflag:$0x3], $0x80, s29, s19, $0xb8;
	[tilespmem:$0x1E000] =	vst v63  }
0x4a: {  	_ =	swait.ge [sflag:s17], $0x4000  }
0x4b: {  	[sflag:s17] =	ssyncset.done $0x0  }
0x4c: {  	[sflag:s17] =	ssyncadd.s32 $0xFFFFC000  }
0x4d: {  	_ =	swait.ge [sflag:s22], $0x4000  }
0x4e: {  	[sflag:s22] =	ssyncset.done $0x0  }
0x4f: {  	s29 =	simm.s32 $0x100;
	[sflag:s22] =	ssyncadd.s32 $0xFFFFC000  }
0x50: {  	[tilespmem:s16], [sflag:$0x1] =	stream.indirect.gather [hbm4b:s14+s19], $0x80, s29, s19, $0xb8;
	[tilespmem:$0x1E000] =	vst v63  }
0x51: {  	s29 =	simm.s32 $0x1080  }
0x52: {  	[spmem:s1] =	stream.indirect.scatter.add.f32 [tilespmem:s21], [sflag:$0x3], $0x80, s29, s19, $0xb8;
	[tilespmem:$0x1E000] =	vst v63  }
0x53: {  	_ =	swait.ge [sflag:s17], $0x4000  }
0x54: {  	s29 =	simm.s32 $0x400;
	[sflag:s17] =	ssyncset.done $0x0  }
.LBB2_5:
0x55: {  	p1 =	sne.s32 s29, $0x3800  }
0x56: {  	[sflag:s17] =	ssyncadd.s32 $0xFFFFC000;
	s30 =	smov.u32 s29;
	s29 =	sadd.s32 $0x400, s29  }
0x57: {  	_ = 	snop  }
0x58: {  	_ =	swait.ge [sflag:s20], $0x4000  }
0x59: {  	s30 =	sshra.s32 s30, $0x2;
	[sflag:s20] =	ssyncset.done $0x0  }
0x5a: {  	s31 =	sadd.s32 $0x80, s30;
	[sflag:s20] =	ssyncadd.s32 $0xFFFFC000  }
0x5b: {  	[tilespmem:s21], [sflag:$0x2] =	stream.indirect.gather [hbm4b:s14+s19], $0x80, s31, s19, $0xb8;
	[tilespmem:$0x1E000] =	vst v63  }
0x5c: {  	s31 =	sadd.s32 $0x1000, s30  }
0x5d: {  	[spmem:s1] =	stream.indirect.scatter.add.f32 [tilespmem:s16], [sflag:$0x3], $0x80, s31, s19, $0xb8;
	[tilespmem:$0x1E000] =	vst v63  }
0x5e: {  	_ =	swait.ge [sflag:s17], $0x4000  }
0x5f: {  	[sflag:s17] =	ssyncset.done $0x0  }
0x60: {  	[sflag:s17] =	ssyncadd.s32 $0xFFFFC000  }
0x61: {  	_ =	swait.ge [sflag:s22], $0x4000  }
0x62: {  	[sflag:s22] =	ssyncset.done $0x0  }
0x63: {  	s31 =	sadd.s32 $0x100, s30;
	[sflag:s22] =	ssyncadd.s32 $0xFFFFC000  }
0x64: {  	[tilespmem:s16], [sflag:$0x1] =	stream.indirect.gather [hbm4b:s14+s19], $0x80, s31, s19, $0xb8;
	[tilespmem:$0x1E000] =	vst v63  }
.Ltmp1:
0x65: {  	_ = 	snop;
	(pc) =	sbr.rel @p1 .LBB2_5-.Ltmp1, $4  }
0x66: {  	s30 =	sadd.s32 $0x1080, s30  }
0x67: {  	[spmem:s1] =	stream.indirect.scatter.add.f32 [tilespmem:s21], [sflag:$0x3], $0x80, s30, s19, $0xb8;
	[tilespmem:$0x1E000] =	vst v63  }
0x68: {  	_ =	swait.ge [sflag:s17], $0x4000  }
0x69: {  	[sflag:s17] =	ssyncset.done $0x0  }
0x6a: {  	[sflag:s17] =	ssyncadd.s32 $0xFFFFC000  }
0x6b: {  	_ =	swait.ge [sflag:s20], $0x4000  }
0x6c: {  	s29 =	simm.s32 @p0 $0x80;
	[sflag:s20] =	ssyncset.done $0x0  }
0x6d: {  	s30 =	simm.s32 @p0 $0xF80;
	s31 =	simm.s32 @p0 $0x6000;
	[sflag:s20] =	ssyncadd.s32 $0xFFFFC000  }
0x6e: {  	[tilespmem:s31], [sflag:$0x2] =	stream.indirect.gather @p0 [hbm4b:s4+s29], $0x80, s30, s29, $0xb8;
	[tilespmem:$0x1E000] =	vst v63  }
0x6f: {  	s29 =	simm.s32 @!p0 $0x80;
	s30 =	simm.s32 @!p0 $0xF80;
	s31 =	simm.s32 @!p0 $0x6000  }
0x70: {  	[tilespmem:s31], [sflag:$0x2] =	stream.indirect.gather @!p0 [hbm4b:s5+s29], $0x80, s30, s29, $0xb8;
	[tilespmem:$0x1E000] =	vst v63  }
0x71: {  	_ = 	snop  }
0x72: {  	[spmem:s1] =	stream.indirect.scatter.add.f32 [tilespmem:s16], [sflag:$0x3], $0x80, s23, s19, $0xb8;
	[tilespmem:$0x1E000] =	vst v63  }
0x73: {  	_ =	swait.ge [sflag:s17], $0x4000  }
0x74: {  	[sflag:s17] =	ssyncset.done $0x0  }
0x75: {  	[sflag:s17] =	ssyncadd.s32 $0xFFFFC000  }
0x76: {  	s28 =	sadd.s32 $0x1, s28;
	_ =	swait.ge [sflag:s22], $0x4000  }
0x77: {  	p1 =	sne.s32 s28, $0x5;
	[sflag:s22] =	ssyncset.done $0x0  }
.Ltmp2:
0x78: {  	[sflag:s22] =	ssyncadd.s32 $0xFFFFC000;
	(pc) =	sbr.rel @p1 .LBB2_4-.Ltmp2, $4  }
0x79: {  	[spmem:s1] =	stream.indirect.scatter.add.f32 [tilespmem:s21], [sflag:$0x3], $0x80, s25, s19, $0xb8;
	[tilespmem:$0x1E000] =	vst v63  }
0x7a: {  	_ =	swait.ge [sflag:s17], $0x4000  }
0x7b: {  	[sflag:s17] =	ssyncset.done $0x0  }
0x7c: {  	[sflag:s17] =	ssyncadd.s32 $0xFFFFC000  }
0x7d: {  	s3 =	sadd.s32 $0x1, s3  }
0x7e: {  	s26 =	sshll.u32 s2, $0x6;
	[bflag:$0x0] =	sbarrier.arrive $0xFFFF;
	p1 =	sne.s32 s3, s15  }
.Ltmp3:
0x7f: {  	s28 =	sshrl.u32 s8, $0x3;
	s26 =	sor.u32 $0x1C03, s26;
	(pc) =	sbr.rel @p1 .LBB2_1-.Ltmp3, $4  }
0x80: {  	[hbm:s24], [sflag:s26] =	dma.local [spmem:s28], $0x2800  }
0x81: {  	_ =	swait.ge [sflag:s17], $0x2800  }
0x82: {  	[sflag:s17] =	ssyncset.done $0x0  }
0x83: {  	[sflag:s17] =	ssyncadd.s32 $0xFFFFD800  }
0x84: {  	_ =	sfence.sel $0x180000  }
0x85: {  	[bflag:$0x0] =	sbarrier.arrive $0xFFFF  }
0x86: {  	p0 =	sne.s32 s2, $0x0;
	_ =	strace $0x90000047  }
0x87: {  	s0 =	sadd.s32 @!p0 $0x100000, s0;
	[bflag:$0x2] =	sbarrier.arrive $0xFFFF  }
0x88: {  	[sflag:s0] =	ssyncadd.tile.s32 @!p0 $0x1;
	_ =	shalt  }
.Lfunc_end2:
_tile_overlayer_lowered:
.L_overlay_start_2:
0x89: {  	(tag) =	ssettag $0x2  }
0x8a: {  	s0 =	rddreg [dreg:$0x0];
	s2 =	stileid.u32  }
0x8b: {  	s1 =	rddreg [dreg:$0x1];
	p0 =	sne.s32 s2, $0x0  }
0x8c: {  	s3 =	rddreg [dreg:$0x2];
	[bflag:$0x3] =	sbarrier.arrive $0xFFFF;
	s2 =	simm.s32 @!p0 $0x1C03  }
0x8d: {  	[timem:s3], [sflag:s2] =	dma.local @!p0 [hbm:s0], s1  }
0x8e: {  	s0 =	simm.s32 @!p0 $0x3  }
0x8f: {  	_ =	swait.ge @!p0 [sflag:s0], s1  }
0x90: {  	s1 =	ssub.s32 @!p0 $0x0, s1;
	[sflag:s0] =	ssyncset.done @!p0 $0x0  }
0x91: {  	[sflag:s0] =	ssyncadd.s32 @!p0 s1  }
0x92: {  	[bflag:$0x3] =	sbarrier.arrive $0xFFFF  }
0x93: {  	_ =	shalt  }

// kernel: kernel.14.cloned.1.call-start
scs
__scs_entry_jumppad:
0x0: {  	(pc) =	sbr.rel $0x88, $3  }
0x1: {  	(tag) =	ssettag $0x0;
	lr =	simm.s32 $0x1  }
0x2: {  	[smem:$0x3F88] =	sst lr;
	_ =	strace $0xD0000000  }
0x3: {  	_ = 	snop  }
0x4: {  	_ = 	snop  }
0x5: {  	_ = 	snop  }
0x6: {  	_ = 	snop  }
0x7: {  	_ = 	snop  }
__scs_overlays_trampoline_lowered:
0x8: {  	[smem:$0x3F97] =	sst s0  }
0x9: {  	[smem:$0x3F98] =	sst s1  }
0xa: {  	[smem:$0x3F99] =	sst s2  }
0xb: {  	[smem:$0x3F9A] =	sst s3  }
0xc: {  	[smem:$0x3F9B] =	sst s4  }
0xd: {  	[smem:$0x3F9C] =	sst s5  }
0xe: {  	[smem:$0x3F9D] =	sst s6  }
0xf: {  	[smem:$0x3F9E] =	sst s7  }
0x10: {  	[smem:$0x3F9F] =	sst s8  }
0x11: {  	[smem:$0x3FA0] =	sst s9;
	s0 =	simm.s32 @!p0 $0x0  }
0x12: {  	s1 =	sld [smem:$0x3F86];
	s0 =	simm.s32 @p0 $0x1  }
0x13: {  	[smem:$0x3FA1] =	sst s0;
	s0 =	simm.s32 @!p1 $0x0  }
0x14: {  	s2 =	sld [smem:$0x3F85];
	s0 =	simm.s32 @p1 $0x1  }
0x15: {  	[smem:$0x3FA2] =	sst s0;
	s0 =	simm.s32 @!p2 $0x0  }
0x16: {  	s3 =	sld [smem:$0x3FDB];
	s0 =	simm.s32 @p2 $0x1  }
0x17: {  	s4 =	simm.s32 $0x1BF5;
	[smem:$0x3FA4] =	sst s0  }
0x18: {  	s0 =	sld [smem:$0x3F87];
	_ =	swait.ge [sflag:s4], $0x0  }
0x19: {  	s7 =	sld [smem:$0x3F88]  }
0x1a: {  	s8 =	sadd.s32 $0xFFFFE003, lr  }
0x1b: {  	s9 =	sadd.s32 $0xFFFFFEF7, lr;
	s5 =	simm.s32 $0xFFFFFFFF;
	p2 =	slt.u32 s8, $0xFFFFF086  }
0x1c: {  	p1 =	slt.u32 s9, $0xF7A;
	s5 =	simm.s32 @!p2 $0x0  }
0x1d: {  	s5 =	simm.s32 @p1 $0x1;
	p0 =	seq.s32 s7, s2  }
0x1e: {  	s7 =	smul.u32 @!p0 $0xF7A, s2;
	p2 =	seq.s32 @!p0 s5, $0x0  }
0x1f: {  	s9 =	smul.u32 $0xF7A, s1;
	s8 =	simm.s32 @!p0 $0x1BF5;
	p2 =	por !p2, p0  }
0x20: {  	[sflag:s8] =	ssyncset.s32 @!p0 $0xFFFFF086;
	s6 =	sadd.s32 @!p0 s3, s7;
	s7 =	simm.s32 @!p0 $0x108  }
0x21: {  	s3 =	sadd.s32 s3, s9;
	s6 =	sadd.s32 @!p0 $0x88, s6;
	s7 =	simm.s32 @p2 $0x1082  }
0x22: {  	[simem:s7], [sflag:s8] =	dma.local @!p0 [hbm:s6], $0xF7A  }
0x23: {  	s9 =	sor.u32 $0xD0000000, s2;
	s6 =	simm.s32 $0x108;
	_ =	swait.ge @!p0 [sflag:s8], $0x0  }
0x24: {  	s3 =	sadd.s32 $0x88, s3;
	s6 =	simm.s32 @!p1 $0x1082;
	[sflag:s4] =	ssyncset.s32 $0xFFFFF086  }
0x25: {  	[simem:s6], [sflag:s4] =	dma.local [hbm:s3], $0xF7A  }
0x26: {  	[smem:$0x3F88] =	sst s1;
	(tag) =	ssettag s2;
	_ =	strace s9  }
0x27: {  	s1 =	sld [smem:$0x3F98]  }
0x28: {  	s2 =	sld [smem:$0x3F99]  }
0x29: {  	s4 =	sld [smem:$0x3F9B]  }
0x2a: {  	p0 =	seq.s32 s5, $0x0;
	s5 =	sld [smem:$0x3F9C]  }
0x2b: {  	s6 =	sld [smem:$0x3F9D]  }
0x2c: {  	s7 =	sld [smem:$0x3F9E]  }
0x2d: {  	s3 =	simm.s32 $0x108;
	s8 =	sld [smem:$0x3F9F]  }
0x2e: {  	s3 =	simm.s32 @!p0 $0x1082;
	s9 =	sld [smem:$0x3FA0]  }
0x2f: {  	lr =	sadd.s32 s0, s3;
	s0 =	sld [smem:$0x3F97]  }
0x30: {  	s3 =	sld [smem:$0x3F9A]  }
0x31: {  	[smem:$0x3FA3] =	sst s10  }
0x32: {  	s10 =	sld [smem:$0x3FA1];
	_ =	sdelay $0x3  }
0x33: {  	p0 =	seq.s32 s10, $0x1;
	s10 =	sld [smem:$0x3FA3];
	_ =	sdelay $0x3  }
0x34: {  	[smem:$0x3FA3] =	sst s10  }
0x35: {  	s10 =	sld [smem:$0x3FA2];
	_ =	sdelay $0x3  }
0x36: {  	p1 =	seq.s32 s10, $0x1;
	s10 =	sld [smem:$0x3FA3];
	_ =	sdelay $0x3  }
0x37: {  	[smem:$0x3FA3] =	sst s10  }
0x38: {  	s10 =	sld [smem:$0x3FA4]  }
0x39: {  	_ = 	snop;
	(pc) =	sbr.ind lr, $3  }
0x3a: {  	_ = 	snop  }
0x3b: {  	_ = 	snop  }
0x3c: {  	p2 =	seq.s32 s10, $0x1;
	s10 =	sld [smem:$0x3FA3]  }
0x3d: {  	_ =	shalt  }
0x3e: {  	_ =	shalt  }
0x3f: {  	_ =	shalt  }
0x40: {  	_ =	shalt  }
0x41: {  	_ =	shalt  }
0x42: {  	_ =	shalt  }
0x43: {  	_ =	shalt  }
0x44: {  	_ =	shalt  }
0x45: {  	_ =	shalt  }
0x46: {  	_ =	shalt  }
0x47: {  	_ =	shalt  }
0x48: {  	_ =	shalt  }
0x49: {  	_ =	shalt  }
0x4a: {  	_ =	shalt  }
0x4b: {  	_ =	shalt  }
0x4c: {  	_ =	shalt  }
0x4d: {  	_ =	shalt  }
0x4e: {  	_ =	shalt  }
0x4f: {  	_ =	shalt  }
0x50: {  	_ =	shalt  }
0x51: {  	_ =	shalt  }
0x52: {  	_ =	shalt  }
0x53: {  	_ =	shalt  }
0x54: {  	_ =	shalt  }
0x55: {  	_ =	shalt  }
0x56: {  	_ =	shalt  }
0x57: {  	_ =	shalt  }
0x58: {  	_ =	shalt  }
0x59: {  	_ =	shalt  }
0x5a: {  	_ =	shalt  }
0x5b: {  	_ =	shalt  }
0x5c: {  	_ =	shalt  }
0x5d: {  	_ =	shalt  }
0x5e: {  	_ =	shalt  }
0x5f: {  	_ =	shalt  }
0x60: {  	_ =	shalt  }
0x61: {  	_ =	shalt  }
0x62: {  	_ =	shalt  }
0x63: {  	_ =	shalt  }
0x64: {  	_ =	shalt  }
0x65: {  	_ =	shalt  }
0x66: {  	_ =	shalt  }
0x67: {  	_ =	shalt  }
0x68: {  	_ =	shalt  }
0x69: {  	_ =	shalt  }
0x6a: {  	_ =	shalt  }
0x6b: {  	_ =	shalt  }
0x6c: {  	_ =	shalt  }
0x6d: {  	_ =	shalt  }
0x6e: {  	_ =	shalt  }
0x6f: {  	_ =	shalt  }
0x70: {  	_ =	shalt  }
0x71: {  	_ =	shalt  }
0x72: {  	_ =	shalt  }
0x73: {  	_ =	shalt  }
0x74: {  	_ =	shalt  }
0x75: {  	_ =	shalt  }
0x76: {  	_ =	shalt  }
0x77: {  	_ =	shalt  }
0x78: {  	_ =	shalt  }
0x79: {  	_ =	shalt  }
0x7a: {  	_ =	shalt  }
0x7b: {  	_ =	shalt  }
0x7c: {  	_ =	shalt  }
0x7d: {  	_ =	shalt  }
0x7e: {  	_ =	shalt  }
0x7f: {  	_ =	shalt  }
0x80: {  	_ =	shalt  }
0x81: {  	_ =	shalt  }
0x82: {  	_ =	shalt  }
0x83: {  	_ =	shalt  }
0x84: {  	_ =	shalt  }
0x85: {  	_ =	shalt  }
0x86: {  	_ =	shalt  }
0x87: {  	_ =	shalt  }
.Lfunc_end0:
.L_simem_size_0:
called_computation.2_lowered:
.L_overlay_start_0:
0x88: {  	s2 =	sld [smem:$0x3FD9]  }
0x89: {  	s3 =	sld [smem:$0x3FFE];
	_ =	sdelay $0x1  }
0x8a: {  	s1 =	srdreg.scid  }
0x8b: {  	s0 =	sand.u32 $0x1, s1  }
0x8c: {  	s16 =	sshll.u32 s0, $0xA;
	s2 =	sadd.s32 s3, s2  }
0x8d: {  	s2 =	sadd.s32 s2, s16  }
0x8e: {  	[smem:$0x3FAF] =	sst s2  }
0x8f: {  	_ = 	snop  }
0x90: {  	(tm) =	ssettm $0x1  }
0x91: {  	s17 =	sld [smem:$0x3FFB];
	_ =	sdelay $0x3  }
0x92: {  	_ =	strace s17  }
0x93: {  	s2 =	sld [smem:$0x3FFC];
	_ =	sdelay $0x3  }
0x94: {  	_ =	strace s2  }
0x95: {  	s2 =	sld [smem:$0x3FFD];
	_ =	sdelay $0x3  }
0x96: {  	_ =	strace s2  }
0x97: {  	_ =	strace $0x8FFFFFFF  }
0x98: {  	s18 =	sld [smem:$0x3FDB];
	_ =	sdelay $0x1  }
0x99: {  	s19 =	simm.s32 $_scs_section_size  }
0x9a: {  	s4 =	simm.s32 $_size__tile_overlayer_lowered;
	s5 =	simm.s32 $_tile_overlayer_lowered  }
0x9b: {  	s22 =	simm.s32 $0x1BFF;
	s21 =	sshll.u32 s5, $0x1;
	s2 =	sadd.s32 s19, s18  }
0x9c: {  	s6 =	simm.s32 $0x0;
	s20 =	sshll.u32 s4, $0x1;
	s4 =	sadd.s32 s21, s2  }
0x9d: {  	[timem:s6], [sflag:s22] =	dma.local [hbm:s4], s20  }
0x9e: {  	_ =	swait.ge [sflag:s22], s20  }
0x9f: {  	s3 =	ssub.s32 $0x0, s20;
	[sflag:s22] =	ssyncset.done $0x0  }
0xa0: {  	[sflag:s22] =	ssyncadd.s32 s3;
	_ =	sdelay $0x1  }
0xa1: {  	s23 =	simm.s32 $0x1B8B  }
0xa2: {  	_ =	swait.ge [sflag:s23], $0x1  }
0xa3: {  	[sflag:s23] =	ssyncset.done $0x0  }
0xa4: {  	s25 =	simm.s32 $0x1B8E;
	s24 =	sld [smem:$0x3FFE];
	[sflag:s23] =	ssyncadd.s32 $0xFFFFFFFF  }
0xa5: {  	s26 =	simm.s32 $execute0_lowered;
	[smem:$0x3FD2] =	sst s25  }
0xa6: {  	s4 =	sshll.u32 s26, $0x1;
	_ =	strace $0x8000004C;
	[dreg:$0x1] =	wrdreg $0xFFFFFFFF  }
0xa7: {  	s28 =	simm.s32 $_size_execute0_lowered;
	s2 =	sadd.s32 s2, s4;
	[dreg:$0x0] =	wrdreg $0x0  }
0xa8: {  	s4 =	sshll.u32 s28, $0x1;
	[dreg:$0x2] =	wrdreg s2  }
0xa9: {  	[dreg:$0x3] =	wrdreg s4  }
0xaa: {  	[dreg:$0x4] =	wrdreg $0xC0  }
0xab: {  	_ =	task [dreg:s6], $0x5FFFF  }
0xac: {  	[dreg:$0x1] =	wrdreg $0xFFFFFFFF  }
0xad: {  	[dreg:$0x0] =	wrdreg $0x60  }
0xae: {  	[dreg:$0x2] =	wrdreg s24  }
0xaf: {  	[dreg:$0x3] =	wrdreg $0xA0000  }
0xb0: {  	[dreg:$0x4] =	wrdreg $0x9  }
0xb1: {  	_ =	task.clear_ibuf [dreg:s6], $0x5FFFF;
	_ =	strace $0x9000004C  }
0xb2: {  	s29 =	simm.s32 $0x9;
	_ =	strace $0x8000004E  }
0xb3: {  	_ =	swait.ge [sflag:s29], $0x1  }
0xb4: {  	[sflag:s29] =	ssyncadd.s32 $0xFFFFFFFF  }
0xb5: {  	_ =	strace $0x9000004E  }
0xb6: {  	_ =	sfence  }
0xb7: {  	s30 =	sld [smem:$0x0];
	_ =	sdelay $0x2  }
0xb8: {  	s31 =	sshll.u32 s1, $0xD;
	s1 =	sshrl.u32 s1, $0x2  }
0xb9: {  	s3 =	sand.u32 $0x4000, s31;
	s1 =	sadd.s32 s1, s30  }
0xba: {  	s0 =	sor.u32 s3, s0;
	s1 =	sshll.u32 s1, $0x11  }
0xbb: {  	s0 =	sor.u32 s1, s0  }
0xbc: {  	s0 =	sadd.s32 $0x8F2B, s0  }
0xbd: {  	[sflag:s0] =	ssyncadd.remote.s32 $0x1  }
0xbe: {  	_ =	sfence.sel $0xFFFF  }
0xbf: {  	[dreg:$0x0] =	wrdreg $0xFFFFFFFF;
	(pc) =	sbr.abs _section_cstart, $3  }
0xc0: {  	[dreg:$0x1] =	wrdreg $0xFFFFFFFF  }
0xc1: {  	_ =	task.clear_ibuf [dreg:s6], $0x2FFFF;
	_ =	strace $0x9FFFFFFF  }
0xc2: {  	(tm) =	ssettm $0x7FFFFFFF  }
0xc3: {  	_ =	shalt  }
tec
execute0_lowered:
.L_overlay_start_1:
0x0: {  	(tag) =	ssettag $0x1  }
0x1: {  	s8 =	rddreg [dreg:$0x0]  }
0x2: {  	s1 =	rddreg [dreg:$0x1]  }
0x3: {  	s0 =	rddreg [dreg:$0x2]  }
0x4: {  	s3 =	simm.s32 $0x0;
	s5 =	srdreg.scid;
	s2 =	stileid.u32  }
0x5: {  	s17 =	simm.s32 $0x3;
	s18 =	simm.s32 $0x1000;
	s19 =	simm.s32 $0x80  }
0x6: {  	s20 =	simm.s32 $0x1;
	s21 =	simm.s32 $0x6000;
	s22 =	simm.s32 $0x2  }
0x7: {  	s23 =	simm.s32 $0x1F00;
	[smem:$0x7FF] =	sst s3;
	s9 =	smul.u32 $0x50000, s2  }
0x8: {  	s4 =	sadd.s32 $0x6800, s8;
	s14 =	sand.u32 $0x1, s5;
	s13 =	smul.u32 $0x5000, s2  }
0x9: {  	s5 =	sadd.s32 $0x41A00, s8;
	s6 =	sadd.s32 $0x37A00, s8;
	s25 =	smul.u32 $0x2800, s2  }
0xa: {  	s7 =	sadd.s32 $0x2DA00, s8;
	_ =	strace $0x8000004D;
	s10 =	smul.u32 $0x28000, s14  }
0xb: {  	s11 =	ssub.s32 $0x2, s14;
	p0 =	seq.s32 s14, $0x0;
	s14 =	smov.u32 s5  }
0xc: {  	s9 =	sshrl.u32 s9, $0x2;
	s31 =	sshrl.u32 s11, $0x1;
	s14 =	smov.u32 @p0 s4  }
0xd: {  	s15 =	sadd.s32 s10, s8;
	s8 =	sadd.s32 s9, s1;
	s16 =	ssub.s32 s11, s31  }
0xe: {  	s9 =	sadd.s32 $0x4000, s8;
	s10 =	sadd.s32 $0x8000, s8;
	s11 =	sadd.s32 $0xC000, s8  }
0xf: {  	s12 =	sadd.s32 $0x10000, s8;
	s24 =	sadd.s32 $0x68C00, s15;
	s15 =	smax.u32 s16, $0x1  }
0x10: {  	v0 =	vimm.f32 $0.0e+00;
	s16 =	simm.s32 $0x2000;
	s24 =	sadd.s32 s25, s24;
	s25 =	simm.s32 $0x1F80  }
.LBB2_1:
0x11: {  	s26 =	simm.s32 $0x0;
	s28 =	simm.s32 $0x200  }
.LBB2_2:
0x12: {  	p1 =	sne.s32 s28, $0xFE00;
	[tilespmem:s26+$0x2070] =	vst v0  }
0x13: {  	[tilespmem:s26+$0x2000] =	vst v0  }
0x14: {  	[tilespmem:s26+$0x2010] =	vst v0  }
.Ltmp0:
0x15: {  	[tilespmem:s26+$0x2020] =	vst v0;
	(pc) =	sbr.rel @p1 .LBB2_2-.Ltmp0, $4  }
0x16: {  	[tilespmem:s26+$0x2030] =	vst v0  }
0x17: {  	[tilespmem:s26+$0x2040] =	vst v0  }
0x18: {  	[tilespmem:s26+$0x2050] =	vst v0  }
0x19: {  	[tilespmem:s26+$0x2060] =	vst v0;
	s26 =	sshra.s32 s28, $0x2;
	s28 =	sadd.s32 $0x200, s28  }
0x1a: {  	[tilespmem:s26+$0x2070] =	vst v0  }
0x1b: {  	[tilespmem:s26+$0x2000] =	vst v0  }
0x1c: {  	[tilespmem:s26+$0x2010] =	vst v0  }
0x1d: {  	[tilespmem:s26+$0x2020] =	vst v0  }
0x1e: {  	[tilespmem:s26+$0x2030] =	vst v0  }
0x1f: {  	[tilespmem:s26+$0x2040] =	vst v0  }
0x20: {  	[tilespmem:s26+$0x2050] =	vst v0  }
0x21: {  	[tilespmem:s26+$0x2060] =	vst v0  }
0x22: {  	[spmem:s8] =	stream.linear.scatter [tilespmem:s16], [sflag:$0x3], $0x4000, $0x38;
	[tilespmem:$0x1E000] =	vst v63  }
0x23: {  	_ =	swait.ge [sflag:s17], $0x4000  }
0x24: {  	[sflag:s17] =	ssyncset.done $0x0  }
0x25: {  	[sflag:s17] =	ssyncadd.s32 $0xFFFFC000  }
0x26: {  	[spmem:s9] =	stream.linear.scatter [tilespmem:s16], [sflag:$0x3], $0x4000, $0x38;
	[tilespmem:$0x1E000] =	vst v63  }
0x27: {  	_ =	swait.ge [sflag:s17], $0x4000  }
0x28: {  	[sflag:s17] =	ssyncset.done $0x0  }
0x29: {  	[sflag:s17] =	ssyncadd.s32 $0xFFFFC000  }
0x2a: {  	[spmem:s10] =	stream.linear.scatter [tilespmem:s16], [sflag:$0x3], $0x4000, $0x38;
	[tilespmem:$0x1E000] =	vst v63  }
0x2b: {  	_ =	swait.ge [sflag:s17], $0x4000  }
0x2c: {  	[sflag:s17] =	ssyncset.done $0x0  }
0x2d: {  	[sflag:s17] =	ssyncadd.s32 $0xFFFFC000  }
0x2e: {  	[spmem:s11] =	stream.linear.scatter [tilespmem:s16], [sflag:$0x3], $0x4000, $0x38;
	[tilespmem:$0x1E000] =	vst v63  }
0x2f: {  	_ =	swait.ge [sflag:s17], $0x4000  }
0x30: {  	[sflag:s17] =	ssyncset.done $0x0  }
0x31: {  	[sflag:s17] =	ssyncadd.s32 $0xFFFFC000  }
0x32: {  	[spmem:s12] =	stream.linear.scatter [tilespmem:s16], [sflag:$0x3], $0x4000, $0x38;
	[tilespmem:$0x1E000] =	vst v63  }
0x33: {  	_ =	swait.ge [sflag:s17], $0x4000  }
0x34: {  	[sflag:s17] =	ssyncset.done $0x0  }
0x35: {  	[sflag:s17] =	ssyncadd.s32 $0xFFFFC000  }
0x36: {  	s26 =	simm.s32 $0x0;
	s28 =	simm.s32 $0x0;
	[bflag:$0x0] =	sbarrier.arrive $0xFFFF  }
.LBB2_4:
0x37: {  	s29 =	sshll.u32 s28, $0xC  }
0x38: {  	s29 =	sadd.s32 s13, s29  }
0x39: {  	s29 =	sshrl.u32 s29, $0x3  }
0x3a: {  	s30 =	sadd.s32 s6, s29  }
0x3b: {  	[tilespmem:s26], [sflag:$0x3] =	stream.linear.gather [hbm4b:s30+s26], $0x1000, $0x38;
	[tilespmem:$0x1E000] =	vst v63  }
0x3c: {  	_ =	swait.ge [sflag:s17], $0x1000  }
0x3d: {  	[sflag:s17] =	ssyncset.done $0x0  }
0x3e: {  	s29 =	sadd.s32 s7, s29;
	[sflag:s17] =	ssyncadd.s32 $0xFFFFF000  }
0x3f: {  	[tilespmem:s18], [sflag:$0x3] =	stream.linear.gather [hbm4b:s29+s26], $0x1000, $0x38;
	[tilespmem:$0x1E000] =	vst v63  }
0x40: {  	_ =	swait.ge [sflag:s17], $0x1000  }
0x41: {  	[sflag:s17] =	ssyncset.done $0x0  }
0x42: {  	[sflag:s17] =	ssyncadd.s32 $0xFFFFF000  }
0x43: {  	[tilespmem:s16], [sflag:$0x1] =	stream.indirect.gather [hbm4b:s14+s19], $0x80, s26, s19, $0xb8;
	[tilespmem:$0x1E000] =	vst v63  }
0x44: {  	_ =	swait.ge [sflag:s20], $0x4000  }
0x45: {  	[sflag:s20] =	ssyncset.done $0x0  }
0x46: {  	s29 =	simm.s32 $0x80;
	[sflag:s20] =	ssyncadd.s32 $0xFFFFC000  }
0x47: {  	[tilespmem:s21], [sflag:$0x2] =	stream.indirect.gather [hbm4b:s14+s19], $0x80, s29, s19, $0xb8;
	[tilespmem:$0x1E000] =	vst v63  }
0x48: {  	s29 =	simm.s32 $0x1000  }
0x49: {  	[spmem:s1] =	stream.indirect.scatter.add.f32 [tilespmem:s16], [sflag:$0x3], $0x80, s29, s19, $0xb8;
	[tilespmem:$0x1E000] =	vst v63  }
0x4a: {  	_ =	swait.ge [sflag:s17], $0x4000  }
0x4b: {  	[sflag:s17] =	ssyncset.done $0x0  }
0x4c: {  	[sflag:s17] =	ssyncadd.s32 $0xFFFFC000  }
0x4d: {  	_ =	swait.ge [sflag:s22], $0x4000  }
0x4e: {  	[sflag:s22] =	ssyncset.done $0x0  }
0x4f: {  	s29 =	simm.s32 $0x100;
	[sflag:s22] =	ssyncadd.s32 $0xFFFFC000  }
0x50: {  	[tilespmem:s16], [sflag:$0x1] =	stream.indirect.gather [hbm4b:s14+s19], $0x80, s29, s19, $0xb8;
	[tilespmem:$0x1E000] =	vst v63  }
0x51: {  	s29 =	simm.s32 $0x1080  }
0x52: {  	[spmem:s1] =	stream.indirect.scatter.add.f32 [tilespmem:s21], [sflag:$0x3], $0x80, s29, s19, $0xb8;
	[tilespmem:$0x1E000] =	vst v63  }
0x53: {  	_ =	swait.ge [sflag:s17], $0x4000  }
0x54: {  	s29 =	simm.s32 $0x400;
	[sflag:s17] =	ssyncset.done $0x0  }
.LBB2_5:
0x55: {  	p1 =	sne.s32 s29, $0x3800  }
0x56: {  	[sflag:s17] =	ssyncadd.s32 $0xFFFFC000;
	s30 =	smov.u32 s29;
	s29 =	sadd.s32 $0x400, s29  }
0x57: {  	_ = 	snop  }
0x58: {  	_ =	swait.ge [sflag:s20], $0x4000  }
0x59: {  	s30 =	sshra.s32 s30, $0x2;
	[sflag:s20] =	ssyncset.done $0x0  }
0x5a: {  	s31 =	sadd.s32 $0x80, s30;
	[sflag:s20] =	ssyncadd.s32 $0xFFFFC000  }
0x5b: {  	[tilespmem:s21], [sflag:$0x2] =	stream.indirect.gather [hbm4b:s14+s19], $0x80, s31, s19, $0xb8;
	[tilespmem:$0x1E000] =	vst v63  }
0x5c: {  	s31 =	sadd.s32 $0x1000, s30  }
0x5d: {  	[spmem:s1] =	stream.indirect.scatter.add.f32 [tilespmem:s16], [sflag:$0x3], $0x80, s31, s19, $0xb8;
	[tilespmem:$0x1E000] =	vst v63  }
0x5e: {  	_ =	swait.ge [sflag:s17], $0x4000  }
0x5f: {  	[sflag:s17] =	ssyncset.done $0x0  }
0x60: {  	[sflag:s17] =	ssyncadd.s32 $0xFFFFC000  }
0x61: {  	_ =	swait.ge [sflag:s22], $0x4000  }
0x62: {  	[sflag:s22] =	ssyncset.done $0x0  }
0x63: {  	s31 =	sadd.s32 $0x100, s30;
	[sflag:s22] =	ssyncadd.s32 $0xFFFFC000  }
0x64: {  	[tilespmem:s16], [sflag:$0x1] =	stream.indirect.gather [hbm4b:s14+s19], $0x80, s31, s19, $0xb8;
	[tilespmem:$0x1E000] =	vst v63  }
.Ltmp1:
0x65: {  	_ = 	snop;
	(pc) =	sbr.rel @p1 .LBB2_5-.Ltmp1, $4  }
0x66: {  	s30 =	sadd.s32 $0x1080, s30  }
0x67: {  	[spmem:s1] =	stream.indirect.scatter.add.f32 [tilespmem:s21], [sflag:$0x3], $0x80, s30, s19, $0xb8;
	[tilespmem:$0x1E000] =	vst v63  }
0x68: {  	_ =	swait.ge [sflag:s17], $0x4000  }
0x69: {  	[sflag:s17] =	ssyncset.done $0x0  }
0x6a: {  	[sflag:s17] =	ssyncadd.s32 $0xFFFFC000  }
0x6b: {  	_ =	swait.ge [sflag:s20], $0x4000  }
0x6c: {  	s29 =	simm.s32 @p0 $0x80;
	[sflag:s20] =	ssyncset.done $0x0  }
0x6d: {  	s30 =	simm.s32 @p0 $0xF80;
	s31 =	simm.s32 @p0 $0x6000;
	[sflag:s20] =	ssyncadd.s32 $0xFFFFC000  }
0x6e: {  	[tilespmem:s31], [sflag:$0x2] =	stream.indirect.gather @p0 [hbm4b:s4+s29], $0x80, s30, s29, $0xb8;
	[tilespmem:$0x1E000] =	vst v63  }
0x6f: {  	s29 =	simm.s32 @!p0 $0x80;
	s30 =	simm.s32 @!p0 $0xF80;
	s31 =	simm.s32 @!p0 $0x6000  }
0x70: {  	[tilespmem:s31], [sflag:$0x2] =	stream.indirect.gather @!p0 [hbm4b:s5+s29], $0x80, s30, s29, $0xb8;
	[tilespmem:$0x1E000] =	vst v63  }
0x71: {  	_ = 	snop  }
0x72: {  	[spmem:s1] =	stream.indirect.scatter.add.f32 [tilespmem:s16], [sflag:$0x3], $0x80, s23, s19, $0xb8;
	[tilespmem:$0x1E000] =	vst v63  }
0x73: {  	_ =	swait.ge [sflag:s17], $0x4000  }
0x74: {  	[sflag:s17] =	ssyncset.done $0x0  }
0x75: {  	[sflag:s17] =	ssyncadd.s32 $0xFFFFC000  }
0x76: {  	s28 =	sadd.s32 $0x1, s28;
	_ =	swait.ge [sflag:s22], $0x4000  }
0x77: {  	p1 =	sne.s32 s28, $0x5;
	[sflag:s22] =	ssyncset.done $0x0  }
.Ltmp2:
0x78: {  	[sflag:s22] =	ssyncadd.s32 $0xFFFFC000;
	(pc) =	sbr.rel @p1 .LBB2_4-.Ltmp2, $4  }
0x79: {  	[spmem:s1] =	stream.indirect.scatter.add.f32 [tilespmem:s21], [sflag:$0x3], $0x80, s25, s19, $0xb8;
	[tilespmem:$0x1E000] =	vst v63  }
0x7a: {  	_ =	swait.ge [sflag:s17], $0x4000  }
0x7b: {  	[sflag:s17] =	ssyncset.done $0x0  }
0x7c: {  	[sflag:s17] =	ssyncadd.s32 $0xFFFFC000  }
0x7d: {  	s3 =	sadd.s32 $0x1, s3  }
0x7e: {  	s26 =	sshll.u32 s2, $0x6;
	[bflag:$0x0] =	sbarrier.arrive $0xFFFF;
	p1 =	sne.s32 s3, s15  }
.Ltmp3:
0x7f: {  	s28 =	sshrl.u32 s8, $0x3;
	s26 =	sor.u32 $0x1C03, s26;
	(pc) =	sbr.rel @p1 .LBB2_1-.Ltmp3, $4  }
0x80: {  	[hbm:s24], [sflag:s26] =	dma.local [spmem:s28], $0x2800  }
0x81: {  	_ =	swait.ge [sflag:s17], $0x2800  }
0x82: {  	[sflag:s17] =	ssyncset.done $0x0  }
0x83: {  	[sflag:s17] =	ssyncadd.s32 $0xFFFFD800  }
0x84: {  	_ =	sfence.sel $0x180000  }
0x85: {  	[bflag:$0x0] =	sbarrier.arrive $0xFFFF  }
0x86: {  	p0 =	sne.s32 s2, $0x0;
	_ =	strace $0x9000004D  }
0x87: {  	s0 =	sadd.s32 @!p0 $0x100000, s0;
	[bflag:$0x2] =	sbarrier.arrive $0xFFFF  }
0x88: {  	[sflag:s0] =	ssyncadd.tile.s32 @!p0 $0x1;
	_ =	shalt  }
.Lfunc_end2:
_tile_overlayer_lowered:
.L_overlay_start_2:
0x89: {  	(tag) =	ssettag $0x2  }
0x8a: {  	s0 =	rddreg [dreg:$0x0];
	s2 =	stileid.u32  }
0x8b: {  	s1 =	rddreg [dreg:$0x1];
	p0 =	sne.s32 s2, $0x0  }
0x8c: {  	s3 =	rddreg [dreg:$0x2];
	[bflag:$0x3] =	sbarrier.arrive $0xFFFF;
	s2 =	simm.s32 @!p0 $0x1C03  }
0x8d: {  	[timem:s3], [sflag:s2] =	dma.local @!p0 [hbm:s0], s1  }
0x8e: {  	s0 =	simm.s32 @!p0 $0x3  }
0x8f: {  	_ =	swait.ge @!p0 [sflag:s0], s1  }
0x90: {  	s1 =	ssub.s32 @!p0 $0x0, s1;
	[sflag:s0] =	ssyncset.done @!p0 $0x0  }
0x91: {  	[sflag:s0] =	ssyncadd.s32 @!p0 s1  }
0x92: {  	[bflag:$0x3] =	sbarrier.arrive $0xFFFF  }
0x93: {  	_ =	shalt  }

// kernel: kernel.8.cloned.1.call-start
scs
__scs_entry_jumppad:
0x0: {  	(pc) =	sbr.rel $0x88, $3  }
0x1: {  	(tag) =	ssettag $0x0;
	lr =	simm.s32 $0x1  }
0x2: {  	[smem:$0x3F88] =	sst lr;
	_ =	strace $0xD0000000  }
0x3: {  	_ = 	snop  }
0x4: {  	_ = 	snop  }
0x5: {  	_ = 	snop  }
0x6: {  	_ = 	snop  }
0x7: {  	_ = 	snop  }
__scs_overlays_trampoline_lowered:
0x8: {  	[smem:$0x3F97] =	sst s0  }
0x9: {  	[smem:$0x3F98] =	sst s1  }
0xa: {  	[smem:$0x3F99] =	sst s2  }
0xb: {  	[smem:$0x3F9A] =	sst s3  }
0xc: {  	[smem:$0x3F9B] =	sst s4  }
0xd: {  	[smem:$0x3F9C] =	sst s5  }
0xe: {  	[smem:$0x3F9D] =	sst s6  }
0xf: {  	[smem:$0x3F9E] =	sst s7  }
0x10: {  	[smem:$0x3F9F] =	sst s8  }
0x11: {  	[smem:$0x3FA0] =	sst s9;
	s0 =	simm.s32 @!p0 $0x0  }
0x12: {  	s1 =	sld [smem:$0x3F86];
	s0 =	simm.s32 @p0 $0x1  }
0x13: {  	[smem:$0x3FA1] =	sst s0;
	s0 =	simm.s32 @!p1 $0x0  }
0x14: {  	s2 =	sld [smem:$0x3F85];
	s0 =	simm.s32 @p1 $0x1  }
0x15: {  	[smem:$0x3FA2] =	sst s0;
	s0 =	simm.s32 @!p2 $0x0  }
0x16: {  	s3 =	sld [smem:$0x3FDB];
	s0 =	simm.s32 @p2 $0x1  }
0x17: {  	s4 =	simm.s32 $0x1BF5;
	[smem:$0x3FA4] =	sst s0  }
0x18: {  	s0 =	sld [smem:$0x3F87];
	_ =	swait.ge [sflag:s4], $0x0  }
0x19: {  	s7 =	sld [smem:$0x3F88]  }
0x1a: {  	s8 =	sadd.s32 $0xFFFFE003, lr  }
0x1b: {  	s9 =	sadd.s32 $0xFFFFFEF7, lr;
	s5 =	simm.s32 $0xFFFFFFFF;
	p2 =	slt.u32 s8, $0xFFFFF086  }
0x1c: {  	p1 =	slt.u32 s9, $0xF7A;
	s5 =	simm.s32 @!p2 $0x0  }
0x1d: {  	s5 =	simm.s32 @p1 $0x1;
	p0 =	seq.s32 s7, s2  }
0x1e: {  	s7 =	smul.u32 @!p0 $0xF7A, s2;
	p2 =	seq.s32 @!p0 s5, $0x0  }
0x1f: {  	s9 =	smul.u32 $0xF7A, s1;
	s8 =	simm.s32 @!p0 $0x1BF5;
	p2 =	por !p2, p0  }
0x20: {  	[sflag:s8] =	ssyncset.s32 @!p0 $0xFFFFF086;
	s6 =	sadd.s32 @!p0 s3, s7;
	s7 =	simm.s32 @!p0 $0x108  }
0x21: {  	s3 =	sadd.s32 s3, s9;
	s6 =	sadd.s32 @!p0 $0x88, s6;
	s7 =	simm.s32 @p2 $0x1082  }
0x22: {  	[simem:s7], [sflag:s8] =	dma.local @!p0 [hbm:s6], $0xF7A  }
0x23: {  	s9 =	sor.u32 $0xD0000000, s2;
	s6 =	simm.s32 $0x108;
	_ =	swait.ge @!p0 [sflag:s8], $0x0  }
0x24: {  	s3 =	sadd.s32 $0x88, s3;
	s6 =	simm.s32 @!p1 $0x1082;
	[sflag:s4] =	ssyncset.s32 $0xFFFFF086  }
0x25: {  	[simem:s6], [sflag:s4] =	dma.local [hbm:s3], $0xF7A  }
0x26: {  	[smem:$0x3F88] =	sst s1;
	(tag) =	ssettag s2;
	_ =	strace s9  }
0x27: {  	s1 =	sld [smem:$0x3F98]  }
0x28: {  	s2 =	sld [smem:$0x3F99]  }
0x29: {  	s4 =	sld [smem:$0x3F9B]  }
0x2a: {  	p0 =	seq.s32 s5, $0x0;
	s5 =	sld [smem:$0x3F9C]  }
0x2b: {  	s6 =	sld [smem:$0x3F9D]  }
0x2c: {  	s7 =	sld [smem:$0x3F9E]  }
0x2d: {  	s3 =	simm.s32 $0x108;
	s8 =	sld [smem:$0x3F9F]  }
0x2e: {  	s3 =	simm.s32 @!p0 $0x1082;
	s9 =	sld [smem:$0x3FA0]  }
0x2f: {  	lr =	sadd.s32 s0, s3;
	s0 =	sld [smem:$0x3F97]  }
0x30: {  	s3 =	sld [smem:$0x3F9A]  }
0x31: {  	[smem:$0x3FA3] =	sst s10  }
0x32: {  	s10 =	sld [smem:$0x3FA1];
	_ =	sdelay $0x3  }
0x33: {  	p0 =	seq.s32 s10, $0x1;
	s10 =	sld [smem:$0x3FA3];
	_ =	sdelay $0x3  }
0x34: {  	[smem:$0x3FA3] =	sst s10  }
0x35: {  	s10 =	sld [smem:$0x3FA2];
	_ =	sdelay $0x3  }
0x36: {  	p1 =	seq.s32 s10, $0x1;
	s10 =	sld [smem:$0x3FA3];
	_ =	sdelay $0x3  }
0x37: {  	[smem:$0x3FA3] =	sst s10  }
0x38: {  	s10 =	sld [smem:$0x3FA4]  }
0x39: {  	_ = 	snop;
	(pc) =	sbr.ind lr, $3  }
0x3a: {  	_ = 	snop  }
0x3b: {  	_ = 	snop  }
0x3c: {  	p2 =	seq.s32 s10, $0x1;
	s10 =	sld [smem:$0x3FA3]  }
0x3d: {  	_ =	shalt  }
0x3e: {  	_ =	shalt  }
0x3f: {  	_ =	shalt  }
0x40: {  	_ =	shalt  }
0x41: {  	_ =	shalt  }
0x42: {  	_ =	shalt  }
0x43: {  	_ =	shalt  }
0x44: {  	_ =	shalt  }
0x45: {  	_ =	shalt  }
0x46: {  	_ =	shalt  }
0x47: {  	_ =	shalt  }
0x48: {  	_ =	shalt  }
0x49: {  	_ =	shalt  }
0x4a: {  	_ =	shalt  }
0x4b: {  	_ =	shalt  }
0x4c: {  	_ =	shalt  }
0x4d: {  	_ =	shalt  }
0x4e: {  	_ =	shalt  }
0x4f: {  	_ =	shalt  }
0x50: {  	_ =	shalt  }
0x51: {  	_ =	shalt  }
0x52: {  	_ =	shalt  }
0x53: {  	_ =	shalt  }
0x54: {  	_ =	shalt  }
0x55: {  	_ =	shalt  }
0x56: {  	_ =	shalt  }
0x57: {  	_ =	shalt  }
0x58: {  	_ =	shalt  }
0x59: {  	_ =	shalt  }
0x5a: {  	_ =	shalt  }
0x5b: {  	_ =	shalt  }
0x5c: {  	_ =	shalt  }
0x5d: {  	_ =	shalt  }
0x5e: {  	_ =	shalt  }
0x5f: {  	_ =	shalt  }
0x60: {  	_ =	shalt  }
0x61: {  	_ =	shalt  }
0x62: {  	_ =	shalt  }
0x63: {  	_ =	shalt  }
0x64: {  	_ =	shalt  }
0x65: {  	_ =	shalt  }
0x66: {  	_ =	shalt  }
0x67: {  	_ =	shalt  }
0x68: {  	_ =	shalt  }
0x69: {  	_ =	shalt  }
0x6a: {  	_ =	shalt  }
0x6b: {  	_ =	shalt  }
0x6c: {  	_ =	shalt  }
0x6d: {  	_ =	shalt  }
0x6e: {  	_ =	shalt  }
0x6f: {  	_ =	shalt  }
0x70: {  	_ =	shalt  }
0x71: {  	_ =	shalt  }
0x72: {  	_ =	shalt  }
0x73: {  	_ =	shalt  }
0x74: {  	_ =	shalt  }
0x75: {  	_ =	shalt  }
0x76: {  	_ =	shalt  }
0x77: {  	_ =	shalt  }
0x78: {  	_ =	shalt  }
0x79: {  	_ =	shalt  }
0x7a: {  	_ =	shalt  }
0x7b: {  	_ =	shalt  }
0x7c: {  	_ =	shalt  }
0x7d: {  	_ =	shalt  }
0x7e: {  	_ =	shalt  }
0x7f: {  	_ =	shalt  }
0x80: {  	_ =	shalt  }
0x81: {  	_ =	shalt  }
0x82: {  	_ =	shalt  }
0x83: {  	_ =	shalt  }
0x84: {  	_ =	shalt  }
0x85: {  	_ =	shalt  }
0x86: {  	_ =	shalt  }
0x87: {  	_ =	shalt  }
.Lfunc_end0:
.L_simem_size_0:
called_computation_lowered:
.L_overlay_start_0:
0x88: {  	s2 =	sld [smem:$0x3FD9]  }
0x89: {  	s3 =	sld [smem:$0x3FFE];
	_ =	sdelay $0x1  }
0x8a: {  	s1 =	srdreg.scid  }
0x8b: {  	s0 =	sand.u32 $0x1, s1  }
0x8c: {  	s17 =	sshll.u32 s0, $0xA;
	s2 =	sadd.s32 s3, s2  }
0x8d: {  	s2 =	sadd.s32 s2, s17  }
0x8e: {  	[smem:$0x3FAF] =	sst s2  }
0x8f: {  	_ = 	snop  }
0x90: {  	(tm) =	ssettm $0x1  }
0x91: {  	s18 =	sld [smem:$0x3FFB];
	_ =	sdelay $0x3  }
0x92: {  	_ =	strace s18  }
0x93: {  	s2 =	sld [smem:$0x3FFC];
	_ =	sdelay $0x3  }
0x94: {  	_ =	strace s2  }
0x95: {  	s2 =	sld [smem:$0x3FFD];
	_ =	sdelay $0x3  }
0x96: {  	_ =	strace s2  }
0x97: {  	_ =	strace $0x8FFFFFFF  }
0x98: {  	s19 =	sld [smem:$0x3FDB];
	_ =	sdelay $0x1  }
0x99: {  	s20 =	simm.s32 $_scs_section_size  }
0x9a: {  	s4 =	simm.s32 $_size__tile_overlayer_lowered;
	s5 =	simm.s32 $_tile_overlayer_lowered  }
0x9b: {  	s6 =	simm.s32 $0x1BFF;
	s21 =	sshll.u32 s5, $0x1;
	s3 =	sadd.s32 s20, s19  }
0x9c: {  	s22 =	simm.s32 $0x0;
	s4 =	sshll.u32 s4, $0x1;
	s5 =	sadd.s32 s21, s3  }
0x9d: {  	[timem:s22], [sflag:s6] =	dma.local [hbm:s5], s4  }
0x9e: {  	_ =	swait.ge [sflag:s6], s4  }
0x9f: {  	s4 =	ssub.s32 $0x0, s4;
	[sflag:s6] =	ssyncset.done $0x0  }
0xa0: {  	[sflag:s6] =	ssyncadd.s32 s4;
	_ =	sdelay $0x1  }
0xa1: {  	s23 =	simm.s32 $0x1B8B  }
0xa2: {  	_ =	swait.ge [sflag:s23], $0x1  }
0xa3: {  	[sflag:s23] =	ssyncset.done $0x0  }
0xa4: {  	[sflag:s23] =	ssyncadd.s32 $0xFFFFFFFF  }
0xa5: {  	s4 =	sld [smem:$0x0]  }
0xa6: {  	s5 =	sand.u32 $0xFFFFFFFE, s1  }
0xa7: {  	p0 =	sne.s32 s1, s5  }
0xa8: {  	s5 =	sshll.u32 @p0 s5, $0xE  }
0xa9: {  	s5 =	sadd.s32 @p0 $0x11B8D, s5;
	s6 =	sshll.u32 @p0 s4, $0x11  }
0xaa: {  	s5 =	sor.u32 @p0 s6, s5  }
0xab: {  	[sflag:s5] =	ssyncadd.remote.s32 @p0 $0x1;
	_ =	sdelay $0x1  }
0xac: {  	s5 =	simm.s32 @p0 $0x1B8D  }
0xad: {  	_ =	swait.eq @p0 [sflag:s5], $0x1  }
0xae: {  	[sflag:s5] =	ssyncadd.s32 @p0 $0xFFFFFFFF  }
0xaf: {  	s6 =	sshll.u32 @!p0 s1, $0xE  }
0xb0: {  	s6 =	sor.u32 @!p0 $0x4000, s6;
	s5 =	simm.s32 @!p0 $0x1B8D  }
0xb1: {  	s4 =	sshll.u32 @!p0 s4, $0x11;
	s6 =	sadd.s32 @!p0 $0x11B8D, s6;
	_ =	swait.eq @!p0 [sflag:s5], $0x1  }
0xb2: {  	s4 =	sor.u32 @!p0 s4, s6;
	[sflag:s5] =	ssyncadd.s32 @!p0 $0xFFFFFFFF  }
0xb3: {  	s25 =	simm.s32 $0x1B8E;
	s24 =	sld [smem:$0x3FFE];
	[sflag:s4] =	ssyncadd.remote.s32 @!p0 $0x1  }
0xb4: {  	s26 =	simm.s32 $execute0_lowered;
	[smem:$0x3FD2] =	sst s25  }
0xb5: {  	s5 =	sshll.u32 s26, $0x1;
	_ =	strace $0x80000049;
	[dreg:$0x1] =	wrdreg $0xFFFFFFFF  }
0xb6: {  	s28 =	simm.s32 $_size_execute0_lowered;
	s3 =	sadd.s32 s3, s5;
	[dreg:$0x0] =	wrdreg $0x0  }
0xb7: {  	s5 =	sshll.u32 s28, $0x1;
	[dreg:$0x2] =	wrdreg s3  }
0xb8: {  	[dreg:$0x3] =	wrdreg s5  }
0xb9: {  	[dreg:$0x4] =	wrdreg $0xC0  }
0xba: {  	_ =	task [dreg:s22], $0x5FFFF  }
0xbb: {  	[dreg:$0x1] =	wrdreg $0xFFFFFFFF  }
0xbc: {  	[dreg:$0x0] =	wrdreg $0x60  }
0xbd: {  	[dreg:$0x2] =	wrdreg s24  }
0xbe: {  	[dreg:$0x3] =	wrdreg $0x88000  }
0xbf: {  	[dreg:$0x4] =	wrdreg $0x9  }
0xc0: {  	_ =	task.clear_ibuf [dreg:s22], $0x5FFFF;
	_ =	strace $0x90000049  }
0xc1: {  	s29 =	simm.s32 $0x9;
	_ =	strace $0x8000004B  }
0xc2: {  	_ =	swait.ge [sflag:s29], $0x1  }
0xc3: {  	[sflag:s29] =	ssyncadd.s32 $0xFFFFFFFF  }
0xc4: {  	_ =	strace $0x9000004B  }
0xc5: {  	_ =	sfence  }
0xc6: {  	s30 =	sld [smem:$0x0];
	_ =	sdelay $0x2  }
0xc7: {  	s31 =	sshll.u32 s1, $0xD;
	s1 =	sshrl.u32 s1, $0x2  }
0xc8: {  	s4 =	sand.u32 $0x4000, s31;
	s1 =	sadd.s32 s1, s30  }
0xc9: {  	s0 =	sor.u32 s4, s0;
	s1 =	sshll.u32 s1, $0x11  }
0xca: {  	s0 =	sor.u32 s1, s0  }
0xcb: {  	s0 =	sadd.s32 $0x8F2B, s0  }
0xcc: {  	[sflag:s0] =	ssyncadd.remote.s32 $0x1  }
0xcd: {  	_ =	sfence.sel $0xFFFF  }
0xce: {  	[dreg:$0x0] =	wrdreg $0xFFFFFFFF;
	(pc) =	sbr.abs _section_cstart, $3  }
0xcf: {  	[dreg:$0x1] =	wrdreg $0xFFFFFFFF  }
0xd0: {  	_ =	task.clear_ibuf [dreg:s22], $0x2FFFF;
	_ =	strace $0x9FFFFFFF  }
0xd1: {  	(tm) =	ssettm $0x7FFFFFFF  }
tec
execute0_lowered:
.L_overlay_start_1:
0x0: {  	(tag) =	ssettag $0x1  }
0x1: {  	s0 =	srdreg.scid;
	s1 =	rddreg [dreg:$0x0]  }
0x2: {  	s7 =	stileid.u32;
	s2 =	rddreg [dreg:$0x1];
	s3 =	simm.s32 $0x0  }
0x3: {  	s13 =	simm.s32 $0x800;
	s14 =	simm.s32 $0x1;
	s15 =	simm.s32 $0x4800  }
0x4: {  	s16 =	simm.s32 $0x80;
	s17 =	simm.s32 $0x100;
	s18 =	simm.s32 $0x180  }
0x5: {  	s19 =	simm.s32 $0x200;
	s20 =	simm.s32 $0x280;
	s21 =	simm.s32 $0x300  }
0x6: {  	s28 =	simm.s32 $0x580;
	s29 =	simm.s32 $0x600;
	s30 =	simm.s32 $0x680  }
0x7: {  	s31 =	simm.s32 $0x700;
	s0 =	sand.u32 $0x1, s0;
	s5 =	smul.u32 $0x2800, s7  }
0x8: {  	[smem:$0x7FF] =	sst s3;
	s7 =	smul.u32 $0x50000, s7;
	s22 =	sadd.s32 $0xB8C00, s1  }
0x9: {  	s4 =	smul.u32 $0x28000, s0;
	_ =	strace $0x8000004A;
	s0 =	ssub.s32 $0x2, s0  }
0xa: {  	[dreg:$0x3] =	wrdreg s22;
	s22 =	simm.s32 $0x380;
	s23 =	sshrl.u32 s0, $0x1  }
0xb: {  	s7 =	sshrl.u32 s7, $0x2;
	s6 =	sadd.s32 s5, s4;
	s4 =	sadd.s32 s4, s1  }
0xc: {  	s0 =	ssub.s32 s0, s23;
	s23 =	simm.s32 $0x400;
	s6 =	sshrl.u32 s6, $0x3  }
0xd: {  	s26 =	sadd.s32 $0xB9C00, s4;
	s11 =	smax.u32 s0, $0x1;
	s0 =	simm.s32 $0x0  }
0xe: {  	s12 =	sadd.s32 s6, s1;
	s1 =	sadd.s32 $0xB9400, s1;
	s6 =	sadd.s32 s7, s2  }
0xf: {  	[dreg:$0x4] =	wrdreg s1;
	s24 =	sadd.s32 $0x4000, s6;
	s25 =	sadd.s32 $0x8000, s6  }
0x10: {  	s9 =	sadd.s32 $0xC000, s6;
	s10 =	sadd.s32 $0x10000, s6;
	[dreg:$0x5] =	wrdreg s24  }
0x11: {  	s12 =	sadd.s32 $0x2DA00, s12;
	s1 =	simm.s32 $0x780;
	[dreg:$0x6] =	wrdreg s25  }
0x12: {  	s24 =	sadd.s32 s5, s26;
	s25 =	simm.s32 $0x480;
	s26 =	simm.s32 $0x500  }
.LBB2_1:
0x13: {  	s4 =	rddreg [dreg:$0x3]  }
0x14: {  	[tilespmem:s13], [sflag:$0x1] =	stream.linear.gather [hbm4b:s4+s3], $0x4000, $0x38;
	[tilespmem:$0xB000] =	vst v63  }
0x15: {  	_ =	swait.ge [sflag:s14], $0x4000  }
0x16: {  	[sflag:s14] =	ssyncset.done $0x0  }
0x17: {  	s8 =	rddreg [dreg:$0x4];
	[sflag:s14] =	ssyncadd.s32 $0xFFFFC000  }
0x18: {  	[tilespmem:s15], [sflag:$0x1] =	stream.linear.gather [hbm4b:s8+s3], $0x4000, $0x38;
	[tilespmem:$0xB000] =	vst v63  }
0x19: {  	_ =	swait.ge [sflag:s14], $0x4000  }
0x1a: {  	[sflag:s14] =	ssyncset.done $0x0  }
0x1b: {  	[sflag:s14] =	ssyncadd.s32 $0xFFFFC000  }
0x1c: {  	[spmem:s6] =	stream.linear.scatter [tilespmem:s15], [sflag:$0x1], $0x4000, $0x38;
	[tilespmem:$0xB000] =	vst v63  }
0x1d: {  	_ =	swait.ge [sflag:s14], $0x4000  }
0x1e: {  	[sflag:s14] =	ssyncset.done $0x0  }
0x1f: {  	s5 =	rddreg [dreg:$0x5];
	[sflag:s14] =	ssyncadd.s32 $0xFFFFC000  }
0x20: {  	[spmem:s5] =	stream.linear.scatter [tilespmem:s15], [sflag:$0x1], $0x4000, $0x38;
	[tilespmem:$0xB000] =	vst v63  }
0x21: {  	_ =	swait.ge [sflag:s14], $0x4000  }
0x22: {  	[sflag:s14] =	ssyncset.done $0x0  }
0x23: {  	s7 =	rddreg [dreg:$0x6];
	[sflag:s14] =	ssyncadd.s32 $0xFFFFC000  }
0x24: {  	[spmem:s7] =	stream.linear.scatter [tilespmem:s15], [sflag:$0x1], $0x4000, $0x38;
	[tilespmem:$0xB000] =	vst v63  }
0x25: {  	_ =	swait.ge [sflag:s14], $0x4000  }
0x26: {  	[sflag:s14] =	ssyncset.done $0x0  }
0x27: {  	[sflag:s14] =	ssyncadd.s32 $0xFFFFC000  }
0x28: {  	[spmem:s9] =	stream.linear.scatter [tilespmem:s15], [sflag:$0x1], $0x4000, $0x38;
	[tilespmem:$0xB000] =	vst v63  }
0x29: {  	_ =	swait.ge [sflag:s14], $0x4000  }
0x2a: {  	[sflag:s14] =	ssyncset.done $0x0  }
0x2b: {  	[sflag:s14] =	ssyncadd.s32 $0xFFFFC000  }
0x2c: {  	[spmem:s10] =	stream.linear.scatter [tilespmem:s15], [sflag:$0x1], $0x4000, $0x38;
	[tilespmem:$0xB000] =	vst v63  }
0x2d: {  	_ =	swait.ge [sflag:s14], $0x4000  }
0x2e: {  	[sflag:s14] =	ssyncset.done $0x0  }
0x2f: {  	[sflag:s14] =	ssyncadd.s32 $0xFFFFC000  }
0x30: {  	s8 =	sadd.s32 $0x0, s12;
	[bflag:$0x0] =	sbarrier.arrive $0xFFFF  }
0x31: {  	[tilespmem:s3], [sflag:$0x1] =	stream.linear.gather [hbm4b:s8+s3], $0x800, $0x38;
	[tilespmem:$0xB000] =	vst v63  }
0x32: {  	_ =	swait.ge [sflag:s14], $0x800  }
0x33: {  	[sflag:s14] =	ssyncset.done $0x0  }
0x34: {  	[sflag:s14] =	ssyncadd.s32 $0xFFFFF800  }
0x35: {  	[spmem:s2] =	stream.indirect.scatter.add.f32 [tilespmem:s13], [sflag:$0x1], $0x10, s3, s16, $0xb8;
	[tilespmem:$0xB000] =	vst v63  }
0x36: {  	_ =	swait.ge [sflag:s14], $0x800  }
0x37: {  	[sflag:s14] =	ssyncset.done $0x0  }
0x38: {  	[sflag:s14] =	ssyncadd.s32 $0xFFFFF800  }
0x39: {  	[spmem:s2] =	stream.indirect.scatter.add.f32 [tilespmem:s13], [sflag:$0x1], $0x10, s16, s16, $0xb8;
	[tilespmem:$0xB000] =	vst v63  }
0x3a: {  	_ =	swait.ge [sflag:s14], $0x800  }
0x3b: {  	[sflag:s14] =	ssyncset.done $0x0  }
0x3c: {  	[sflag:s14] =	ssyncadd.s32 $0xFFFFF800  }
0x3d: {  	[spmem:s2] =	stream.indirect.scatter.add.f32 [tilespmem:s13], [sflag:$0x1], $0x10, s17, s16, $0xb8;
	[tilespmem:$0xB000] =	vst v63  }
0x3e: {  	_ =	swait.ge [sflag:s14], $0x800  }
0x3f: {  	[sflag:s14] =	ssyncset.done $0x0  }
0x40: {  	[sflag:s14] =	ssyncadd.s32 $0xFFFFF800  }
0x41: {  	[spmem:s2] =	stream.indirect.scatter.add.f32 [tilespmem:s13], [sflag:$0x1], $0x10, s18, s16, $0xb8;
	[tilespmem:$0xB000] =	vst v63  }
0x42: {  	_ =	swait.ge [sflag:s14], $0x800  }
0x43: {  	[sflag:s14] =	ssyncset.done $0x0  }
0x44: {  	[sflag:s14] =	ssyncadd.s32 $0xFFFFF800  }
0x45: {  	[spmem:s2] =	stream.indirect.scatter.add.f32 [tilespmem:s13], [sflag:$0x1], $0x10, s19, s16, $0xb8;
	[tilespmem:$0xB000] =	vst v63  }
0x46: {  	_ =	swait.ge [sflag:s14], $0x800  }
0x47: {  	[sflag:s14] =	ssyncset.done $0x0  }
0x48: {  	[sflag:s14] =	ssyncadd.s32 $0xFFFFF800  }
0x49: {  	[spmem:s2] =	stream.indirect.scatter.add.f32 [tilespmem:s13], [sflag:$0x1], $0x10, s20, s16, $0xb8;
	[tilespmem:$0xB000] =	vst v63  }
0x4a: {  	_ =	swait.ge [sflag:s14], $0x800  }
0x4b: {  	[sflag:s14] =	ssyncset.done $0x0  }
0x4c: {  	[sflag:s14] =	ssyncadd.s32 $0xFFFFF800  }
0x4d: {  	[spmem:s2] =	stream.indirect.scatter.add.f32 [tilespmem:s13], [sflag:$0x1], $0x10, s21, s16, $0xb8;
	[tilespmem:$0xB000] =	vst v63  }
0x4e: {  	_ =	swait.ge [sflag:s14], $0x800  }
0x4f: {  	[sflag:s14] =	ssyncset.done $0x0  }
0x50: {  	[sflag:s14] =	ssyncadd.s32 $0xFFFFF800  }
0x51: {  	[spmem:s2] =	stream.indirect.scatter.add.f32 [tilespmem:s13], [sflag:$0x1], $0x10, s22, s16, $0xb8;
	[tilespmem:$0xB000] =	vst v63  }
0x52: {  	_ =	swait.ge [sflag:s14], $0x800  }
0x53: {  	[sflag:s14] =	ssyncset.done $0x0  }
0x54: {  	[sflag:s14] =	ssyncadd.s32 $0xFFFFF800  }
0x55: {  	[spmem:s2] =	stream.indirect.scatter.add.f32 [tilespmem:s13], [sflag:$0x1], $0x10, s23, s16, $0xb8;
	[tilespmem:$0xB000] =	vst v63  }
0x56: {  	_ =	swait.ge [sflag:s14], $0x800  }
0x57: {  	[sflag:s14] =	ssyncset.done $0x0  }
0x58: {  	[sflag:s14] =	ssyncadd.s32 $0xFFFFF800  }
0x59: {  	[spmem:s2] =	stream.indirect.scatter.add.f32 [tilespmem:s13], [sflag:$0x1], $0x10, s25, s16, $0xb8;
	[tilespmem:$0xB000] =	vst v63  }
0x5a: {  	_ =	swait.ge [sflag:s14], $0x800  }
0x5b: {  	[sflag:s14] =	ssyncset.done $0x0  }
0x5c: {  	[sflag:s14] =	ssyncadd.s32 $0xFFFFF800  }
0x5d: {  	[spmem:s2] =	stream.indirect.scatter.add.f32 [tilespmem:s13], [sflag:$0x1], $0x10, s26, s16, $0xb8;
	[tilespmem:$0xB000] =	vst v63  }
0x5e: {  	_ =	swait.ge [sflag:s14], $0x800  }
0x5f: {  	[sflag:s14] =	ssyncset.done $0x0  }
0x60: {  	[sflag:s14] =	ssyncadd.s32 $0xFFFFF800  }
0x61: {  	[spmem:s2] =	stream.indirect.scatter.add.f32 [tilespmem:s13], [sflag:$0x1], $0x10, s28, s16, $0xb8;
	[tilespmem:$0xB000] =	vst v63  }
0x62: {  	_ =	swait.ge [sflag:s14], $0x800  }
0x63: {  	[sflag:s14] =	ssyncset.done $0x0  }
0x64: {  	[sflag:s14] =	ssyncadd.s32 $0xFFFFF800  }
0x65: {  	[spmem:s2] =	stream.indirect.scatter.add.f32 [tilespmem:s13], [sflag:$0x1], $0x10, s29, s16, $0xb8;
	[tilespmem:$0xB000] =	vst v63  }
0x66: {  	_ =	swait.ge [sflag:s14], $0x800  }
0x67: {  	[sflag:s14] =	ssyncset.done $0x0  }
0x68: {  	[sflag:s14] =	ssyncadd.s32 $0xFFFFF800  }
0x69: {  	[spmem:s2] =	stream.indirect.scatter.add.f32 [tilespmem:s13], [sflag:$0x1], $0x10, s30, s16, $0xb8;
	[tilespmem:$0xB000] =	vst v63  }
0x6a: {  	_ =	swait.ge [sflag:s14], $0x800  }
0x6b: {  	[sflag:s14] =	ssyncset.done $0x0  }
0x6c: {  	[sflag:s14] =	ssyncadd.s32 $0xFFFFF800  }
0x6d: {  	[spmem:s2] =	stream.indirect.scatter.add.f32 [tilespmem:s13], [sflag:$0x1], $0x10, s31, s16, $0xb8;
	[tilespmem:$0xB000] =	vst v63  }
0x6e: {  	_ =	swait.ge [sflag:s14], $0x800  }
0x6f: {  	[sflag:s14] =	ssyncset.done $0x0  }
0x70: {  	[sflag:s14] =	ssyncadd.s32 $0xFFFFF800  }
0x71: {  	[spmem:s2] =	stream.indirect.scatter.add.f32 [tilespmem:s13], [sflag:$0x1], $0x10, s1, s16, $0xb8;
	[tilespmem:$0xB000] =	vst v63  }
0x72: {  	_ =	swait.ge [sflag:s14], $0x800  }
0x73: {  	s4 =	simm.s32 $0x100;
	s5 =	simm.s32 $0x200;
	[sflag:s14] =	ssyncset.done $0x0  }
.LBB2_2:
0x74: {  	s8 =	sadd.s32 s4, s12  }
0x75: {  	[sflag:s14] =	ssyncadd.s32 $0xFFFFF800;
	s4 =	smov.u32 s5;
	s7 =	sadd.s32 $0x100, s5  }
0x76: {  	[tilespmem:s3], [sflag:$0x1] =	stream.linear.gather [hbm4b:s8+s3], $0x800, $0x38;
	[tilespmem:$0xB000] =	vst v63  }
0x77: {  	p0 =	sne.s32 s5, $0x400;
	_ =	swait.ge [sflag:s14], $0x800  }
0x78: {  	[sflag:s14] =	ssyncset.done $0x0  }
0x79: {  	[sflag:s14] =	ssyncadd.s32 $0xFFFFF800  }
0x7a: {  	[spmem:s2] =	stream.indirect.scatter.add.f32 [tilespmem:s13], [sflag:$0x1], $0x10, s3, s16, $0xb8;
	[tilespmem:$0xB000] =	vst v63  }
0x7b: {  	_ =	swait.ge [sflag:s14], $0x800  }
0x7c: {  	[sflag:s14] =	ssyncset.done $0x0  }
0x7d: {  	[sflag:s14] =	ssyncadd.s32 $0xFFFFF800  }
0x7e: {  	[spmem:s2] =	stream.indirect.scatter.add.f32 [tilespmem:s13], [sflag:$0x1], $0x10, s16, s16, $0xb8;
	[tilespmem:$0xB000] =	vst v63  }
0x7f: {  	_ =	swait.ge [sflag:s14], $0x800  }
0x80: {  	[sflag:s14] =	ssyncset.done $0x0  }
0x81: {  	[sflag:s14] =	ssyncadd.s32 $0xFFFFF800  }
0x82: {  	[spmem:s2] =	stream.indirect.scatter.add.f32 [tilespmem:s13], [sflag:$0x1], $0x10, s17, s16, $0xb8;
	[tilespmem:$0xB000] =	vst v63  }
0x83: {  	_ =	swait.ge [sflag:s14], $0x800  }
0x84: {  	[sflag:s14] =	ssyncset.done $0x0  }
0x85: {  	[sflag:s14] =	ssyncadd.s32 $0xFFFFF800  }
0x86: {  	[spmem:s2] =	stream.indirect.scatter.add.f32 [tilespmem:s13], [sflag:$0x1], $0x10, s18, s16, $0xb8;
	[tilespmem:$0xB000] =	vst v63  }
0x87: {  	_ =	swait.ge [sflag:s14], $0x800  }
0x88: {  	[sflag:s14] =	ssyncset.done $0x0  }
0x89: {  	[sflag:s14] =	ssyncadd.s32 $0xFFFFF800  }
0x8a: {  	[spmem:s2] =	stream.indirect.scatter.add.f32 [tilespmem:s13], [sflag:$0x1], $0x10, s19, s16, $0xb8;
	[tilespmem:$0xB000] =	vst v63  }
0x8b: {  	_ =	swait.ge [sflag:s14], $0x800  }
0x8c: {  	[sflag:s14] =	ssyncset.done $0x0  }
0x8d: {  	[sflag:s14] =	ssyncadd.s32 $0xFFFFF800  }
0x8e: {  	[spmem:s2] =	stream.indirect.scatter.add.f32 [tilespmem:s13], [sflag:$0x1], $0x10, s20, s16, $0xb8;
	[tilespmem:$0xB000] =	vst v63  }
0x8f: {  	_ =	swait.ge [sflag:s14], $0x800  }
0x90: {  	[sflag:s14] =	ssyncset.done $0x0  }
0x91: {  	[sflag:s14] =	ssyncadd.s32 $0xFFFFF800  }
0x92: {  	[spmem:s2] =	stream.indirect.scatter.add.f32 [tilespmem:s13], [sflag:$0x1], $0x10, s21, s16, $0xb8;
	[tilespmem:$0xB000] =	vst v63  }
0x93: {  	_ =	swait.ge [sflag:s14], $0x800  }
0x94: {  	[sflag:s14] =	ssyncset.done $0x0  }
0x95: {  	[sflag:s14] =	ssyncadd.s32 $0xFFFFF800  }
0x96: {  	[spmem:s2] =	stream.indirect.scatter.add.f32 [tilespmem:s13], [sflag:$0x1], $0x10, s22, s16, $0xb8;
	[tilespmem:$0xB000] =	vst v63  }
0x97: {  	_ =	swait.ge [sflag:s14], $0x800  }
0x98: {  	[sflag:s14] =	ssyncset.done $0x0  }
0x99: {  	[sflag:s14] =	ssyncadd.s32 $0xFFFFF800  }
0x9a: {  	[spmem:s2] =	stream.indirect.scatter.add.f32 [tilespmem:s13], [sflag:$0x1], $0x10, s23, s16, $0xb8;
	[tilespmem:$0xB000] =	vst v63  }
0x9b: {  	_ =	swait.ge [sflag:s14], $0x800  }
0x9c: {  	[sflag:s14] =	ssyncset.done $0x0  }
0x9d: {  	[sflag:s14] =	ssyncadd.s32 $0xFFFFF800  }
0x9e: {  	[spmem:s2] =	stream.indirect.scatter.add.f32 [tilespmem:s13], [sflag:$0x1], $0x10, s25, s16, $0xb8;
	[tilespmem:$0xB000] =	vst v63  }
0x9f: {  	_ =	swait.ge [sflag:s14], $0x800  }
0xa0: {  	[sflag:s14] =	ssyncset.done $0x0  }
0xa1: {  	[sflag:s14] =	ssyncadd.s32 $0xFFFFF800  }
0xa2: {  	[spmem:s2] =	stream.indirect.scatter.add.f32 [tilespmem:s13], [sflag:$0x1], $0x10, s26, s16, $0xb8;
	[tilespmem:$0xB000] =	vst v63  }
0xa3: {  	_ =	swait.ge [sflag:s14], $0x800  }
0xa4: {  	[sflag:s14] =	ssyncset.done $0x0  }
0xa5: {  	[sflag:s14] =	ssyncadd.s32 $0xFFFFF800  }
0xa6: {  	[spmem:s2] =	stream.indirect.scatter.add.f32 [tilespmem:s13], [sflag:$0x1], $0x10, s28, s16, $0xb8;
	[tilespmem:$0xB000] =	vst v63  }
0xa7: {  	_ =	swait.ge [sflag:s14], $0x800  }
0xa8: {  	[sflag:s14] =	ssyncset.done $0x0  }
0xa9: {  	[sflag:s14] =	ssyncadd.s32 $0xFFFFF800  }
0xaa: {  	[spmem:s2] =	stream.indirect.scatter.add.f32 [tilespmem:s13], [sflag:$0x1], $0x10, s29, s16, $0xb8;
	[tilespmem:$0xB000] =	vst v63  }
0xab: {  	_ =	swait.ge [sflag:s14], $0x800  }
0xac: {  	[sflag:s14] =	ssyncset.done $0x0  }
0xad: {  	[sflag:s14] =	ssyncadd.s32 $0xFFFFF800  }
0xae: {  	[spmem:s2] =	stream.indirect.scatter.add.f32 [tilespmem:s13], [sflag:$0x1], $0x10, s30, s16, $0xb8;
	[tilespmem:$0xB000] =	vst v63  }
0xaf: {  	_ =	swait.ge [sflag:s14], $0x800  }
0xb0: {  	[sflag:s14] =	ssyncset.done $0x0  }
0xb1: {  	[sflag:s14] =	ssyncadd.s32 $0xFFFFF800  }
0xb2: {  	[spmem:s2] =	stream.indirect.scatter.add.f32 [tilespmem:s13], [sflag:$0x1], $0x10, s31, s16, $0xb8;
	[tilespmem:$0xB000] =	vst v63  }
0xb3: {  	_ =	swait.ge [sflag:s14], $0x800  }
.Ltmp0:
0xb4: {  	[sflag:s14] =	ssyncset.done $0x0;
	(pc) =	sbr.rel @p0 .LBB2_2-.Ltmp0, $4  }
0xb5: {  	[sflag:s14] =	ssyncadd.s32 $0xFFFFF800  }
0xb6: {  	[spmem:s2] =	stream.indirect.scatter.add.f32 [tilespmem:s13], [sflag:$0x1], $0x10, s1, s16, $0xb8;
	[tilespmem:$0xB000] =	vst v63  }
0xb7: {  	_ =	swait.ge [sflag:s14], $0x800  }
0xb8: {  	s5 =	smov.u32 s7;
	[sflag:s14] =	ssyncset.done $0x0  }
0xb9: {  	s4 =	sadd.s32 s4, s12;
	[sflag:s14] =	ssyncadd.s32 $0xFFFFF800  }
0xba: {  	[tilespmem:s3], [sflag:$0x1] =	stream.linear.gather [hbm4b:s4+s3], $0x800, $0x38;
	[tilespmem:$0xB000] =	vst v63  }
0xbb: {  	_ =	swait.ge [sflag:s14], $0x800  }
0xbc: {  	[sflag:s14] =	ssyncset.done $0x0  }
0xbd: {  	[sflag:s14] =	ssyncadd.s32 $0xFFFFF800  }
0xbe: {  	[spmem:s2] =	stream.indirect.scatter.add.f32 [tilespmem:s13], [sflag:$0x1], $0x10, s3, s16, $0xb8;
	[tilespmem:$0xB000] =	vst v63  }
0xbf: {  	_ =	swait.ge [sflag:s14], $0x800  }
0xc0: {  	[sflag:s14] =	ssyncset.done $0x0  }
0xc1: {  	[sflag:s14] =	ssyncadd.s32 $0xFFFFF800  }
0xc2: {  	[spmem:s2] =	stream.indirect.scatter.add.f32 [tilespmem:s13], [sflag:$0x1], $0x10, s16, s16, $0xb8;
	[tilespmem:$0xB000] =	vst v63  }
0xc3: {  	_ =	swait.ge [sflag:s14], $0x800  }
0xc4: {  	[sflag:s14] =	ssyncset.done $0x0  }
0xc5: {  	[sflag:s14] =	ssyncadd.s32 $0xFFFFF800  }
0xc6: {  	[spmem:s2] =	stream.indirect.scatter.add.f32 [tilespmem:s13], [sflag:$0x1], $0x10, s17, s16, $0xb8;
	[tilespmem:$0xB000] =	vst v63  }
0xc7: {  	_ =	swait.ge [sflag:s14], $0x800  }
0xc8: {  	[sflag:s14] =	ssyncset.done $0x0  }
0xc9: {  	[sflag:s14] =	ssyncadd.s32 $0xFFFFF800  }
0xca: {  	[spmem:s2] =	stream.indirect.scatter.add.f32 [tilespmem:s13], [sflag:$0x1], $0x10, s18, s16, $0xb8;
	[tilespmem:$0xB000] =	vst v63  }
0xcb: {  	_ =	swait.ge [sflag:s14], $0x800  }
0xcc: {  	[sflag:s14] =	ssyncset.done $0x0  }
0xcd: {  	[sflag:s14] =	ssyncadd.s32 $0xFFFFF800  }
0xce: {  	[spmem:s2] =	stream.indirect.scatter.add.f32 [tilespmem:s13], [sflag:$0x1], $0x10, s19, s16, $0xb8;
	[tilespmem:$0xB000] =	vst v63  }
0xcf: {  	_ =	swait.ge [sflag:s14], $0x800  }
0xd0: {  	[sflag:s14] =	ssyncset.done $0x0  }
0xd1: {  	[sflag:s14] =	ssyncadd.s32 $0xFFFFF800  }
0xd2: {  	[spmem:s2] =	stream.indirect.scatter.add.f32 [tilespmem:s13], [sflag:$0x1], $0x10, s20, s16, $0xb8;
	[tilespmem:$0xB000] =	vst v63  }
0xd3: {  	_ =	swait.ge [sflag:s14], $0x800  }
0xd4: {  	[sflag:s14] =	ssyncset.done $0x0  }
0xd5: {  	[sflag:s14] =	ssyncadd.s32 $0xFFFFF800  }
0xd6: {  	[spmem:s2] =	stream.indirect.scatter.add.f32 [tilespmem:s13], [sflag:$0x1], $0x10, s21, s16, $0xb8;
	[tilespmem:$0xB000] =	vst v63  }
0xd7: {  	_ =	swait.ge [sflag:s14], $0x800  }
0xd8: {  	[sflag:s14] =	ssyncset.done $0x0  }
0xd9: {  	[sflag:s14] =	ssyncadd.s32 $0xFFFFF800  }
0xda: {  	[spmem:s2] =	stream.indirect.scatter.add.f32 [tilespmem:s13], [sflag:$0x1], $0x10, s22, s16, $0xb8;
	[tilespmem:$0xB000] =	vst v63  }
0xdb: {  	_ =	swait.ge [sflag:s14], $0x800  }
0xdc: {  	[sflag:s14] =	ssyncset.done $0x0  }
0xdd: {  	[sflag:s14] =	ssyncadd.s32 $0xFFFFF800  }
0xde: {  	[spmem:s2] =	stream.indirect.scatter.add.f32 [tilespmem:s13], [sflag:$0x1], $0x10, s23, s16, $0xb8;
	[tilespmem:$0xB000] =	vst v63  }
0xdf: {  	_ =	swait.ge [sflag:s14], $0x800  }
0xe0: {  	[sflag:s14] =	ssyncset.done $0x0  }
0xe1: {  	[sflag:s14] =	ssyncadd.s32 $0xFFFFF800  }
0xe2: {  	[spmem:s2] =	stream.indirect.scatter.add.f32 [tilespmem:s13], [sflag:$0x1], $0x10, s25, s16, $0xb8;
	[tilespmem:$0xB000] =	vst v63  }
0xe3: {  	_ =	swait.ge [sflag:s14], $0x800  }
0xe4: {  	[sflag:s14] =	ssyncset.done $0x0  }
0xe5: {  	[sflag:s14] =	ssyncadd.s32 $0xFFFFF800  }
0xe6: {  	[spmem:s2] =	stream.indirect.scatter.add.f32 [tilespmem:s13], [sflag:$0x1], $0x10, s26, s16, $0xb8;
	[tilespmem:$0xB000] =	vst v63  }
0xe7: {  	_ =	swait.ge [sflag:s14], $0x800  }
0xe8: {  	[sflag:s14] =	ssyncset.done $0x0  }
0xe9: {  	[sflag:s14] =	ssyncadd.s32 $0xFFFFF800  }
0xea: {  	[spmem:s2] =	stream.indirect.scatter.add.f32 [tilespmem:s13], [sflag:$0x1], $0x10, s28, s16, $0xb8;
	[tilespmem:$0xB000] =	vst v63  }
0xeb: {  	_ =	swait.ge [sflag:s14], $0x800  }
0xec: {  	[sflag:s14] =	ssyncset.done $0x0  }
0xed: {  	[sflag:s14] =	ssyncadd.s32 $0xFFFFF800  }
0xee: {  	[spmem:s2] =	stream.indirect.scatter.add.f32 [tilespmem:s13], [sflag:$0x1], $0x10, s29, s16, $0xb8;
	[tilespmem:$0xB000] =	vst v63  }
0xef: {  	_ =	swait.ge [sflag:s14], $0x800  }
0xf0: {  	[sflag:s14] =	ssyncset.done $0x0  }
0xf1: {  	[sflag:s14] =	ssyncadd.s32 $0xFFFFF800  }
0xf2: {  	[spmem:s2] =	stream.indirect.scatter.add.f32 [tilespmem:s13], [sflag:$0x1], $0x10, s30, s16, $0xb8;
	[tilespmem:$0xB000] =	vst v63  }
0xf3: {  	_ =	swait.ge [sflag:s14], $0x800  }
0xf4: {  	[sflag:s14] =	ssyncset.done $0x0  }
0xf5: {  	[sflag:s14] =	ssyncadd.s32 $0xFFFFF800  }
0xf6: {  	[spmem:s2] =	stream.indirect.scatter.add.f32 [tilespmem:s13], [sflag:$0x1], $0x10, s31, s16, $0xb8;
	[tilespmem:$0xB000] =	vst v63  }
0xf7: {  	_ =	swait.ge [sflag:s14], $0x800  }
0xf8: {  	[sflag:s14] =	ssyncset.done $0x0  }
0xf9: {  	[sflag:s14] =	ssyncadd.s32 $0xFFFFF800  }
0xfa: {  	[spmem:s2] =	stream.indirect.scatter.add.f32 [tilespmem:s13], [sflag:$0x1], $0x10, s1, s16, $0xb8;
	[tilespmem:$0xB000] =	vst v63  }
0xfb: {  	s8 =	stileid.u32;
	_ =	swait.ge [sflag:s14], $0x800  }
0xfc: {  	s5 =	sshrl.u32 s6, $0x3;
	s0 =	sadd.s32 $0x1, s0;
	[sflag:s14] =	ssyncset.done $0x0  }
0xfd: {  	s4 =	sshll.u32 s8, $0x6;
	p0 =	sne.s32 s0, s11;
	[sflag:s14] =	ssyncadd.s32 $0xFFFFF800  }
.Ltmp1:
0xfe: {  	s4 =	sor.u32 $0x1C01, s4;
	[bflag:$0x0] =	sbarrier.arrive $0xFFFF;
	(pc) =	sbr.rel @p0 .LBB2_1-.Ltmp1, $4  }
0xff: {  	[hbm:s24], [sflag:s4] =	dma.local [spmem:s5], $0x2800  }
0x100: {  	_ =	swait.ge [sflag:s14], $0x2800  }
0x101: {  	[sflag:s14] =	ssyncset.done $0x0  }
0x102: {  	[sflag:s14] =	ssyncadd.s32 $0xFFFFD800  }
0x103: {  	_ =	sfence.sel $0x180000  }
0x104: {  	[bflag:$0x0] =	sbarrier.arrive $0xFFFF  }
0x105: {  	_ =	strace $0x9000004A  }
0x106: {  	s0 =	stileid.u32;
	[bflag:$0x2] =	sbarrier.arrive $0xFFFF  }
0x107: {  	p0 =	sne.s32 s0, $0x0;
	s0 =	rddreg [dreg:$0x2]  }
0x108: {  	s0 =	sadd.s32 @!p0 $0x100000, s0  }
0x109: {  	[sflag:s0] =	ssyncadd.tile.s32 @!p0 $0x1;
	_ =	shalt  }
.Lfunc_end2:
_tile_overlayer_lowered:
.L_overlay_start_2:
0x10a: {  	(tag) =	ssettag $0x2  }
0x10b: {  	s0 =	rddreg [dreg:$0x0];
	s2 =	stileid.u32  }
0x10c: {  	s1 =	rddreg [dreg:$0x1];
	p0 =	sne.s32 s2, $0x0  }
0x10d: {  	s3 =	rddreg [dreg:$0x2];
	[bflag:$0x3] =	sbarrier.arrive $0xFFFF;
	s2 =	simm.s32 @!p0 $0x1C01  }
0x10e: {  	[timem:s3], [sflag:s2] =	dma.local @!p0 [hbm:s0], s1  }
0x10f: {  	s0 =	simm.s32 @!p0 $0x1  }
0x110: {  	_ =	swait.ge @!p0 [sflag:s0], s1  }
0x111: {  	s1 =	ssub.s32 @!p0 $0x0, s1;
	[sflag:s0] =	ssyncset.done @!p0 $0x0  }
0x112: {  	[sflag:s0] =	ssyncadd.s32 @!p0 s1  }
0x113: {  	[bflag:$0x3] =	sbarrier.arrive $0xFFFF  }
0x114: {  	_ =	shalt  }

</sc_bundles>
